<compile_context>
chip_gen: v7x
topology: tpu7x:2x2x1
jax: 0.10.2.dev20260603
libtpu: 0.0.44.dev20260713+nightly
codegen_flags: <defaults>
</compile_context>

<pallas_src>
import jax
import jax.numpy as jnp
from jax import lax
from jax.experimental import pallas as pl
from jax.experimental.pallas import tpu as pltpu, tpu_sc as plsc

RADIUS = 4
NUM_LEVELS = 4
K = 2 * RADIUS + 1

NC, NS, L = 2, 16, 16
NW = NC * NS

B, H, W = 8, 128, 160
HW = H * W
N = B * HW
PIX_PER_W = N // NW
CHUNK = 128
NCHUNK = PIX_PER_W // CHUNK
GRP = CHUNK // L
ROWS_BLK = 8
CH_PER_BLK = ROWS_BLK * W // CHUNK
WLS = [W >> l for l in range(NUM_LEVELS)]
XT3 = [wl // 8 for wl in WLS[:3]]


def _body(cc_hbm, c0, c1, c2, c3, out_hbm,
          ccbuf,
          w0a, w1a, w2a, w3a, w0b, w1b, w2b, w3b,
          outT, sga, sgb, so):
    corrs = [c0, c1, c2, c3]
    wins = [[w0a, w1a, w2a, w3a], [w0b, w1b, w2b, w3b]]
    gsems = [sga, sgb]

    wid = lax.axis_index("s") * NC + lax.axis_index("c")
    b = wid // 4
    h0 = (wid % 4) * (H // 4)
    nblk0 = wid * NCHUNK

    pltpu.sync_copy(cc_hbm.at[b, 0, :, :, pl.ds(h0, H // 4)], ccbuf)

    lane = lax.iota(jnp.int32, L)

    def level_copies(jc, par):
        nblk = nblk0 + jc
        return [pltpu.make_async_copy(
                    corrs[l].at[:, nblk], wins[par][l], gsems[par])
                for l in range(NUM_LEVELS)]

    def fire_levels(jc, par):
        for cp in level_copies(jc, par):
            cp.start()

    def wait_levels(jc, par):
        for cp in level_copies(jc, par):
            cp.wait()

    def out_copy(blk):
        return pltpu.make_async_copy(
            outT, out_hbm.at[b, :, :, pl.ds(h0 + blk * ROWS_BLK, ROWS_BLK)],
            so)

    def pass2(jc, par):
        def g_body(g, carry):
            off16 = g * L
            nvec = off16 + lane
            p0 = jc * CHUNK + off16
            w0 = p0 % W
            dh = (p0 // W) % ROWS_BLK
            wvec = w0 + lane
            zero = 0 * lane
            cc = plsc.load_gather(ccbuf, [wvec >> 3, wvec & 7,
                                          (p0 // W) + zero])
            dhv = dh + zero
            for l in range(NUM_LEVELS):
                wl = WLS[l]
                c = cc * (0.5 ** l)
                i = c.astype(jnp.int32)
                frac = c - i.astype(jnp.float32)
                omf = 1.0 - frac
                base = i - RADIUS
                vs = []
                for m in range(K + 1):
                    x = base + m
                    if m < RADIUS:
                        xc = jnp.maximum(x, 0)
                    elif m > RADIUS:
                        xc = jnp.minimum(x, wl - 1)
                    else:
                        xc = x
                    v = plsc.load_gather(wins[par][l],
                                         [xc >> 3, xc & 7, nvec])
                    if m < RADIUS:
                        v = jnp.where(x >= 0, v, 0.0)
                    elif m > RADIUS:
                        v = jnp.where(x < wl, v, 0.0)
                    vs.append(v)
                for k in range(K):
                    ch = l * K + k
                    plsc.store_scatter(outT, [ch + zero, wvec, dhv],
                                       vs[k] * omf + vs[k + 1] * frac)
            return carry
        lax.fori_loop(0, GRP, g_body, 0)

    fire_levels(0, 0)

    def pair_body(jj, carry):
        j0 = 2 * jj
        fire_levels(j0 + 1, 1)
        wait_levels(j0, 0)

        @pl.when((jj % (CH_PER_BLK // 2) == 0) & (jj >= CH_PER_BLK // 2))
        def _():
            out_copy(j0 // CH_PER_BLK - 1).wait()
        pass2(j0, 0)

        @pl.when(jj < NCHUNK // 2 - 1)
        def _():
            fire_levels(j0 + 2, 0)
        wait_levels(j0 + 1, 1)
        pass2(j0 + 1, 1)

        @pl.when(jj % (CH_PER_BLK // 2) == CH_PER_BLK // 2 - 1)
        def _():
            out_copy(j0 // CH_PER_BLK).start()
        return carry

    lax.fori_loop(0, NCHUNK // 2, pair_body, 0)
    out_copy(NCHUNK // CH_PER_BLK - 1).wait()


@jax.jit
def kernel(centroids_coords, corr_pyramid_0, corr_pyramid_1, corr_pyramid_2,
           corr_pyramid_3):
    cc6 = centroids_coords.transpose(0, 1, 3, 2).reshape(B, 2, W // 8, 8, H)
    corr4d = []
    for corr, wl in zip((corr_pyramid_0, corr_pyramid_1, corr_pyramid_2),
                        WLS[:3]):
        t = corr.reshape(N, wl).transpose(1, 0)
        corr4d.append(
            t.reshape(wl // 8, 8, N // CHUNK, CHUNK).transpose(0, 2, 1, 3))
    t3 = corr_pyramid_3.reshape(N, WLS[3]).transpose(1, 0)
    c3 = jnp.pad(t3, ((0, 4), (0, 0))).reshape(
        3, 8, N // CHUNK, CHUNK).transpose(0, 2, 1, 3)

    mesh = plsc.VectorSubcoreMesh(core_axis_name="c", subcore_axis_name="s")
    scratch = (
        [pltpu.VMEM((W // 8, 8, H // 4), jnp.float32)]
        + [pltpu.VMEM(shp, jnp.float32) for _ in range(2)
           for shp in [(XT3[0], 8, CHUNK), (XT3[1], 8, CHUNK),
                       (XT3[2], 8, CHUNK), (3, 8, CHUNK)]]
        + [pltpu.VMEM((NUM_LEVELS * K, W, ROWS_BLK), jnp.float32)]
        + [pltpu.SemaphoreType.DMA for _ in range(3)]
    )
    out = pl.kernel(
        _body,
        out_type=jax.ShapeDtypeStruct((B, NUM_LEVELS * K, W, H), jnp.float32),
        mesh=mesh,
        compiler_params=pltpu.CompilerParams(needs_layout_passes=False,
                                             use_tc_tiling_on_sc=False),
        scratch_types=scratch,
    )(cc6, *corr4d, c3)
    return out.transpose(0, 1, 3, 2)

# --- scband reference (transcript-rebuilt; emitter-appended) ---
"""Pipeline reference for scband-corr-block1d-4758823764396 (READ-ONLY COPY).

The authoritative reference and input builder live on the scoring server;
editing this copy changes nothing except your own understanding.
"""

import jax, jax.numpy as jnp
import numpy as np

RADIUS = 4
NUM_LEVELS = 4

def _bilinear_1d(corr, x):
    # corr: [N, Win], x: [N, K] absolute pixel coords along W; zeros padding, align_corners=True
    Win = corr.shape[1]
    x0 = jnp.floor(x)
    frac = x - x0
    i0 = x0.astype(jnp.int32)
    i1 = i0 + 1
    def gv(idx):
        valid = (idx >= 0) & (idx < Win)
        c = jnp.clip(idx, 0, Win - 1)
        v = jnp.take_along_axis(corr, c, axis=1)
        return jnp.where(valid, v, 0.0)
    return gv(i0) * (1.0 - frac) + gv(i1) * frac

def setup_inputs(seed: int = 0) -> dict:
    key = jax.random.key(seed)
    B, H, W = 8, 128, 160
    N = B * H * W
    ks = jax.random.split(key, NUM_LEVELS + 1)
    centroids = jax.random.uniform(ks[0], (B, 2, H, W), dtype=jnp.float32) * (W - 1)
    inp = {"centroids_coords": centroids}
    for lvl in range(NUM_LEVELS):
        wl = W // (2 ** lvl)
        inp[f"corr_pyramid_{lvl}"] = jax.random.normal(ks[lvl + 1], (N, 1, 1, wl), dtype=jnp.float32)
    return inp

def reference(centroids_coords, corr_pyramid_0, corr_pyramid_1, corr_pyramid_2, corr_pyramid_3):
    pyramid = [corr_pyramid_0, corr_pyramid_1, corr_pyramid_2, corr_pyramid_3]
    K = 2 * RADIUS + 1
    di = jnp.linspace(-RADIUS, RADIUS, K, dtype=centroids_coords.dtype)
    B, _, h, w = centroids_coords.shape
    cc = jnp.transpose(centroids_coords[:, :1], (0, 2, 3, 1)).reshape(B * h * w, 1)
    outs = []
    for corr in pyramid:
        x = cc + di[None, :]
        corr2 = corr.reshape(corr.shape[0], corr.shape[-1])
        sampled = _bilinear_1d(corr2, x)
        outs.append(sampled.reshape(B, h, w, K))
        cc = cc / 2
    feat = jnp.concatenate(outs, axis=-1)
    return jnp.transpose(feat, (0, 3, 1, 2))

if __name__ == "__main__":
    import jax
    _d = setup_inputs()
    print(jax.jit(kernel)(*tuple(_d.values())))

</pallas_src>

<mosaic_0001>
#map = affine_map<(d0, d1) -> (0, 0, 0, 0, 0)>
#map1 = affine_map<(d0, d1) -> (0, 0, 0, 0)>
module attributes {stable_mosaic.version = 14 : i64} {
  func.func @_body(%arg0: i32, %arg1: i32, %arg2: memref<8x2x20x8x128xf32, #tpu.memory_space<hbm>>, %arg3: memref<20x1280x8x128xf32, #tpu.memory_space<hbm>>, %arg4: memref<10x1280x8x128xf32, #tpu.memory_space<hbm>>, %arg5: memref<5x1280x8x128xf32, #tpu.memory_space<hbm>>, %arg6: memref<3x1280x8x128xf32, #tpu.memory_space<hbm>>, %arg7: memref<8x36x160x128xf32, #tpu.memory_space<hbm>>, %arg8: memref<20x8x32xf32, #tpu.memory_space<vmem>>, %arg9: memref<20x8x128xf32, #tpu.memory_space<vmem>>, %arg10: memref<10x8x128xf32, #tpu.memory_space<vmem>>, %arg11: memref<5x8x128xf32, #tpu.memory_space<vmem>>, %arg12: memref<3x8x128xf32, #tpu.memory_space<vmem>>, %arg13: memref<20x8x128xf32, #tpu.memory_space<vmem>>, %arg14: memref<10x8x128xf32, #tpu.memory_space<vmem>>, %arg15: memref<5x8x128xf32, #tpu.memory_space<vmem>>, %arg16: memref<3x8x128xf32, #tpu.memory_space<vmem>>, %arg17: memref<36x160x8xf32, #tpu.memory_space<vmem>>, %arg18: memref<!tpu.dma_semaphore, #tpu.memory_space<semaphore_mem>>, %arg19: memref<!tpu.dma_semaphore, #tpu.memory_space<semaphore_mem>>, %arg20: memref<!tpu.dma_semaphore, #tpu.memory_space<semaphore_mem>>) attributes {dimension_semantics = [#tpu.dimension_semantics<core_parallel>, #tpu.dimension_semantics<subcore_parallel>], iteration_bounds = array<i64: 2, 16>, scalar_prefetch = 0 : i64, scratch_operands = 13 : i64, tpu.core_type = #tpu.core_type<sc_vector_subcore>, window_params = [{transform_indices = #map}, {transform_indices = #map1}, {transform_indices = #map1}, {transform_indices = #map1}, {transform_indices = #map1}, {transform_indices = #map1}]} {
    %mul3A = arith.constant 2 : i32
    %mul3A_0 = arith.muli %arg1, %mul3A : i32
    %add3A = arith.addi %mul3A_0, %arg0 : i32
    %jit3A = arith.constant 4 : i32
    %div3A = arith.divsi %add3A, %jit3A : i32
    %sign3A = arith.constant 0 : i32
    %sign3A_1 = arith.cmpi sgt, %add3A, %sign3A : i32
    %sign3A_2 = arith.extui %sign3A_1 : i1 to i32
    %sign3A_3 = arith.constant 0 : i32
    %sign3A_4 = arith.cmpi slt, %add3A, %sign3A_3 : i32
    %sign3A_5 = arith.extui %sign3A_4 : i1 to i32
    %sign3A_6 = arith.subi %sign3A_2, %sign3A_5 : i32
    %sign3A_7 = arith.constant 0 : i32
    %sign3A_8 = arith.cmpi sgt, %jit3A, %sign3A_7 : i32
    %sign3A_9 = arith.extui %sign3A_8 : i1 to i32
    %sign3A_10 = arith.constant 0 : i32
    %sign3A_11 = arith.cmpi slt, %jit3A, %sign3A_10 : i32
    %sign3A_12 = arith.extui %sign3A_11 : i1 to i32
    %sign3A_13 = arith.subi %sign3A_9, %sign3A_12 : i32
    %ne3A = arith.cmpi ne, %sign3A_6, %sign3A_13 : i32
    %rem3A = arith.remsi %add3A, %jit3A : i32
    %ne3A_14 = arith.constant 0 : i32
    %ne3A_15 = arith.cmpi ne, %rem3A, %ne3A_14 : i32
    %and3A = arith.andi %ne3A, %ne3A_15 : i1
    %sub3A = arith.constant 1 : i32
    %sub3A_16 = arith.subi %div3A, %sub3A : i32
    %select_n3A = arith.select %and3A, %sub3A_16, %div3A : i32
    %jit3A_17 = arith.constant 4 : i32
    %eq3A = arith.constant 0 : i32
    %eq3A_18 = arith.cmpi eq, %jit3A_17, %eq3A : i32
    %jit3A_19 = arith.constant 1 : i32
    %select_n3A_20 = arith.select %eq3A_18, %jit3A_19, %jit3A_17 : i32
    %rem3A_21 = arith.remsi %add3A, %select_n3A_20 : i32
    %ne3A_22 = arith.constant 0 : i32
    %ne3A_23 = arith.cmpi ne, %rem3A_21, %ne3A_22 : i32
    %lt3A = arith.constant 0 : i32
    %lt3A_24 = arith.cmpi slt, %rem3A_21, %lt3A : i32
    %lt3A_25 = arith.constant 0 : i32
    %lt3A_26 = arith.cmpi slt, %select_n3A_20, %lt3A_25 : i32
    %ne3A_27 = arith.xori %lt3A_24, %lt3A_26 : i1
    %and3A_28 = arith.andi %ne3A_27, %ne3A_23 : i1
    %add3A_29 = arith.addi %rem3A_21, %select_n3A_20 : i32
    %select_n3A_30 = arith.select %and3A_28, %add3A_29, %rem3A_21 : i32
    %mul3A_31 = arith.constant 32 : i32
    %mul3A_32 = arith.muli %select_n3A_30, %mul3A_31 : i32
    %mul3A_33 = arith.constant 40 : i32
    %mul3A_34 = arith.muli %add3A, %mul3A_33 : i32
    %run_scoped3A = arith.constant 0 : i32
    "tpu.region"() ({
      %run_scoped3A_90 = tpu.sem_alloc : memref<!tpu.dma_semaphore, #tpu.memory_space<semaphore_mem>>
      %dma_start3A_91 = arith.constant 0 : i32
      %dma_start3A_92 = arith.constant 0 : i32
      %dma_start3A_93 = tpu.memref_slice %arg2[%select_n3A, %run_scoped3A, %dma_start3A_91, %dma_start3A_92, %mul3A_32] : memref<8x2x20x8x128xf32, #tpu.memory_space<hbm>> -> memref<1x1x20x8x32xf32, #tpu.memory_space<hbm>>
      %dma_start3A_94 = tpu.memref_squeeze %dma_start3A_93 : memref<1x1x20x8x32xf32, #tpu.memory_space<hbm>> -> memref<20x8x32xf32, #tpu.memory_space<hbm>>
      %dma_start3A_95 = arith.constant 0 : i32
      %dma_start3A_96 = arith.constant 0 : i32
      %dma_start3A_97 = tpu.memref_slice %arg2[%select_n3A, %run_scoped3A, %dma_start3A_95, %dma_start3A_96, %mul3A_32] : memref<8x2x20x8x128xf32, #tpu.memory_space<hbm>> -> memref<1x1x20x8x32xf32, #tpu.memory_space<hbm>>
      %dma_start3A_98 = tpu.memref_squeeze %dma_start3A_97 : memref<1x1x20x8x32xf32, #tpu.memory_space<hbm>> -> memref<20x8x32xf32, #tpu.memory_space<hbm>>
      tpu.enqueue_dma source(%dma_start3A_98 : memref<20x8x32xf32, #tpu.memory_space<hbm>>) target(%arg8 : memref<20x8x32xf32, #tpu.memory_space<vmem>>) target_semaphore(%run_scoped3A_90 : memref<!tpu.dma_semaphore, #tpu.memory_space<semaphore_mem>>)
      %dma_wait3A_99 = arith.constant 0 : i32
      %dma_wait3A_100 = arith.constant 0 : i32
      %dma_wait3A_101 = tpu.memref_slice %arg2[%select_n3A, %run_scoped3A, %dma_wait3A_99, %dma_wait3A_100, %mul3A_32] : memref<8x2x20x8x128xf32, #tpu.memory_space<hbm>> -> memref<1x1x20x8x32xf32, #tpu.memory_space<hbm>>
      %dma_wait3A_102 = tpu.memref_squeeze %dma_wait3A_101 : memref<1x1x20x8x32xf32, #tpu.memory_space<hbm>> -> memref<20x8x32xf32, #tpu.memory_space<hbm>>
      %dma_wait3A_103 = arith.constant 0 : i32
      %dma_wait3A_104 = arith.constant 0 : i32
      %dma_wait3A_105 = tpu.memref_slice %arg2[%select_n3A, %run_scoped3A, %dma_wait3A_103, %dma_wait3A_104, %mul3A_32] : memref<8x2x20x8x128xf32, #tpu.memory_space<hbm>> -> memref<1x1x20x8x32xf32, #tpu.memory_space<hbm>>
      %dma_wait3A_106 = tpu.memref_squeeze %dma_wait3A_105 : memref<1x1x20x8x32xf32, #tpu.memory_space<hbm>> -> memref<20x8x32xf32, #tpu.memory_space<hbm>>
      tpu.wait_dma2 semaphore(%run_scoped3A_90 : memref<!tpu.dma_semaphore, #tpu.memory_space<semaphore_mem>>) src(%dma_wait3A_106 : memref<20x8x32xf32, #tpu.memory_space<hbm>>) dst(%arg8 : memref<20x8x32xf32, #tpu.memory_space<vmem>>)
      tpu.yield
    }) : () -> ()
    %iota3A = tpu.iota {dimensions = array<i32: 0>} : vector<16xi32>
    %add3A_35 = arith.constant 0 : i32
    %add3A_36 = arith.addi %mul3A_34, %add3A_35 : i32
    %dma_start3A = arith.constant 0 : i32
    %dma_start3A_37 = arith.constant 0 : i32
    %dma_start3A_38 = arith.constant 0 : i32
    %dma_start3A_39 = tpu.memref_slice %arg3[%dma_start3A, %add3A_36, %dma_start3A_37, %dma_start3A_38] : memref<20x1280x8x128xf32, #tpu.memory_space<hbm>> -> memref<20x1x8x128xf32, #tpu.memory_space<hbm>>
    %dma_start3A_40 = tpu.memref_squeeze %dma_start3A_39 : memref<20x1x8x128xf32, #tpu.memory_space<hbm>> -> memref<20x8x128xf32, #tpu.memory_space<hbm>>
    %dma_start3A_41 = arith.constant 0 : i32
    %dma_start3A_42 = arith.constant 0 : i32
    %dma_start3A_43 = arith.constant 0 : i32
    %dma_start3A_44 = tpu.memref_slice %arg3[%dma_start3A_41, %add3A_36, %dma_start3A_42, %dma_start3A_43] : memref<20x1280x8x128xf32, #tpu.memory_space<hbm>> -> memref<20x1x8x128xf32, #tpu.memory_space<hbm>>
    %dma_start3A_45 = tpu.memref_squeeze %dma_start3A_44 : memref<20x1x8x128xf32, #tpu.memory_space<hbm>> -> memref<20x8x128xf32, #tpu.memory_space<hbm>>
    tpu.enqueue_dma source(%dma_start3A_45 : memref<20x8x128xf32, #tpu.memory_space<hbm>>) target(%arg9 : memref<20x8x128xf32, #tpu.memory_space<vmem>>) target_semaphore(%arg18 : memref<!tpu.dma_semaphore, #tpu.memory_space<semaphore_mem>>)
    %dma_start3A_46 = arith.constant 0 : i32
    %dma_start3A_47 = arith.constant 0 : i32
    %dma_start3A_48 = arith.constant 0 : i32
    %dma_start3A_49 = tpu.memref_slice %arg4[%dma_start3A_46, %add3A_36, %dma_start3A_47, %dma_start3A_48] : memref<10x1280x8x128xf32, #tpu.memory_space<hbm>> -> memref<10x1x8x128xf32, #tpu.memory_space<hbm>>
    %dma_start3A_50 = tpu.memref_squeeze %dma_start3A_49 : memref<10x1x8x128xf32, #tpu.memory_space<hbm>> -> memref<10x8x128xf32, #tpu.memory_space<hbm>>
    %dma_start3A_51 = arith.constant 0 : i32
    %dma_start3A_52 = arith.constant 0 : i32
    %dma_start3A_53 = arith.constant 0 : i32
    %dma_start3A_54 = tpu.memref_slice %arg4[%dma_start3A_51, %add3A_36, %dma_start3A_52, %dma_start3A_53] : memref<10x1280x8x128xf32, #tpu.memory_space<hbm>> -> memref<10x1x8x128xf32, #tpu.memory_space<hbm>>
    %dma_start3A_55 = tpu.memref_squeeze %dma_start3A_54 : memref<10x1x8x128xf32, #tpu.memory_space<hbm>> -> memref<10x8x128xf32, #tpu.memory_space<hbm>>
    tpu.enqueue_dma source(%dma_start3A_55 : memref<10x8x128xf32, #tpu.memory_space<hbm>>) target(%arg10 : memref<10x8x128xf32, #tpu.memory_space<vmem>>) target_semaphore(%arg18 : memref<!tpu.dma_semaphore, #tpu.memory_space<semaphore_mem>>)
    %dma_start3A_56 = arith.constant 0 : i32
    %dma_start3A_57 = arith.constant 0 : i32
    %dma_start3A_58 = arith.constant 0 : i32
    %dma_start3A_59 = tpu.memref_slice %arg5[%dma_start3A_56, %add3A_36, %dma_start3A_57, %dma_start3A_58] : memref<5x1280x8x128xf32, #tpu.memory_space<hbm>> -> memref<5x1x8x128xf32, #tpu.memory_space<hbm>>
    %dma_start3A_60 = tpu.memref_squeeze %dma_start3A_59 : memref<5x1x8x128xf32, #tpu.memory_space<hbm>> -> memref<5x8x128xf32, #tpu.memory_space<hbm>>
    %dma_start3A_61 = arith.constant 0 : i32
    %dma_start3A_62 = arith.constant 0 : i32
    %dma_start3A_63 = arith.constant 0 : i32
    %dma_start3A_64 = tpu.memref_slice %arg5[%dma_start3A_61, %add3A_36, %dma_start3A_62, %dma_start3A_63] : memref<5x1280x8x128xf32, #tpu.memory_space<hbm>> -> memref<5x1x8x128xf32, #tpu.memory_space<hbm>>
    %dma_start3A_65 = tpu.memref_squeeze %dma_start3A_64 : memref<5x1x8x128xf32, #tpu.memory_space<hbm>> -> memref<5x8x128xf32, #tpu.memory_space<hbm>>
    tpu.enqueue_dma source(%dma_start3A_65 : memref<5x8x128xf32, #tpu.memory_space<hbm>>) target(%arg11 : memref<5x8x128xf32, #tpu.memory_space<vmem>>) target_semaphore(%arg18 : memref<!tpu.dma_semaphore, #tpu.memory_space<semaphore_mem>>)
    %dma_start3A_66 = arith.constant 0 : i32
    %dma_start3A_67 = arith.constant 0 : i32
    %dma_start3A_68 = arith.constant 0 : i32
    %dma_start3A_69 = tpu.memref_slice %arg6[%dma_start3A_66, %add3A_36, %dma_start3A_67, %dma_start3A_68] : memref<3x1280x8x128xf32, #tpu.memory_space<hbm>> -> memref<3x1x8x128xf32, #tpu.memory_space<hbm>>
    %dma_start3A_70 = tpu.memref_squeeze %dma_start3A_69 : memref<3x1x8x128xf32, #tpu.memory_space<hbm>> -> memref<3x8x128xf32, #tpu.memory_space<hbm>>
    %dma_start3A_71 = arith.constant 0 : i32
    %dma_start3A_72 = arith.constant 0 : i32
    %dma_start3A_73 = arith.constant 0 : i32
    %dma_start3A_74 = tpu.memref_slice %arg6[%dma_start3A_71, %add3A_36, %dma_start3A_72, %dma_start3A_73] : memref<3x1280x8x128xf32, #tpu.memory_space<hbm>> -> memref<3x1x8x128xf32, #tpu.memory_space<hbm>>
    %dma_start3A_75 = tpu.memref_squeeze %dma_start3A_74 : memref<3x1x8x128xf32, #tpu.memory_space<hbm>> -> memref<3x8x128xf32, #tpu.memory_space<hbm>>
    tpu.enqueue_dma source(%dma_start3A_75 : memref<3x8x128xf32, #tpu.memory_space<hbm>>) target(%arg12 : memref<3x8x128xf32, #tpu.memory_space<vmem>>) target_semaphore(%arg18 : memref<!tpu.dma_semaphore, #tpu.memory_space<semaphore_mem>>)
    %scan3A = arith.constant 0 : i32
    %scan3A_76 = arith.constant 0 : i32
    %scan3A_77 = arith.constant 20 : i32
    %scan3A_78 = arith.addi %scan3A_76, %scan3A_77 : i32
    %scan3A_79 = arith.constant 1 : i32
    scf.for %scan3A_90 = %scan3A_76 to %scan3A_78 step %scan3A_79  : i32 {
      %mul3A_91 = arith.constant 2 : i32
      %mul3A_92 = arith.muli %mul3A_91, %scan3A_90 : i32
      %add3A_93 = arith.constant 1 : i32
      %add3A_94 = arith.addi %mul3A_92, %add3A_93 : i32
      %add3A_95 = arith.addi %mul3A_34, %add3A_94 : i32
      %dma_start3A_96 = arith.constant 0 : i32
      %dma_start3A_97 = arith.constant 0 : i32
      %dma_start3A_98 = arith.constant 0 : i32
      %dma_start3A_99 = tpu.memref_slice %arg3[%dma_start3A_96, %add3A_95, %dma_start3A_97, %dma_start3A_98] : memref<20x1280x8x128xf32, #tpu.memory_space<hbm>> -> memref<20x1x8x128xf32, #tpu.memory_space<hbm>>
      %dma_start3A_100 = tpu.memref_squeeze %dma_start3A_99 : memref<20x1x8x128xf32, #tpu.memory_space<hbm>> -> memref<20x8x128xf32, #tpu.memory_space<hbm>>
      %dma_start3A_101 = arith.constant 0 : i32
      %dma_start3A_102 = arith.constant 0 : i32
      %dma_start3A_103 = arith.constant 0 : i32
      %dma_start3A_104 = tpu.memref_slice %arg3[%dma_start3A_101, %add3A_95, %dma_start3A_102, %dma_start3A_103] : memref<20x1280x8x128xf32, #tpu.memory_space<hbm>> -> memref<20x1x8x128xf32, #tpu.memory_space<hbm>>
      %dma_start3A_105 = tpu.memref_squeeze %dma_start3A_104 : memref<20x1x8x128xf32, #tpu.memory_space<hbm>> -> memref<20x8x128xf32, #tpu.memory_space<hbm>>
      tpu.enqueue_dma source(%dma_start3A_105 : memref<20x8x128xf32, #tpu.memory_space<hbm>>) target(%arg13 : memref<20x8x128xf32, #tpu.memory_space<vmem>>) target_semaphore(%arg19 : memref<!tpu.dma_semaphore, #tpu.memory_space<semaphore_mem>>)
      %dma_start3A_106 = arith.constant 0 : i32
      %dma_start3A_107 = arith.constant 0 : i32
      %dma_start3A_108 = arith.constant 0 : i32
      %dma_start3A_109 = tpu.memref_slice %arg4[%dma_start3A_106, %add3A_95, %dma_start3A_107, %dma_start3A_108] : memref<10x1280x8x128xf32, #tpu.memory_space<hbm>> -> memref<10x1x8x128xf32, #tpu.memory_space<hbm>>
      %dma_start3A_110 = tpu.memref_squeeze %dma_start3A_109 : memref<10x1x8x128xf32, #tpu.memory_space<hbm>> -> memref<10x8x128xf32, #tpu.memory_space<hbm>>
      %dma_start3A_111 = arith.constant 0 : i32
      %dma_start3A_112 = arith.constant 0 : i32
      %dma_start3A_113 = arith.constant 0 : i32
      %dma_start3A_114 = tpu.memref_slice %arg4[%dma_start3A_111, %add3A_95, %dma_start3A_112, %dma_start3A_113] : memref<10x1280x8x128xf32, #tpu.memory_space<hbm>> -> memref<10x1x8x128xf32, #tpu.memory_space<hbm>>
      %dma_start3A_115 = tpu.memref_squeeze %dma_start3A_114 : memref<10x1x8x128xf32, #tpu.memory_space<hbm>> -> memref<10x8x128xf32, #tpu.memory_space<hbm>>
      tpu.enqueue_dma source(%dma_start3A_115 : memref<10x8x128xf32, #tpu.memory_space<hbm>>) target(%arg14 : memref<10x8x128xf32, #tpu.memory_space<vmem>>) target_semaphore(%arg19 : memref<!tpu.dma_semaphore, #tpu.memory_space<semaphore_mem>>)
      %dma_start3A_116 = arith.constant 0 : i32
      %dma_start3A_117 = arith.constant 0 : i32
      %dma_start3A_118 = arith.constant 0 : i32
      %dma_start3A_119 = tpu.memref_slice %arg5[%dma_start3A_116, %add3A_95, %dma_start3A_117, %dma_start3A_118] : memref<5x1280x8x128xf32, #tpu.memory_space<hbm>> -> memref<5x1x8x128xf32, #tpu.memory_space<hbm>>
      %dma_start3A_120 = tpu.memref_squeeze %dma_start3A_119 : memref<5x1x8x128xf32, #tpu.memory_space<hbm>> -> memref<5x8x128xf32, #tpu.memory_space<hbm>>
      %dma_start3A_121 = arith.constant 0 : i32
      %dma_start3A_122 = arith.constant 0 : i32
      %dma_start3A_123 = arith.constant 0 : i32
      %dma_start3A_124 = tpu.memref_slice %arg5[%dma_start3A_121, %add3A_95, %dma_start3A_122, %dma_start3A_123] : memref<5x1280x8x128xf32, #tpu.memory_space<hbm>> -> memref<5x1x8x128xf32, #tpu.memory_space<hbm>>
      %dma_start3A_125 = tpu.memref_squeeze %dma_start3A_124 : memref<5x1x8x128xf32, #tpu.memory_space<hbm>> -> memref<5x8x128xf32, #tpu.memory_space<hbm>>
      tpu.enqueue_dma source(%dma_start3A_125 : memref<5x8x128xf32, #tpu.memory_space<hbm>>) target(%arg15 : memref<5x8x128xf32, #tpu.memory_space<vmem>>) target_semaphore(%arg19 : memref<!tpu.dma_semaphore, #tpu.memory_space<semaphore_mem>>)
      %dma_start3A_126 = arith.constant 0 : i32
      %dma_start3A_127 = arith.constant 0 : i32
      %dma_start3A_128 = arith.constant 0 : i32
      %dma_start3A_129 = tpu.memref_slice %arg6[%dma_start3A_126, %add3A_95, %dma_start3A_127, %dma_start3A_128] : memref<3x1280x8x128xf32, #tpu.memory_space<hbm>> -> memref<3x1x8x128xf32, #tpu.memory_space<hbm>>
      %dma_start3A_130 = tpu.memref_squeeze %dma_start3A_129 : memref<3x1x8x128xf32, #tpu.memory_space<hbm>> -> memref<3x8x128xf32, #tpu.memory_space<hbm>>
      %dma_start3A_131 = arith.constant 0 : i32
      %dma_start3A_132 = arith.constant 0 : i32
      %dma_start3A_133 = arith.constant 0 : i32
      %dma_start3A_134 = tpu.memref_slice %arg6[%dma_start3A_131, %add3A_95, %dma_start3A_132, %dma_start3A_133] : memref<3x1280x8x128xf32, #tpu.memory_space<hbm>> -> memref<3x1x8x128xf32, #tpu.memory_space<hbm>>
      %dma_start3A_135 = tpu.memref_squeeze %dma_start3A_134 : memref<3x1x8x128xf32, #tpu.memory_space<hbm>> -> memref<3x8x128xf32, #tpu.memory_space<hbm>>
      tpu.enqueue_dma source(%dma_start3A_135 : memref<3x8x128xf32, #tpu.memory_space<hbm>>) target(%arg16 : memref<3x8x128xf32, #tpu.memory_space<vmem>>) target_semaphore(%arg19 : memref<!tpu.dma_semaphore, #tpu.memory_space<semaphore_mem>>)
      %add3A_136 = arith.addi %mul3A_34, %mul3A_92 : i32
      %dma_wait3A_137 = arith.constant 0 : i32
      %dma_wait3A_138 = arith.constant 0 : i32
      %dma_wait3A_139 = arith.constant 0 : i32
      %dma_wait3A_140 = tpu.memref_slice %arg3[%dma_wait3A_137, %add3A_136, %dma_wait3A_138, %dma_wait3A_139] : memref<20x1280x8x128xf32, #tpu.memory_space<hbm>> -> memref<20x1x8x128xf32, #tpu.memory_space<hbm>>
      %dma_wait3A_141 = tpu.memref_squeeze %dma_wait3A_140 : memref<20x1x8x128xf32, #tpu.memory_space<hbm>> -> memref<20x8x128xf32, #tpu.memory_space<hbm>>
      %dma_wait3A_142 = arith.constant 0 : i32
      %dma_wait3A_143 = arith.constant 0 : i32
      %dma_wait3A_144 = arith.constant 0 : i32
      %dma_wait3A_145 = tpu.memref_slice %arg3[%dma_wait3A_142, %add3A_136, %dma_wait3A_143, %dma_wait3A_144] : memref<20x1280x8x128xf32, #tpu.memory_space<hbm>> -> memref<20x1x8x128xf32, #tpu.memory_space<hbm>>
      %dma_wait3A_146 = tpu.memref_squeeze %dma_wait3A_145 : memref<20x1x8x128xf32, #tpu.memory_space<hbm>> -> memref<20x8x128xf32, #tpu.memory_space<hbm>>
      tpu.wait_dma2 semaphore(%arg18 : memref<!tpu.dma_semaphore, #tpu.memory_space<semaphore_mem>>) src(%dma_wait3A_146 : memref<20x8x128xf32, #tpu.memory_space<hbm>>) dst(%arg9 : memref<20x8x128xf32, #tpu.memory_space<vmem>>)
      %dma_wait3A_147 = arith.constant 0 : i32
      %dma_wait3A_148 = arith.constant 0 : i32
      %dma_wait3A_149 = arith.constant 0 : i32
      %dma_wait3A_150 = tpu.memref_slice %arg4[%dma_wait3A_147, %add3A_136, %dma_wait3A_148, %dma_wait3A_149] : memref<10x1280x8x128xf32, #tpu.memory_space<hbm>> -> memref<10x1x8x128xf32, #tpu.memory_space<hbm>>
      %dma_wait3A_151 = tpu.memref_squeeze %dma_wait3A_150 : memref<10x1x8x128xf32, #tpu.memory_space<hbm>> -> memref<10x8x128xf32, #tpu.memory_space<hbm>>
      %dma_wait3A_152 = arith.constant 0 : i32
      %dma_wait3A_153 = arith.constant 0 : i32
      %dma_wait3A_154 = arith.constant 0 : i32
      %dma_wait3A_155 = tpu.memref_slice %arg4[%dma_wait3A_152, %add3A_136, %dma_wait3A_153, %dma_wait3A_154] : memref<10x1280x8x128xf32, #tpu.memory_space<hbm>> -> memref<10x1x8x128xf32, #tpu.memory_space<hbm>>
      %dma_wait3A_156 = tpu.memref_squeeze %dma_wait3A_155 : memref<10x1x8x128xf32, #tpu.memory_space<hbm>> -> memref<10x8x128xf32, #tpu.memory_space<hbm>>
      tpu.wait_dma2 semaphore(%arg18 : memref<!tpu.dma_semaphore, #tpu.memory_space<semaphore_mem>>) src(%dma_wait3A_156 : memref<10x8x128xf32, #tpu.memory_space<hbm>>) dst(%arg10 : memref<10x8x128xf32, #tpu.memory_space<vmem>>)
      %dma_wait3A_157 = arith.constant 0 : i32
      %dma_wait3A_158 = arith.constant 0 : i32
      %dma_wait3A_159 = arith.constant 0 : i32
      %dma_wait3A_160 = tpu.memref_slice %arg5[%dma_wait3A_157, %add3A_136, %dma_wait3A_158, %dma_wait3A_159] : memref<5x1280x8x128xf32, #tpu.memory_space<hbm>> -> memref<5x1x8x128xf32, #tpu.memory_space<hbm>>
      %dma_wait3A_161 = tpu.memref_squeeze %dma_wait3A_160 : memref<5x1x8x128xf32, #tpu.memory_space<hbm>> -> memref<5x8x128xf32, #tpu.memory_space<hbm>>
      %dma_wait3A_162 = arith.constant 0 : i32
      %dma_wait3A_163 = arith.constant 0 : i32
      %dma_wait3A_164 = arith.constant 0 : i32
      %dma_wait3A_165 = tpu.memref_slice %arg5[%dma_wait3A_162, %add3A_136, %dma_wait3A_163, %dma_wait3A_164] : memref<5x1280x8x128xf32, #tpu.memory_space<hbm>> -> memref<5x1x8x128xf32, #tpu.memory_space<hbm>>
      %dma_wait3A_166 = tpu.memref_squeeze %dma_wait3A_165 : memref<5x1x8x128xf32, #tpu.memory_space<hbm>> -> memref<5x8x128xf32, #tpu.memory_space<hbm>>
      tpu.wait_dma2 semaphore(%arg18 : memref<!tpu.dma_semaphore, #tpu.memory_space<semaphore_mem>>) src(%dma_wait3A_166 : memref<5x8x128xf32, #tpu.memory_space<hbm>>) dst(%arg11 : memref<5x8x128xf32, #tpu.memory_space<vmem>>)
      %dma_wait3A_167 = arith.constant 0 : i32
      %dma_wait3A_168 = arith.constant 0 : i32
      %dma_wait3A_169 = arith.constant 0 : i32
      %dma_wait3A_170 = tpu.memref_slice %arg6[%dma_wait3A_167, %add3A_136, %dma_wait3A_168, %dma_wait3A_169] : memref<3x1280x8x128xf32, #tpu.memory_space<hbm>> -> memref<3x1x8x128xf32, #tpu.memory_space<hbm>>
      %dma_wait3A_171 = tpu.memref_squeeze %dma_wait3A_170 : memref<3x1x8x128xf32, #tpu.memory_space<hbm>> -> memref<3x8x128xf32, #tpu.memory_space<hbm>>
      %dma_wait3A_172 = arith.constant 0 : i32
      %dma_wait3A_173 = arith.constant 0 : i32
      %dma_wait3A_174 = arith.constant 0 : i32
      %dma_wait3A_175 = tpu.memref_slice %arg6[%dma_wait3A_172, %add3A_136, %dma_wait3A_173, %dma_wait3A_174] : memref<3x1280x8x128xf32, #tpu.memory_space<hbm>> -> memref<3x1x8x128xf32, #tpu.memory_space<hbm>>
      %dma_wait3A_176 = tpu.memref_squeeze %dma_wait3A_175 : memref<3x1x8x128xf32, #tpu.memory_space<hbm>> -> memref<3x8x128xf32, #tpu.memory_space<hbm>>
      tpu.wait_dma2 semaphore(%arg18 : memref<!tpu.dma_semaphore, #tpu.memory_space<semaphore_mem>>) src(%dma_wait3A_176 : memref<3x8x128xf32, #tpu.memory_space<hbm>>) dst(%arg12 : memref<3x8x128xf32, #tpu.memory_space<vmem>>)
      %jit3A_177 = arith.constant 5 : i32
      %eq3A_178 = arith.constant 0 : i32
      %eq3A_179 = arith.cmpi eq, %jit3A_177, %eq3A_178 : i32
      %jit3A_180 = arith.constant 1 : i32
      %select_n3A_181 = arith.select %eq3A_179, %jit3A_180, %jit3A_177 : i32
      %rem3A_182 = arith.remsi %scan3A_90, %select_n3A_181 : i32
      %ne3A_183 = arith.constant 0 : i32
      %ne3A_184 = arith.cmpi ne, %rem3A_182, %ne3A_183 : i32
      %lt3A_185 = arith.constant 0 : i32
      %lt3A_186 = arith.cmpi slt, %rem3A_182, %lt3A_185 : i32
      %lt3A_187 = arith.constant 0 : i32
      %lt3A_188 = arith.cmpi slt, %select_n3A_181, %lt3A_187 : i32
      %ne3A_189 = arith.xori %lt3A_186, %lt3A_188 : i1
      %and3A_190 = arith.andi %ne3A_189, %ne3A_184 : i1
      %add3A_191 = arith.addi %rem3A_182, %select_n3A_181 : i32
      %select_n3A_192 = arith.select %and3A_190, %add3A_191, %rem3A_182 : i32
      %eq3A_193 = arith.constant 0 : i32
      %eq3A_194 = arith.cmpi eq, %select_n3A_192, %eq3A_193 : i32
      %ge3A = arith.constant 5 : i32
      %ge3A_195 = arith.cmpi sge, %scan3A_90, %ge3A : i32
      %and3A_196 = arith.andi %eq3A_194, %ge3A_195 : i1
      %convert_element_type3A = arith.extui %and3A_196 : i1 to i32
      %cond3A = arith.constant 0 : i32
      %cond3A_197 = arith.cmpi ne, %convert_element_type3A, %cond3A : i32
      scf.if %cond3A_197 {
        %jit3A_281 = arith.constant 10 : i32
        %div3A_282 = arith.divsi %mul3A_92, %jit3A_281 : i32
        %sign3A_283 = arith.constant 0 : i32
        %sign3A_284 = arith.cmpi sgt, %mul3A_92, %sign3A_283 : i32
        %sign3A_285 = arith.extui %sign3A_284 : i1 to i32
        %sign3A_286 = arith.constant 0 : i32
        %sign3A_287 = arith.cmpi slt, %mul3A_92, %sign3A_286 : i32
        %sign3A_288 = arith.extui %sign3A_287 : i1 to i32
        %sign3A_289 = arith.subi %sign3A_285, %sign3A_288 : i32
        %sign3A_290 = arith.constant 0 : i32
        %sign3A_291 = arith.cmpi sgt, %jit3A_281, %sign3A_290 : i32
        %sign3A_292 = arith.extui %sign3A_291 : i1 to i32
        %sign3A_293 = arith.constant 0 : i32
        %sign3A_294 = arith.cmpi slt, %jit3A_281, %sign3A_293 : i32
        %sign3A_295 = arith.extui %sign3A_294 : i1 to i32
        %sign3A_296 = arith.subi %sign3A_292, %sign3A_295 : i32
        %ne3A_297 = arith.cmpi ne, %sign3A_289, %sign3A_296 : i32
        %rem3A_298 = arith.remsi %mul3A_92, %jit3A_281 : i32
        %ne3A_299 = arith.constant 0 : i32
        %ne3A_300 = arith.cmpi ne, %rem3A_298, %ne3A_299 : i32
        %and3A_301 = arith.andi %ne3A_297, %ne3A_300 : i1
        %sub3A_302 = arith.constant 1 : i32
        %sub3A_303 = arith.subi %div3A_282, %sub3A_302 : i32
        %select_n3A_304 = arith.select %and3A_301, %sub3A_303, %div3A_282 : i32
        %sub3A_305 = arith.constant 1 : i32
        %sub3A_306 = arith.subi %select_n3A_304, %sub3A_305 : i32
        %mul3A_307 = arith.constant 8 : i32
        %mul3A_308 = arith.muli %sub3A_306, %mul3A_307 : i32
        %add3A_309 = arith.addi %mul3A_32, %mul3A_308 : i32
        %dma_wait3A_310 = arith.constant 0 : i32
        %dma_wait3A_311 = arith.constant 0 : i32
        %dma_wait3A_312 = tpu.memref_slice %arg7[%select_n3A, %dma_wait3A_310, %dma_wait3A_311, %add3A_309] : memref<8x36x160x128xf32, #tpu.memory_space<hbm>> -> memref<1x36x160x8xf32, #tpu.memory_space<hbm>>
        %dma_wait3A_313 = tpu.memref_squeeze %dma_wait3A_312 : memref<1x36x160x8xf32, #tpu.memory_space<hbm>> -> memref<36x160x8xf32, #tpu.memory_space<hbm>>
        %dma_wait3A_314 = arith.constant 0 : i32
        %dma_wait3A_315 = arith.constant 0 : i32
        %dma_wait3A_316 = tpu.memref_slice %arg7[%select_n3A, %dma_wait3A_314, %dma_wait3A_315, %add3A_309] : memref<8x36x160x128xf32, #tpu.memory_space<hbm>> -> memref<1x36x160x8xf32, #tpu.memory_space<hbm>>
        %dma_wait3A_317 = tpu.memref_squeeze %dma_wait3A_316 : memref<1x36x160x8xf32, #tpu.memory_space<hbm>> -> memref<36x160x8xf32, #tpu.memory_space<hbm>>
        tpu.wait_dma2 semaphore(%arg20 : memref<!tpu.dma_semaphore, #tpu.memory_space<semaphore_mem>>) src(%arg17 : memref<36x160x8xf32, #tpu.memory_space<vmem>>) dst(%dma_wait3A_317 : memref<36x160x8xf32, #tpu.memory_space<hbm>>)
      } else {
      }
      %scan3A_198 = arith.constant 0 : i32
      %scan3A_199 = arith.constant 0 : i32
      %scan3A_200 = arith.constant 8 : i32
      %scan3A_201 = arith.addi %scan3A_199, %scan3A_200 : i32
      %scan3A_202 = arith.constant 1 : i32
      scf.for %scan3A_281 = %scan3A_199 to %scan3A_201 step %scan3A_202  : i32 {
        %mul3A_282 = arith.constant 16 : i32
        %mul3A_283 = arith.muli %scan3A_281, %mul3A_282 : i32
        %add3A_284 = vector.broadcast %mul3A_283 : i32 to vector<16xi32>
        %add3A_285 = arith.addi %add3A_284, %iota3A : vector<16xi32>
        %mul3A_286 = arith.constant 128 : i32
        %mul3A_287 = arith.muli %mul3A_92, %mul3A_286 : i32
        %add3A_288 = arith.addi %mul3A_287, %mul3A_283 : i32
        %jit3A_289 = arith.constant 160 : i32
        %eq3A_290 = arith.constant 0 : i32
        %eq3A_291 = arith.cmpi eq, %jit3A_289, %eq3A_290 : i32
        %jit3A_292 = arith.constant 1 : i32
        %select_n3A_293 = arith.select %eq3A_291, %jit3A_292, %jit3A_289 : i32
        %rem3A_294 = arith.remsi %add3A_288, %select_n3A_293 : i32
        %ne3A_295 = arith.constant 0 : i32
        %ne3A_296 = arith.cmpi ne, %rem3A_294, %ne3A_295 : i32
        %lt3A_297 = arith.constant 0 : i32
        %lt3A_298 = arith.cmpi slt, %rem3A_294, %lt3A_297 : i32
        %lt3A_299 = arith.constant 0 : i32
        %lt3A_300 = arith.cmpi slt, %select_n3A_293, %lt3A_299 : i32
        %ne3A_301 = arith.xori %lt3A_298, %lt3A_300 : i1
        %and3A_302 = arith.andi %ne3A_301, %ne3A_296 : i1
        %add3A_303 = arith.addi %rem3A_294, %select_n3A_293 : i32
        %select_n3A_304 = arith.select %and3A_302, %add3A_303, %rem3A_294 : i32
        %jit3A_305 = arith.constant 160 : i32
        %div3A_306 = arith.divsi %add3A_288, %jit3A_305 : i32
        %sign3A_307 = arith.constant 0 : i32
        %sign3A_308 = arith.cmpi sgt, %add3A_288, %sign3A_307 : i32
        %sign3A_309 = arith.extui %sign3A_308 : i1 to i32
        %sign3A_310 = arith.constant 0 : i32
        %sign3A_311 = arith.cmpi slt, %add3A_288, %sign3A_310 : i32
        %sign3A_312 = arith.extui %sign3A_311 : i1 to i32
        %sign3A_313 = arith.subi %sign3A_309, %sign3A_312 : i32
        %sign3A_314 = arith.constant 0 : i32
        %sign3A_315 = arith.cmpi sgt, %jit3A_305, %sign3A_314 : i32
        %sign3A_316 = arith.extui %sign3A_315 : i1 to i32
        %sign3A_317 = arith.constant 0 : i32
        %sign3A_318 = arith.cmpi slt, %jit3A_305, %sign3A_317 : i32
        %sign3A_319 = arith.extui %sign3A_318 : i1 to i32
        %sign3A_320 = arith.subi %sign3A_316, %sign3A_319 : i32
        %ne3A_321 = arith.cmpi ne, %sign3A_313, %sign3A_320 : i32
        %rem3A_322 = arith.remsi %add3A_288, %jit3A_305 : i32
        %ne3A_323 = arith.constant 0 : i32
        %ne3A_324 = arith.cmpi ne, %rem3A_322, %ne3A_323 : i32
        %and3A_325 = arith.andi %ne3A_321, %ne3A_324 : i1
        %sub3A_326 = arith.constant 1 : i32
        %sub3A_327 = arith.subi %div3A_306, %sub3A_326 : i32
        %select_n3A_328 = arith.select %and3A_325, %sub3A_327, %div3A_306 : i32
        %jit3A_329 = arith.constant 8 : i32
        %eq3A_330 = arith.constant 0 : i32
        %eq3A_331 = arith.cmpi eq, %jit3A_329, %eq3A_330 : i32
        %jit3A_332 = arith.constant 1 : i32
        %select_n3A_333 = arith.select %eq3A_331, %jit3A_332, %jit3A_329 : i32
        %rem3A_334 = arith.remsi %select_n3A_328, %select_n3A_333 : i32
        %ne3A_335 = arith.constant 0 : i32
        %ne3A_336 = arith.cmpi ne, %rem3A_334, %ne3A_335 : i32
        %lt3A_337 = arith.constant 0 : i32
        %lt3A_338 = arith.cmpi slt, %rem3A_334, %lt3A_337 : i32
        %lt3A_339 = arith.constant 0 : i32
        %lt3A_340 = arith.cmpi slt, %select_n3A_333, %lt3A_339 : i32
        %ne3A_341 = arith.xori %lt3A_338, %lt3A_340 : i1
        %and3A_342 = arith.andi %ne3A_341, %ne3A_336 : i1
        %add3A_343 = arith.addi %rem3A_334, %select_n3A_333 : i32
        %select_n3A_344 = arith.select %and3A_342, %add3A_343, %rem3A_334 : i32
        %add3A_345 = vector.broadcast %select_n3A_304 : i32 to vector<16xi32>
        %add3A_346 = arith.addi %add3A_345, %iota3A : vector<16xi32>
        %mul3A_347 = arith.constant 0 : i32
        %mul3A_348 = vector.broadcast %mul3A_347 : i32 to vector<16xi32>
        %mul3A_349 = arith.muli %mul3A_348, %iota3A : vector<16xi32>
        %shift_right_arithmetic3A = arith.constant 3 : i32
        %shift_right_arithmetic3A_350 = vector.broadcast %shift_right_arithmetic3A : i32 to vector<16xi32>
        %shift_right_arithmetic3A_351 = arith.shrsi %add3A_346, %shift_right_arithmetic3A_350 : vector<16xi32>
        %and3A_352 = arith.constant 7 : i32
        %and3A_353 = vector.broadcast %and3A_352 : i32 to vector<16xi32>
        %and3A_354 = arith.andi %add3A_346, %and3A_353 : vector<16xi32>
        %jit3A_355 = arith.constant 160 : i32
        %div3A_356 = arith.divsi %add3A_288, %jit3A_355 : i32
        %sign3A_357 = arith.constant 0 : i32
        %sign3A_358 = arith.cmpi sgt, %add3A_288, %sign3A_357 : i32
        %sign3A_359 = arith.extui %sign3A_358 : i1 to i32
        %sign3A_360 = arith.constant 0 : i32
        %sign3A_361 = arith.cmpi slt, %add3A_288, %sign3A_360 : i32
        %sign3A_362 = arith.extui %sign3A_361 : i1 to i32
        %sign3A_363 = arith.subi %sign3A_359, %sign3A_362 : i32
        %sign3A_364 = arith.constant 0 : i32
        %sign3A_365 = arith.cmpi sgt, %jit3A_355, %sign3A_364 : i32
        %sign3A_366 = arith.extui %sign3A_365 : i1 to i32
        %sign3A_367 = arith.constant 0 : i32
        %sign3A_368 = arith.cmpi slt, %jit3A_355, %sign3A_367 : i32
        %sign3A_369 = arith.extui %sign3A_368 : i1 to i32
        %sign3A_370 = arith.subi %sign3A_366, %sign3A_369 : i32
        %ne3A_371 = arith.cmpi ne, %sign3A_363, %sign3A_370 : i32
        %rem3A_372 = arith.remsi %add3A_288, %jit3A_355 : i32
        %ne3A_373 = arith.constant 0 : i32
        %ne3A_374 = arith.cmpi ne, %rem3A_372, %ne3A_373 : i32
        %and3A_375 = arith.andi %ne3A_371, %ne3A_374 : i1
        %sub3A_376 = arith.constant 1 : i32
        %sub3A_377 = arith.subi %div3A_356, %sub3A_376 : i32
        %select_n3A_378 = arith.select %and3A_375, %sub3A_377, %div3A_356 : i32
        %add3A_379 = vector.broadcast %select_n3A_378 : i32 to vector<16xi32>
        %add3A_380 = arith.addi %add3A_379, %mul3A_349 : vector<16xi32>
        %gather3A = tpu.vector_load_idx %arg8[%shift_right_arithmetic3A_351, %and3A_354, %add3A_380] : memref<20x8x32xf32, #tpu.memory_space<vmem>>[vector<16xi32>, vector<16xi32>, vector<16xi32>], vector<16xf32>,
        %add3A_381 = vector.broadcast %select_n3A_344 : i32 to vector<16xi32>
        %add3A_382 = arith.addi %add3A_381, %mul3A_349 : vector<16xi32>
        %mul3A_383 = arith.constant 1.000000e+00 : f32
        %mul3A_384 = vector.broadcast %mul3A_383 : f32 to vector<16xf32>
        %mul3A_385 = arith.mulf %gather3A, %mul3A_384 : vector<16xf32>
        %convert_element_type3A_386 = arith.fptosi %mul3A_385 : vector<16xf32> to vector<16xi32>
        %convert_element_type3A_387 = arith.sitofp %convert_element_type3A_386 : vector<16xi32> to vector<16xf32>
        %sub3A_388 = arith.subf %mul3A_385, %convert_element_type3A_387 : vector<16xf32>
        %sub3A_389 = arith.constant 1.000000e+00 : f32
        %sub3A_390 = vector.broadcast %sub3A_389 : f32 to vector<16xf32>
        %sub3A_391 = arith.subf %sub3A_390, %sub3A_388 : vector<16xf32>
        %sub3A_392 = arith.constant 4 : i32
        %sub3A_393 = vector.broadcast %sub3A_392 : i32 to vector<16xi32>
        %sub3A_394 = arith.subi %convert_element_type3A_386, %sub3A_393 : vector<16xi32>
        %add3A_395 = arith.constant 0 : i32
        %add3A_396 = vector.broadcast %add3A_395 : i32 to vector<16xi32>
        %add3A_397 = arith.addi %sub3A_394, %add3A_396 : vector<16xi32>
        %max3A = arith.constant 0 : i32
        %max3A_398 = vector.broadcast %max3A : i32 to vector<16xi32>
        %max3A_399 = arith.maxsi %add3A_397, %max3A_398 : vector<16xi32>
        %shift_right_arithmetic3A_400 = arith.constant 3 : i32
        %shift_right_arithmetic3A_401 = vector.broadcast %shift_right_arithmetic3A_400 : i32 to vector<16xi32>
        %shift_right_arithmetic3A_402 = arith.shrsi %max3A_399, %shift_right_arithmetic3A_401 : vector<16xi32>
        %and3A_403 = arith.constant 7 : i32
        %and3A_404 = vector.broadcast %and3A_403 : i32 to vector<16xi32>
        %and3A_405 = arith.andi %max3A_399, %and3A_404 : vector<16xi32>
        %gather3A_406 = tpu.vector_load_idx %arg9[%shift_right_arithmetic3A_402, %and3A_405, %add3A_285] : memref<20x8x128xf32, #tpu.memory_space<vmem>>[vector<16xi32>, vector<16xi32>, vector<16xi32>], vector<16xf32>,
        %ge3A_407 = arith.constant 0 : i32
        %ge3A_408 = vector.broadcast %ge3A_407 : i32 to vector<16xi32>
        %ge3A_409 = arith.cmpi sge, %add3A_397, %ge3A_408 : vector<16xi32>
        %jit3A_410 = arith.constant 0.000000e+00 : f32
        %broadcast_in_dim3A = vector.broadcast %jit3A_410 : f32 to vector<16xf32>
        %select_n3A_411 = arith.select %ge3A_409, %gather3A_406, %broadcast_in_dim3A : vector<16xi1>, vector<16xf32>
        %add3A_412 = arith.constant 1 : i32
        %add3A_413 = vector.broadcast %add3A_412 : i32 to vector<16xi32>
        %add3A_414 = arith.addi %sub3A_394, %add3A_413 : vector<16xi32>
        %max3A_415 = arith.constant 0 : i32
        %max3A_416 = vector.broadcast %max3A_415 : i32 to vector<16xi32>
        %max3A_417 = arith.maxsi %add3A_414, %max3A_416 : vector<16xi32>
        %shift_right_arithmetic3A_418 = arith.constant 3 : i32
        %shift_right_arithmetic3A_419 = vector.broadcast %shift_right_arithmetic3A_418 : i32 to vector<16xi32>
        %shift_right_arithmetic3A_420 = arith.shrsi %max3A_417, %shift_right_arithmetic3A_419 : vector<16xi32>
        %and3A_421 = arith.constant 7 : i32
        %and3A_422 = vector.broadcast %and3A_421 : i32 to vector<16xi32>
        %and3A_423 = arith.andi %max3A_417, %and3A_422 : vector<16xi32>
        %gather3A_424 = tpu.vector_load_idx %arg9[%shift_right_arithmetic3A_420, %and3A_423, %add3A_285] : memref<20x8x128xf32, #tpu.memory_space<vmem>>[vector<16xi32>, vector<16xi32>, vector<16xi32>], vector<16xf32>,
        %ge3A_425 = arith.constant 0 : i32
        %ge3A_426 = vector.broadcast %ge3A_425 : i32 to vector<16xi32>
        %ge3A_427 = arith.cmpi sge, %add3A_414, %ge3A_426 : vector<16xi32>
        %jit3A_428 = arith.constant 0.000000e+00 : f32
        %broadcast_in_dim3A_429 = vector.broadcast %jit3A_428 : f32 to vector<16xf32>
        %select_n3A_430 = arith.select %ge3A_427, %gather3A_424, %broadcast_in_dim3A_429 : vector<16xi1>, vector<16xf32>
        %add3A_431 = arith.constant 2 : i32
        %add3A_432 = vector.broadcast %add3A_431 : i32 to vector<16xi32>
        %add3A_433 = arith.addi %sub3A_394, %add3A_432 : vector<16xi32>
        %max3A_434 = arith.constant 0 : i32
        %max3A_435 = vector.broadcast %max3A_434 : i32 to vector<16xi32>
        %max3A_436 = arith.maxsi %add3A_433, %max3A_435 : vector<16xi32>
        %shift_right_arithmetic3A_437 = arith.constant 3 : i32
        %shift_right_arithmetic3A_438 = vector.broadcast %shift_right_arithmetic3A_437 : i32 to vector<16xi32>
        %shift_right_arithmetic3A_439 = arith.shrsi %max3A_436, %shift_right_arithmetic3A_438 : vector<16xi32>
        %and3A_440 = arith.constant 7 : i32
        %and3A_441 = vector.broadcast %and3A_440 : i32 to vector<16xi32>
        %and3A_442 = arith.andi %max3A_436, %and3A_441 : vector<16xi32>
        %gather3A_443 = tpu.vector_load_idx %arg9[%shift_right_arithmetic3A_439, %and3A_442, %add3A_285] : memref<20x8x128xf32, #tpu.memory_space<vmem>>[vector<16xi32>, vector<16xi32>, vector<16xi32>], vector<16xf32>,
        %ge3A_444 = arith.constant 0 : i32
        %ge3A_445 = vector.broadcast %ge3A_444 : i32 to vector<16xi32>
        %ge3A_446 = arith.cmpi sge, %add3A_433, %ge3A_445 : vector<16xi32>
        %jit3A_447 = arith.constant 0.000000e+00 : f32
        %broadcast_in_dim3A_448 = vector.broadcast %jit3A_447 : f32 to vector<16xf32>
        %select_n3A_449 = arith.select %ge3A_446, %gather3A_443, %broadcast_in_dim3A_448 : vector<16xi1>, vector<16xf32>
        %add3A_450 = arith.constant 3 : i32
        %add3A_451 = vector.broadcast %add3A_450 : i32 to vector<16xi32>
        %add3A_452 = arith.addi %sub3A_394, %add3A_451 : vector<16xi32>
        %max3A_453 = arith.constant 0 : i32
        %max3A_454 = vector.broadcast %max3A_453 : i32 to vector<16xi32>
        %max3A_455 = arith.maxsi %add3A_452, %max3A_454 : vector<16xi32>
        %shift_right_arithmetic3A_456 = arith.constant 3 : i32
        %shift_right_arithmetic3A_457 = vector.broadcast %shift_right_arithmetic3A_456 : i32 to vector<16xi32>
        %shift_right_arithmetic3A_458 = arith.shrsi %max3A_455, %shift_right_arithmetic3A_457 : vector<16xi32>
        %and3A_459 = arith.constant 7 : i32
        %and3A_460 = vector.broadcast %and3A_459 : i32 to vector<16xi32>
        %and3A_461 = arith.andi %max3A_455, %and3A_460 : vector<16xi32>
        %gather3A_462 = tpu.vector_load_idx %arg9[%shift_right_arithmetic3A_458, %and3A_461, %add3A_285] : memref<20x8x128xf32, #tpu.memory_space<vmem>>[vector<16xi32>, vector<16xi32>, vector<16xi32>], vector<16xf32>,
        %ge3A_463 = arith.constant 0 : i32
        %ge3A_464 = vector.broadcast %ge3A_463 : i32 to vector<16xi32>
        %ge3A_465 = arith.cmpi sge, %add3A_452, %ge3A_464 : vector<16xi32>
        %jit3A_466 = arith.constant 0.000000e+00 : f32
        %broadcast_in_dim3A_467 = vector.broadcast %jit3A_466 : f32 to vector<16xf32>
        %select_n3A_468 = arith.select %ge3A_465, %gather3A_462, %broadcast_in_dim3A_467 : vector<16xi1>, vector<16xf32>
        %add3A_469 = arith.constant 4 : i32
        %add3A_470 = vector.broadcast %add3A_469 : i32 to vector<16xi32>
        %add3A_471 = arith.addi %sub3A_394, %add3A_470 : vector<16xi32>
        %shift_right_arithmetic3A_472 = arith.constant 3 : i32
        %shift_right_arithmetic3A_473 = vector.broadcast %shift_right_arithmetic3A_472 : i32 to vector<16xi32>
        %shift_right_arithmetic3A_474 = arith.shrsi %add3A_471, %shift_right_arithmetic3A_473 : vector<16xi32>
        %and3A_475 = arith.constant 7 : i32
        %and3A_476 = vector.broadcast %and3A_475 : i32 to vector<16xi32>
        %and3A_477 = arith.andi %add3A_471, %and3A_476 : vector<16xi32>
        %gather3A_478 = tpu.vector_load_idx %arg9[%shift_right_arithmetic3A_474, %and3A_477, %add3A_285] : memref<20x8x128xf32, #tpu.memory_space<vmem>>[vector<16xi32>, vector<16xi32>, vector<16xi32>], vector<16xf32>,
        %add3A_479 = arith.constant 5 : i32
        %add3A_480 = vector.broadcast %add3A_479 : i32 to vector<16xi32>
        %add3A_481 = arith.addi %sub3A_394, %add3A_480 : vector<16xi32>
        %min3A = arith.constant 159 : i32
        %min3A_482 = vector.broadcast %min3A : i32 to vector<16xi32>
        %min3A_483 = arith.minsi %add3A_481, %min3A_482 : vector<16xi32>
        %shift_right_arithmetic3A_484 = arith.constant 3 : i32
        %shift_right_arithmetic3A_485 = vector.broadcast %shift_right_arithmetic3A_484 : i32 to vector<16xi32>
        %shift_right_arithmetic3A_486 = arith.shrsi %min3A_483, %shift_right_arithmetic3A_485 : vector<16xi32>
        %and3A_487 = arith.constant 7 : i32
        %and3A_488 = vector.broadcast %and3A_487 : i32 to vector<16xi32>
        %and3A_489 = arith.andi %min3A_483, %and3A_488 : vector<16xi32>
        %gather3A_490 = tpu.vector_load_idx %arg9[%shift_right_arithmetic3A_486, %and3A_489, %add3A_285] : memref<20x8x128xf32, #tpu.memory_space<vmem>>[vector<16xi32>, vector<16xi32>, vector<16xi32>], vector<16xf32>,
        %lt3A_491 = arith.constant 160 : i32
        %lt3A_492 = vector.broadcast %lt3A_491 : i32 to vector<16xi32>
        %lt3A_493 = arith.cmpi slt, %add3A_481, %lt3A_492 : vector<16xi32>
        %jit3A_494 = arith.constant 0.000000e+00 : f32
        %broadcast_in_dim3A_495 = vector.broadcast %jit3A_494 : f32 to vector<16xf32>
        %select_n3A_496 = arith.select %lt3A_493, %gather3A_490, %broadcast_in_dim3A_495 : vector<16xi1>, vector<16xf32>
        %add3A_497 = arith.constant 6 : i32
        %add3A_498 = vector.broadcast %add3A_497 : i32 to vector<16xi32>
        %add3A_499 = arith.addi %sub3A_394, %add3A_498 : vector<16xi32>
        %min3A_500 = arith.constant 159 : i32
        %min3A_501 = vector.broadcast %min3A_500 : i32 to vector<16xi32>
        %min3A_502 = arith.minsi %add3A_499, %min3A_501 : vector<16xi32>
        %shift_right_arithmetic3A_503 = arith.constant 3 : i32
        %shift_right_arithmetic3A_504 = vector.broadcast %shift_right_arithmetic3A_503 : i32 to vector<16xi32>
        %shift_right_arithmetic3A_505 = arith.shrsi %min3A_502, %shift_right_arithmetic3A_504 : vector<16xi32>
        %and3A_506 = arith.constant 7 : i32
        %and3A_507 = vector.broadcast %and3A_506 : i32 to vector<16xi32>
        %and3A_508 = arith.andi %min3A_502, %and3A_507 : vector<16xi32>
        %gather3A_509 = tpu.vector_load_idx %arg9[%shift_right_arithmetic3A_505, %and3A_508, %add3A_285] : memref<20x8x128xf32, #tpu.memory_space<vmem>>[vector<16xi32>, vector<16xi32>, vector<16xi32>], vector<16xf32>,
        %lt3A_510 = arith.constant 160 : i32
        %lt3A_511 = vector.broadcast %lt3A_510 : i32 to vector<16xi32>
        %lt3A_512 = arith.cmpi slt, %add3A_499, %lt3A_511 : vector<16xi32>
        %jit3A_513 = arith.constant 0.000000e+00 : f32
        %broadcast_in_dim3A_514 = vector.broadcast %jit3A_513 : f32 to vector<16xf32>
        %select_n3A_515 = arith.select %lt3A_512, %gather3A_509, %broadcast_in_dim3A_514 : vector<16xi1>, vector<16xf32>
        %add3A_516 = arith.constant 7 : i32
        %add3A_517 = vector.broadcast %add3A_516 : i32 to vector<16xi32>
        %add3A_518 = arith.addi %sub3A_394, %add3A_517 : vector<16xi32>
        %min3A_519 = arith.constant 159 : i32
        %min3A_520 = vector.broadcast %min3A_519 : i32 to vector<16xi32>
        %min3A_521 = arith.minsi %add3A_518, %min3A_520 : vector<16xi32>
        %shift_right_arithmetic3A_522 = arith.constant 3 : i32
        %shift_right_arithmetic3A_523 = vector.broadcast %shift_right_arithmetic3A_522 : i32 to vector<16xi32>
        %shift_right_arithmetic3A_524 = arith.shrsi %min3A_521, %shift_right_arithmetic3A_523 : vector<16xi32>
        %and3A_525 = arith.constant 7 : i32
        %and3A_526 = vector.broadcast %and3A_525 : i32 to vector<16xi32>
        %and3A_527 = arith.andi %min3A_521, %and3A_526 : vector<16xi32>
        %gather3A_528 = tpu.vector_load_idx %arg9[%shift_right_arithmetic3A_524, %and3A_527, %add3A_285] : memref<20x8x128xf32, #tpu.memory_space<vmem>>[vector<16xi32>, vector<16xi32>, vector<16xi32>], vector<16xf32>,
        %lt3A_529 = arith.constant 160 : i32
        %lt3A_530 = vector.broadcast %lt3A_529 : i32 to vector<16xi32>
        %lt3A_531 = arith.cmpi slt, %add3A_518, %lt3A_530 : vector<16xi32>
        %jit3A_532 = arith.constant 0.000000e+00 : f32
        %broadcast_in_dim3A_533 = vector.broadcast %jit3A_532 : f32 to vector<16xf32>
        %select_n3A_534 = arith.select %lt3A_531, %gather3A_528, %broadcast_in_dim3A_533 : vector<16xi1>, vector<16xf32>
        %add3A_535 = arith.constant 8 : i32
        %add3A_536 = vector.broadcast %add3A_535 : i32 to vector<16xi32>
        %add3A_537 = arith.addi %sub3A_394, %add3A_536 : vector<16xi32>
        %min3A_538 = arith.constant 159 : i32
        %min3A_539 = vector.broadcast %min3A_538 : i32 to vector<16xi32>
        %min3A_540 = arith.minsi %add3A_537, %min3A_539 : vector<16xi32>
        %shift_right_arithmetic3A_541 = arith.constant 3 : i32
        %shift_right_arithmetic3A_542 = vector.broadcast %shift_right_arithmetic3A_541 : i32 to vector<16xi32>
        %shift_right_arithmetic3A_543 = arith.shrsi %min3A_540, %shift_right_arithmetic3A_542 : vector<16xi32>
        %and3A_544 = arith.constant 7 : i32
        %and3A_545 = vector.broadcast %and3A_544 : i32 to vector<16xi32>
        %and3A_546 = arith.andi %min3A_540, %and3A_545 : vector<16xi32>
        %gather3A_547 = tpu.vector_load_idx %arg9[%shift_right_arithmetic3A_543, %and3A_546, %add3A_285] : memref<20x8x128xf32, #tpu.memory_space<vmem>>[vector<16xi32>, vector<16xi32>, vector<16xi32>], vector<16xf32>,
        %lt3A_548 = arith.constant 160 : i32
        %lt3A_549 = vector.broadcast %lt3A_548 : i32 to vector<16xi32>
        %lt3A_550 = arith.cmpi slt, %add3A_537, %lt3A_549 : vector<16xi32>
        %jit3A_551 = arith.constant 0.000000e+00 : f32
        %broadcast_in_dim3A_552 = vector.broadcast %jit3A_551 : f32 to vector<16xf32>
        %select_n3A_553 = arith.select %lt3A_550, %gather3A_547, %broadcast_in_dim3A_552 : vector<16xi1>, vector<16xf32>
        %add3A_554 = arith.constant 9 : i32
        %add3A_555 = vector.broadcast %add3A_554 : i32 to vector<16xi32>
        %add3A_556 = arith.addi %sub3A_394, %add3A_555 : vector<16xi32>
        %min3A_557 = arith.constant 159 : i32
        %min3A_558 = vector.broadcast %min3A_557 : i32 to vector<16xi32>
        %min3A_559 = arith.minsi %add3A_556, %min3A_558 : vector<16xi32>
        %shift_right_arithmetic3A_560 = arith.constant 3 : i32
        %shift_right_arithmetic3A_561 = vector.broadcast %shift_right_arithmetic3A_560 : i32 to vector<16xi32>
        %shift_right_arithmetic3A_562 = arith.shrsi %min3A_559, %shift_right_arithmetic3A_561 : vector<16xi32>
        %and3A_563 = arith.constant 7 : i32
        %and3A_564 = vector.broadcast %and3A_563 : i32 to vector<16xi32>
        %and3A_565 = arith.andi %min3A_559, %and3A_564 : vector<16xi32>
        %gather3A_566 = tpu.vector_load_idx %arg9[%shift_right_arithmetic3A_562, %and3A_565, %add3A_285] : memref<20x8x128xf32, #tpu.memory_space<vmem>>[vector<16xi32>, vector<16xi32>, vector<16xi32>], vector<16xf32>,
        %lt3A_567 = arith.constant 160 : i32
        %lt3A_568 = vector.broadcast %lt3A_567 : i32 to vector<16xi32>
        %lt3A_569 = arith.cmpi slt, %add3A_556, %lt3A_568 : vector<16xi32>
        %jit3A_570 = arith.constant 0.000000e+00 : f32
        %broadcast_in_dim3A_571 = vector.broadcast %jit3A_570 : f32 to vector<16xf32>
        %select_n3A_572 = arith.select %lt3A_569, %gather3A_566, %broadcast_in_dim3A_571 : vector<16xi1>, vector<16xf32>
        %add3A_573 = arith.constant 0 : i32
        %add3A_574 = vector.broadcast %add3A_573 : i32 to vector<16xi32>
        %add3A_575 = arith.addi %add3A_574, %mul3A_349 : vector<16xi32>
        %mul3A_576 = arith.mulf %select_n3A_411, %sub3A_391 : vector<16xf32>
        %mul3A_577 = arith.mulf %select_n3A_430, %sub3A_388 : vector<16xf32>
        %add3A_578 = arith.addf %mul3A_576, %mul3A_577 : vector<16xf32>
        tpu.vector_store_idx %arg17[%add3A_575, %add3A_346, %add3A_382], %add3A_578 : memref<36x160x8xf32, #tpu.memory_space<vmem>>[vector<16xi32>, vector<16xi32>, vector<16xi32>], vector<16xf32>,
        %add3A_579 = arith.constant 1 : i32
        %add3A_580 = vector.broadcast %add3A_579 : i32 to vector<16xi32>
        %add3A_581 = arith.addi %add3A_580, %mul3A_349 : vector<16xi32>
        %mul3A_582 = arith.mulf %select_n3A_430, %sub3A_391 : vector<16xf32>
        %mul3A_583 = arith.mulf %select_n3A_449, %sub3A_388 : vector<16xf32>
        %add3A_584 = arith.addf %mul3A_582, %mul3A_583 : vector<16xf32>
        tpu.vector_store_idx %arg17[%add3A_581, %add3A_346, %add3A_382], %add3A_584 : memref<36x160x8xf32, #tpu.memory_space<vmem>>[vector<16xi32>, vector<16xi32>, vector<16xi32>], vector<16xf32>,
        %add3A_585 = arith.constant 2 : i32
        %add3A_586 = vector.broadcast %add3A_585 : i32 to vector<16xi32>
        %add3A_587 = arith.addi %add3A_586, %mul3A_349 : vector<16xi32>
        %mul3A_588 = arith.mulf %select_n3A_449, %sub3A_391 : vector<16xf32>
        %mul3A_589 = arith.mulf %select_n3A_468, %sub3A_388 : vector<16xf32>
        %add3A_590 = arith.addf %mul3A_588, %mul3A_589 : vector<16xf32>
        tpu.vector_store_idx %arg17[%add3A_587, %add3A_346, %add3A_382], %add3A_590 : memref<36x160x8xf32, #tpu.memory_space<vmem>>[vector<16xi32>, vector<16xi32>, vector<16xi32>], vector<16xf32>,
        %add3A_591 = arith.constant 3 : i32
        %add3A_592 = vector.broadcast %add3A_591 : i32 to vector<16xi32>
        %add3A_593 = arith.addi %add3A_592, %mul3A_349 : vector<16xi32>
        %mul3A_594 = arith.mulf %select_n3A_468, %sub3A_391 : vector<16xf32>
        %mul3A_595 = arith.mulf %gather3A_478, %sub3A_388 : vector<16xf32>
        %add3A_596 = arith.addf %mul3A_594, %mul3A_595 : vector<16xf32>
        tpu.vector_store_idx %arg17[%add3A_593, %add3A_346, %add3A_382], %add3A_596 : memref<36x160x8xf32, #tpu.memory_space<vmem>>[vector<16xi32>, vector<16xi32>, vector<16xi32>], vector<16xf32>,
        %add3A_597 = arith.constant 4 : i32
        %add3A_598 = vector.broadcast %add3A_597 : i32 to vector<16xi32>
        %add3A_599 = arith.addi %add3A_598, %mul3A_349 : vector<16xi32>
        %mul3A_600 = arith.mulf %gather3A_478, %sub3A_391 : vector<16xf32>
        %mul3A_601 = arith.mulf %select_n3A_496, %sub3A_388 : vector<16xf32>
        %add3A_602 = arith.addf %mul3A_600, %mul3A_601 : vector<16xf32>
        tpu.vector_store_idx %arg17[%add3A_599, %add3A_346, %add3A_382], %add3A_602 : memref<36x160x8xf32, #tpu.memory_space<vmem>>[vector<16xi32>, vector<16xi32>, vector<16xi32>], vector<16xf32>,
        %add3A_603 = arith.constant 5 : i32
        %add3A_604 = vector.broadcast %add3A_603 : i32 to vector<16xi32>
        %add3A_605 = arith.addi %add3A_604, %mul3A_349 : vector<16xi32>
        %mul3A_606 = arith.mulf %select_n3A_496, %sub3A_391 : vector<16xf32>
        %mul3A_607 = arith.mulf %select_n3A_515, %sub3A_388 : vector<16xf32>
        %add3A_608 = arith.addf %mul3A_606, %mul3A_607 : vector<16xf32>
        tpu.vector_store_idx %arg17[%add3A_605, %add3A_346, %add3A_382], %add3A_608 : memref<36x160x8xf32, #tpu.memory_space<vmem>>[vector<16xi32>, vector<16xi32>, vector<16xi32>], vector<16xf32>,
        %add3A_609 = arith.constant 6 : i32
        %add3A_610 = vector.broadcast %add3A_609 : i32 to vector<16xi32>
        %add3A_611 = arith.addi %add3A_610, %mul3A_349 : vector<16xi32>
        %mul3A_612 = arith.mulf %select_n3A_515, %sub3A_391 : vector<16xf32>
        %mul3A_613 = arith.mulf %select_n3A_534, %sub3A_388 : vector<16xf32>
        %add3A_614 = arith.addf %mul3A_612, %mul3A_613 : vector<16xf32>
        tpu.vector_store_idx %arg17[%add3A_611, %add3A_346, %add3A_382], %add3A_614 : memref<36x160x8xf32, #tpu.memory_space<vmem>>[vector<16xi32>, vector<16xi32>, vector<16xi32>], vector<16xf32>,
        %add3A_615 = arith.constant 7 : i32
        %add3A_616 = vector.broadcast %add3A_615 : i32 to vector<16xi32>
        %add3A_617 = arith.addi %add3A_616, %mul3A_349 : vector<16xi32>
        %mul3A_618 = arith.mulf %select_n3A_534, %sub3A_391 : vector<16xf32>
        %mul3A_619 = arith.mulf %select_n3A_553, %sub3A_388 : vector<16xf32>
        %add3A_620 = arith.addf %mul3A_618, %mul3A_619 : vector<16xf32>
        tpu.vector_store_idx %arg17[%add3A_617, %add3A_346, %add3A_382], %add3A_620 : memref<36x160x8xf32, #tpu.memory_space<vmem>>[vector<16xi32>, vector<16xi32>, vector<16xi32>], vector<16xf32>,
        %add3A_621 = arith.constant 8 : i32
        %add3A_622 = vector.broadcast %add3A_621 : i32 to vector<16xi32>
        %add3A_623 = arith.addi %add3A_622, %mul3A_349 : vector<16xi32>
        %mul3A_624 = arith.mulf %select_n3A_553, %sub3A_391 : vector<16xf32>
        %mul3A_625 = arith.mulf %select_n3A_572, %sub3A_388 : vector<16xf32>
        %add3A_626 = arith.addf %mul3A_624, %mul3A_625 : vector<16xf32>
        tpu.vector_store_idx %arg17[%add3A_623, %add3A_346, %add3A_382], %add3A_626 : memref<36x160x8xf32, #tpu.memory_space<vmem>>[vector<16xi32>, vector<16xi32>, vector<16xi32>], vector<16xf32>,
        %mul3A_627 = arith.constant 5.000000e-01 : f32
        %mul3A_628 = vector.broadcast %mul3A_627 : f32 to vector<16xf32>
        %mul3A_629 = arith.mulf %gather3A, %mul3A_628 : vector<16xf32>
        %convert_element_type3A_630 = arith.fptosi %mul3A_629 : vector<16xf32> to vector<16xi32>
        %convert_element_type3A_631 = arith.sitofp %convert_element_type3A_630 : vector<16xi32> to vector<16xf32>
        %sub3A_632 = arith.subf %mul3A_629, %convert_element_type3A_631 : vector<16xf32>
        %sub3A_633 = arith.constant 1.000000e+00 : f32
        %sub3A_634 = vector.broadcast %sub3A_633 : f32 to vector<16xf32>
        %sub3A_635 = arith.subf %sub3A_634, %sub3A_632 : vector<16xf32>
        %sub3A_636 = arith.constant 4 : i32
        %sub3A_637 = vector.broadcast %sub3A_636 : i32 to vector<16xi32>
        %sub3A_638 = arith.subi %convert_element_type3A_630, %sub3A_637 : vector<16xi32>
        %add3A_639 = arith.constant 0 : i32
        %add3A_640 = vector.broadcast %add3A_639 : i32 to vector<16xi32>
        %add3A_641 = arith.addi %sub3A_638, %add3A_640 : vector<16xi32>
        %max3A_642 = arith.constant 0 : i32
        %max3A_643 = vector.broadcast %max3A_642 : i32 to vector<16xi32>
        %max3A_644 = arith.maxsi %add3A_641, %max3A_643 : vector<16xi32>
        %shift_right_arithmetic3A_645 = arith.constant 3 : i32
        %shift_right_arithmetic3A_646 = vector.broadcast %shift_right_arithmetic3A_645 : i32 to vector<16xi32>
        %shift_right_arithmetic3A_647 = arith.shrsi %max3A_644, %shift_right_arithmetic3A_646 : vector<16xi32>
        %and3A_648 = arith.constant 7 : i32
        %and3A_649 = vector.broadcast %and3A_648 : i32 to vector<16xi32>
        %and3A_650 = arith.andi %max3A_644, %and3A_649 : vector<16xi32>
        %gather3A_651 = tpu.vector_load_idx %arg10[%shift_right_arithmetic3A_647, %and3A_650, %add3A_285] : memref<10x8x128xf32, #tpu.memory_space<vmem>>[vector<16xi32>, vector<16xi32>, vector<16xi32>], vector<16xf32>,
        %ge3A_652 = arith.constant 0 : i32
        %ge3A_653 = vector.broadcast %ge3A_652 : i32 to vector<16xi32>
        %ge3A_654 = arith.cmpi sge, %add3A_641, %ge3A_653 : vector<16xi32>
        %jit3A_655 = arith.constant 0.000000e+00 : f32
        %broadcast_in_dim3A_656 = vector.broadcast %jit3A_655 : f32 to vector<16xf32>
        %select_n3A_657 = arith.select %ge3A_654, %gather3A_651, %broadcast_in_dim3A_656 : vector<16xi1>, vector<16xf32>
        %add3A_658 = arith.constant 1 : i32
        %add3A_659 = vector.broadcast %add3A_658 : i32 to vector<16xi32>
        %add3A_660 = arith.addi %sub3A_638, %add3A_659 : vector<16xi32>
        %max3A_661 = arith.constant 0 : i32
        %max3A_662 = vector.broadcast %max3A_661 : i32 to vector<16xi32>
        %max3A_663 = arith.maxsi %add3A_660, %max3A_662 : vector<16xi32>
        %shift_right_arithmetic3A_664 = arith.constant 3 : i32
        %shift_right_arithmetic3A_665 = vector.broadcast %shift_right_arithmetic3A_664 : i32 to vector<16xi32>
        %shift_right_arithmetic3A_666 = arith.shrsi %max3A_663, %shift_right_arithmetic3A_665 : vector<16xi32>
        %and3A_667 = arith.constant 7 : i32
        %and3A_668 = vector.broadcast %and3A_667 : i32 to vector<16xi32>
        %and3A_669 = arith.andi %max3A_663, %and3A_668 : vector<16xi32>
        %gather3A_670 = tpu.vector_load_idx %arg10[%shift_right_arithmetic3A_666, %and3A_669, %add3A_285] : memref<10x8x128xf32, #tpu.memory_space<vmem>>[vector<16xi32>, vector<16xi32>, vector<16xi32>], vector<16xf32>,
        %ge3A_671 = arith.constant 0 : i32
        %ge3A_672 = vector.broadcast %ge3A_671 : i32 to vector<16xi32>
        %ge3A_673 = arith.cmpi sge, %add3A_660, %ge3A_672 : vector<16xi32>
        %jit3A_674 = arith.constant 0.000000e+00 : f32
        %broadcast_in_dim3A_675 = vector.broadcast %jit3A_674 : f32 to vector<16xf32>
        %select_n3A_676 = arith.select %ge3A_673, %gather3A_670, %broadcast_in_dim3A_675 : vector<16xi1>, vector<16xf32>
        %add3A_677 = arith.constant 2 : i32
        %add3A_678 = vector.broadcast %add3A_677 : i32 to vector<16xi32>
        %add3A_679 = arith.addi %sub3A_638, %add3A_678 : vector<16xi32>
        %max3A_680 = arith.constant 0 : i32
        %max3A_681 = vector.broadcast %max3A_680 : i32 to vector<16xi32>
        %max3A_682 = arith.maxsi %add3A_679, %max3A_681 : vector<16xi32>
        %shift_right_arithmetic3A_683 = arith.constant 3 : i32
        %shift_right_arithmetic3A_684 = vector.broadcast %shift_right_arithmetic3A_683 : i32 to vector<16xi32>
        %shift_right_arithmetic3A_685 = arith.shrsi %max3A_682, %shift_right_arithmetic3A_684 : vector<16xi32>
        %and3A_686 = arith.constant 7 : i32
        %and3A_687 = vector.broadcast %and3A_686 : i32 to vector<16xi32>
        %and3A_688 = arith.andi %max3A_682, %and3A_687 : vector<16xi32>
        %gather3A_689 = tpu.vector_load_idx %arg10[%shift_right_arithmetic3A_685, %and3A_688, %add3A_285] : memref<10x8x128xf32, #tpu.memory_space<vmem>>[vector<16xi32>, vector<16xi32>, vector<16xi32>], vector<16xf32>,
        %ge3A_690 = arith.constant 0 : i32
        %ge3A_691 = vector.broadcast %ge3A_690 : i32 to vector<16xi32>
        %ge3A_692 = arith.cmpi sge, %add3A_679, %ge3A_691 : vector<16xi32>
        %jit3A_693 = arith.constant 0.000000e+00 : f32
        %broadcast_in_dim3A_694 = vector.broadcast %jit3A_693 : f32 to vector<16xf32>
        %select_n3A_695 = arith.select %ge3A_692, %gather3A_689, %broadcast_in_dim3A_694 : vector<16xi1>, vector<16xf32>
        %add3A_696 = arith.constant 3 : i32
        %add3A_697 = vector.broadcast %add3A_696 : i32 to vector<16xi32>
        %add3A_698 = arith.addi %sub3A_638, %add3A_697 : vector<16xi32>
        %max3A_699 = arith.constant 0 : i32
        %max3A_700 = vector.broadcast %max3A_699 : i32 to vector<16xi32>
        %max3A_701 = arith.maxsi %add3A_698, %max3A_700 : vector<16xi32>
        %shift_right_arithmetic3A_702 = arith.constant 3 : i32
        %shift_right_arithmetic3A_703 = vector.broadcast %shift_right_arithmetic3A_702 : i32 to vector<16xi32>
        %shift_right_arithmetic3A_704 = arith.shrsi %max3A_701, %shift_right_arithmetic3A_703 : vector<16xi32>
        %and3A_705 = arith.constant 7 : i32
        %and3A_706 = vector.broadcast %and3A_705 : i32 to vector<16xi32>
        %and3A_707 = arith.andi %max3A_701, %and3A_706 : vector<16xi32>
        %gather3A_708 = tpu.vector_load_idx %arg10[%shift_right_arithmetic3A_704, %and3A_707, %add3A_285] : memref<10x8x128xf32, #tpu.memory_space<vmem>>[vector<16xi32>, vector<16xi32>, vector<16xi32>], vector<16xf32>,
        %ge3A_709 = arith.constant 0 : i32
        %ge3A_710 = vector.broadcast %ge3A_709 : i32 to vector<16xi32>
        %ge3A_711 = arith.cmpi sge, %add3A_698, %ge3A_710 : vector<16xi32>
        %jit3A_712 = arith.constant 0.000000e+00 : f32
        %broadcast_in_dim3A_713 = vector.broadcast %jit3A_712 : f32 to vector<16xf32>
        %select_n3A_714 = arith.select %ge3A_711, %gather3A_708, %broadcast_in_dim3A_713 : vector<16xi1>, vector<16xf32>
        %add3A_715 = arith.constant 4 : i32
        %add3A_716 = vector.broadcast %add3A_715 : i32 to vector<16xi32>
        %add3A_717 = arith.addi %sub3A_638, %add3A_716 : vector<16xi32>
        %shift_right_arithmetic3A_718 = arith.constant 3 : i32
        %shift_right_arithmetic3A_719 = vector.broadcast %shift_right_arithmetic3A_718 : i32 to vector<16xi32>
        %shift_right_arithmetic3A_720 = arith.shrsi %add3A_717, %shift_right_arithmetic3A_719 : vector<16xi32>
        %and3A_721 = arith.constant 7 : i32
        %and3A_722 = vector.broadcast %and3A_721 : i32 to vector<16xi32>
        %and3A_723 = arith.andi %add3A_717, %and3A_722 : vector<16xi32>
        %gather3A_724 = tpu.vector_load_idx %arg10[%shift_right_arithmetic3A_720, %and3A_723, %add3A_285] : memref<10x8x128xf32, #tpu.memory_space<vmem>>[vector<16xi32>, vector<16xi32>, vector<16xi32>], vector<16xf32>,
        %add3A_725 = arith.constant 5 : i32
        %add3A_726 = vector.broadcast %add3A_725 : i32 to vector<16xi32>
        %add3A_727 = arith.addi %sub3A_638, %add3A_726 : vector<16xi32>
        %min3A_728 = arith.constant 79 : i32
        %min3A_729 = vector.broadcast %min3A_728 : i32 to vector<16xi32>
        %min3A_730 = arith.minsi %add3A_727, %min3A_729 : vector<16xi32>
        %shift_right_arithmetic3A_731 = arith.constant 3 : i32
        %shift_right_arithmetic3A_732 = vector.broadcast %shift_right_arithmetic3A_731 : i32 to vector<16xi32>
        %shift_right_arithmetic3A_733 = arith.shrsi %min3A_730, %shift_right_arithmetic3A_732 : vector<16xi32>
        %and3A_734 = arith.constant 7 : i32
        %and3A_735 = vector.broadcast %and3A_734 : i32 to vector<16xi32>
        %and3A_736 = arith.andi %min3A_730, %and3A_735 : vector<16xi32>
        %gather3A_737 = tpu.vector_load_idx %arg10[%shift_right_arithmetic3A_733, %and3A_736, %add3A_285] : memref<10x8x128xf32, #tpu.memory_space<vmem>>[vector<16xi32>, vector<16xi32>, vector<16xi32>], vector<16xf32>,
        %lt3A_738 = arith.constant 80 : i32
        %lt3A_739 = vector.broadcast %lt3A_738 : i32 to vector<16xi32>
        %lt3A_740 = arith.cmpi slt, %add3A_727, %lt3A_739 : vector<16xi32>
        %jit3A_741 = arith.constant 0.000000e+00 : f32
        %broadcast_in_dim3A_742 = vector.broadcast %jit3A_741 : f32 to vector<16xf32>
        %select_n3A_743 = arith.select %lt3A_740, %gather3A_737, %broadcast_in_dim3A_742 : vector<16xi1>, vector<16xf32>
        %add3A_744 = arith.constant 6 : i32
        %add3A_745 = vector.broadcast %add3A_744 : i32 to vector<16xi32>
        %add3A_746 = arith.addi %sub3A_638, %add3A_745 : vector<16xi32>
        %min3A_747 = arith.constant 79 : i32
        %min3A_748 = vector.broadcast %min3A_747 : i32 to vector<16xi32>
        %min3A_749 = arith.minsi %add3A_746, %min3A_748 : vector<16xi32>
        %shift_right_arithmetic3A_750 = arith.constant 3 : i32
        %shift_right_arithmetic3A_751 = vector.broadcast %shift_right_arithmetic3A_750 : i32 to vector<16xi32>
        %shift_right_arithmetic3A_752 = arith.shrsi %min3A_749, %shift_right_arithmetic3A_751 : vector<16xi32>
        %and3A_753 = arith.constant 7 : i32
        %and3A_754 = vector.broadcast %and3A_753 : i32 to vector<16xi32>
        %and3A_755 = arith.andi %min3A_749, %and3A_754 : vector<16xi32>
        %gather3A_756 = tpu.vector_load_idx %arg10[%shift_right_arithmetic3A_752, %and3A_755, %add3A_285] : memref<10x8x128xf32, #tpu.memory_space<vmem>>[vector<16xi32>, vector<16xi32>, vector<16xi32>], vector<16xf32>,
        %lt3A_757 = arith.constant 80 : i32
        %lt3A_758 = vector.broadcast %lt3A_757 : i32 to vector<16xi32>
        %lt3A_759 = arith.cmpi slt, %add3A_746, %lt3A_758 : vector<16xi32>
        %jit3A_760 = arith.constant 0.000000e+00 : f32
        %broadcast_in_dim3A_761 = vector.broadcast %jit3A_760 : f32 to vector<16xf32>
        %select_n3A_762 = arith.select %lt3A_759, %gather3A_756, %broadcast_in_dim3A_761 : vector<16xi1>, vector<16xf32>
        %add3A_763 = arith.constant 7 : i32
        %add3A_764 = vector.broadcast %add3A_763 : i32 to vector<16xi32>
        %add3A_765 = arith.addi %sub3A_638, %add3A_764 : vector<16xi32>
        %min3A_766 = arith.constant 79 : i32
        %min3A_767 = vector.broadcast %min3A_766 : i32 to vector<16xi32>
        %min3A_768 = arith.minsi %add3A_765, %min3A_767 : vector<16xi32>
        %shift_right_arithmetic3A_769 = arith.constant 3 : i32
        %shift_right_arithmetic3A_770 = vector.broadcast %shift_right_arithmetic3A_769 : i32 to vector<16xi32>
        %shift_right_arithmetic3A_771 = arith.shrsi %min3A_768, %shift_right_arithmetic3A_770 : vector<16xi32>
        %and3A_772 = arith.constant 7 : i32
        %and3A_773 = vector.broadcast %and3A_772 : i32 to vector<16xi32>
        %and3A_774 = arith.andi %min3A_768, %and3A_773 : vector<16xi32>
        %gather3A_775 = tpu.vector_load_idx %arg10[%shift_right_arithmetic3A_771, %and3A_774, %add3A_285] : memref<10x8x128xf32, #tpu.memory_space<vmem>>[vector<16xi32>, vector<16xi32>, vector<16xi32>], vector<16xf32>,
        %lt3A_776 = arith.constant 80 : i32
        %lt3A_777 = vector.broadcast %lt3A_776 : i32 to vector<16xi32>
        %lt3A_778 = arith.cmpi slt, %add3A_765, %lt3A_777 : vector<16xi32>
        %jit3A_779 = arith.constant 0.000000e+00 : f32
        %broadcast_in_dim3A_780 = vector.broadcast %jit3A_779 : f32 to vector<16xf32>
        %select_n3A_781 = arith.select %lt3A_778, %gather3A_775, %broadcast_in_dim3A_780 : vector<16xi1>, vector<16xf32>
        %add3A_782 = arith.constant 8 : i32
        %add3A_783 = vector.broadcast %add3A_782 : i32 to vector<16xi32>
        %add3A_784 = arith.addi %sub3A_638, %add3A_783 : vector<16xi32>
        %min3A_785 = arith.constant 79 : i32
        %min3A_786 = vector.broadcast %min3A_785 : i32 to vector<16xi32>
        %min3A_787 = arith.minsi %add3A_784, %min3A_786 : vector<16xi32>
        %shift_right_arithmetic3A_788 = arith.constant 3 : i32
        %shift_right_arithmetic3A_789 = vector.broadcast %shift_right_arithmetic3A_788 : i32 to vector<16xi32>
        %shift_right_arithmetic3A_790 = arith.shrsi %min3A_787, %shift_right_arithmetic3A_789 : vector<16xi32>
        %and3A_791 = arith.constant 7 : i32
        %and3A_792 = vector.broadcast %and3A_791 : i32 to vector<16xi32>
        %and3A_793 = arith.andi %min3A_787, %and3A_792 : vector<16xi32>
        %gather3A_794 = tpu.vector_load_idx %arg10[%shift_right_arithmetic3A_790, %and3A_793, %add3A_285] : memref<10x8x128xf32, #tpu.memory_space<vmem>>[vector<16xi32>, vector<16xi32>, vector<16xi32>], vector<16xf32>,
        %lt3A_795 = arith.constant 80 : i32
        %lt3A_796 = vector.broadcast %lt3A_795 : i32 to vector<16xi32>
        %lt3A_797 = arith.cmpi slt, %add3A_784, %lt3A_796 : vector<16xi32>
        %jit3A_798 = arith.constant 0.000000e+00 : f32
        %broadcast_in_dim3A_799 = vector.broadcast %jit3A_798 : f32 to vector<16xf32>
        %select_n3A_800 = arith.select %lt3A_797, %gather3A_794, %broadcast_in_dim3A_799 : vector<16xi1>, vector<16xf32>
        %add3A_801 = arith.constant 9 : i32
        %add3A_802 = vector.broadcast %add3A_801 : i32 to vector<16xi32>
        %add3A_803 = arith.addi %sub3A_638, %add3A_802 : vector<16xi32>
        %min3A_804 = arith.constant 79 : i32
        %min3A_805 = vector.broadcast %min3A_804 : i32 to vector<16xi32>
        %min3A_806 = arith.minsi %add3A_803, %min3A_805 : vector<16xi32>
        %shift_right_arithmetic3A_807 = arith.constant 3 : i32
        %shift_right_arithmetic3A_808 = vector.broadcast %shift_right_arithmetic3A_807 : i32 to vector<16xi32>
        %shift_right_arithmetic3A_809 = arith.shrsi %min3A_806, %shift_right_arithmetic3A_808 : vector<16xi32>
        %and3A_810 = arith.constant 7 : i32
        %and3A_811 = vector.broadcast %and3A_810 : i32 to vector<16xi32>
        %and3A_812 = arith.andi %min3A_806, %and3A_811 : vector<16xi32>
        %gather3A_813 = tpu.vector_load_idx %arg10[%shift_right_arithmetic3A_809, %and3A_812, %add3A_285] : memref<10x8x128xf32, #tpu.memory_space<vmem>>[vector<16xi32>, vector<16xi32>, vector<16xi32>], vector<16xf32>,
        %lt3A_814 = arith.constant 80 : i32
        %lt3A_815 = vector.broadcast %lt3A_814 : i32 to vector<16xi32>
        %lt3A_816 = arith.cmpi slt, %add3A_803, %lt3A_815 : vector<16xi32>
        %jit3A_817 = arith.constant 0.000000e+00 : f32
        %broadcast_in_dim3A_818 = vector.broadcast %jit3A_817 : f32 to vector<16xf32>
        %select_n3A_819 = arith.select %lt3A_816, %gather3A_813, %broadcast_in_dim3A_818 : vector<16xi1>, vector<16xf32>
        %add3A_820 = arith.constant 9 : i32
        %add3A_821 = vector.broadcast %add3A_820 : i32 to vector<16xi32>
        %add3A_822 = arith.addi %add3A_821, %mul3A_349 : vector<16xi32>
        %mul3A_823 = arith.mulf %select_n3A_657, %sub3A_635 : vector<16xf32>
        %mul3A_824 = arith.mulf %select_n3A_676, %sub3A_632 : vector<16xf32>
        %add3A_825 = arith.addf %mul3A_823, %mul3A_824 : vector<16xf32>
        tpu.vector_store_idx %arg17[%add3A_822, %add3A_346, %add3A_382], %add3A_825 : memref<36x160x8xf32, #tpu.memory_space<vmem>>[vector<16xi32>, vector<16xi32>, vector<16xi32>], vector<16xf32>,
        %add3A_826 = arith.constant 10 : i32
        %add3A_827 = vector.broadcast %add3A_826 : i32 to vector<16xi32>
        %add3A_828 = arith.addi %add3A_827, %mul3A_349 : vector<16xi32>
        %mul3A_829 = arith.mulf %select_n3A_676, %sub3A_635 : vector<16xf32>
        %mul3A_830 = arith.mulf %select_n3A_695, %sub3A_632 : vector<16xf32>
        %add3A_831 = arith.addf %mul3A_829, %mul3A_830 : vector<16xf32>
        tpu.vector_store_idx %arg17[%add3A_828, %add3A_346, %add3A_382], %add3A_831 : memref<36x160x8xf32, #tpu.memory_space<vmem>>[vector<16xi32>, vector<16xi32>, vector<16xi32>], vector<16xf32>,
        %add3A_832 = arith.constant 11 : i32
        %add3A_833 = vector.broadcast %add3A_832 : i32 to vector<16xi32>
        %add3A_834 = arith.addi %add3A_833, %mul3A_349 : vector<16xi32>
        %mul3A_835 = arith.mulf %select_n3A_695, %sub3A_635 : vector<16xf32>
        %mul3A_836 = arith.mulf %select_n3A_714, %sub3A_632 : vector<16xf32>
        %add3A_837 = arith.addf %mul3A_835, %mul3A_836 : vector<16xf32>
        tpu.vector_store_idx %arg17[%add3A_834, %add3A_346, %add3A_382], %add3A_837 : memref<36x160x8xf32, #tpu.memory_space<vmem>>[vector<16xi32>, vector<16xi32>, vector<16xi32>], vector<16xf32>,
        %add3A_838 = arith.constant 12 : i32
        %add3A_839 = vector.broadcast %add3A_838 : i32 to vector<16xi32>
        %add3A_840 = arith.addi %add3A_839, %mul3A_349 : vector<16xi32>
        %mul3A_841 = arith.mulf %select_n3A_714, %sub3A_635 : vector<16xf32>
        %mul3A_842 = arith.mulf %gather3A_724, %sub3A_632 : vector<16xf32>
        %add3A_843 = arith.addf %mul3A_841, %mul3A_842 : vector<16xf32>
        tpu.vector_store_idx %arg17[%add3A_840, %add3A_346, %add3A_382], %add3A_843 : memref<36x160x8xf32, #tpu.memory_space<vmem>>[vector<16xi32>, vector<16xi32>, vector<16xi32>], vector<16xf32>,
        %add3A_844 = arith.constant 13 : i32
        %add3A_845 = vector.broadcast %add3A_844 : i32 to vector<16xi32>
        %add3A_846 = arith.addi %add3A_845, %mul3A_349 : vector<16xi32>
        %mul3A_847 = arith.mulf %gather3A_724, %sub3A_635 : vector<16xf32>
        %mul3A_848 = arith.mulf %select_n3A_743, %sub3A_632 : vector<16xf32>
        %add3A_849 = arith.addf %mul3A_847, %mul3A_848 : vector<16xf32>
        tpu.vector_store_idx %arg17[%add3A_846, %add3A_346, %add3A_382], %add3A_849 : memref<36x160x8xf32, #tpu.memory_space<vmem>>[vector<16xi32>, vector<16xi32>, vector<16xi32>], vector<16xf32>,
        %add3A_850 = arith.constant 14 : i32
        %add3A_851 = vector.broadcast %add3A_850 : i32 to vector<16xi32>
        %add3A_852 = arith.addi %add3A_851, %mul3A_349 : vector<16xi32>
        %mul3A_853 = arith.mulf %select_n3A_743, %sub3A_635 : vector<16xf32>
        %mul3A_854 = arith.mulf %select_n3A_762, %sub3A_632 : vector<16xf32>
        %add3A_855 = arith.addf %mul3A_853, %mul3A_854 : vector<16xf32>
        tpu.vector_store_idx %arg17[%add3A_852, %add3A_346, %add3A_382], %add3A_855 : memref<36x160x8xf32, #tpu.memory_space<vmem>>[vector<16xi32>, vector<16xi32>, vector<16xi32>], vector<16xf32>,
        %add3A_856 = arith.constant 15 : i32
        %add3A_857 = vector.broadcast %add3A_856 : i32 to vector<16xi32>
        %add3A_858 = arith.addi %add3A_857, %mul3A_349 : vector<16xi32>
        %mul3A_859 = arith.mulf %select_n3A_762, %sub3A_635 : vector<16xf32>
        %mul3A_860 = arith.mulf %select_n3A_781, %sub3A_632 : vector<16xf32>
        %add3A_861 = arith.addf %mul3A_859, %mul3A_860 : vector<16xf32>
        tpu.vector_store_idx %arg17[%add3A_858, %add3A_346, %add3A_382], %add3A_861 : memref<36x160x8xf32, #tpu.memory_space<vmem>>[vector<16xi32>, vector<16xi32>, vector<16xi32>], vector<16xf32>,
        %add3A_862 = arith.constant 16 : i32
        %add3A_863 = vector.broadcast %add3A_862 : i32 to vector<16xi32>
        %add3A_864 = arith.addi %add3A_863, %mul3A_349 : vector<16xi32>
        %mul3A_865 = arith.mulf %select_n3A_781, %sub3A_635 : vector<16xf32>
        %mul3A_866 = arith.mulf %select_n3A_800, %sub3A_632 : vector<16xf32>
        %add3A_867 = arith.addf %mul3A_865, %mul3A_866 : vector<16xf32>
        tpu.vector_store_idx %arg17[%add3A_864, %add3A_346, %add3A_382], %add3A_867 : memref<36x160x8xf32, #tpu.memory_space<vmem>>[vector<16xi32>, vector<16xi32>, vector<16xi32>], vector<16xf32>,
        %add3A_868 = arith.constant 17 : i32
        %add3A_869 = vector.broadcast %add3A_868 : i32 to vector<16xi32>
        %add3A_870 = arith.addi %add3A_869, %mul3A_349 : vector<16xi32>
        %mul3A_871 = arith.mulf %select_n3A_800, %sub3A_635 : vector<16xf32>
        %mul3A_872 = arith.mulf %select_n3A_819, %sub3A_632 : vector<16xf32>
        %add3A_873 = arith.addf %mul3A_871, %mul3A_872 : vector<16xf32>
        tpu.vector_store_idx %arg17[%add3A_870, %add3A_346, %add3A_382], %add3A_873 : memref<36x160x8xf32, #tpu.memory_space<vmem>>[vector<16xi32>, vector<16xi32>, vector<16xi32>], vector<16xf32>,
        %mul3A_874 = arith.constant 2.500000e-01 : f32
        %mul3A_875 = vector.broadcast %mul3A_874 : f32 to vector<16xf32>
        %mul3A_876 = arith.mulf %gather3A, %mul3A_875 : vector<16xf32>
        %convert_element_type3A_877 = arith.fptosi %mul3A_876 : vector<16xf32> to vector<16xi32>
        %convert_element_type3A_878 = arith.sitofp %convert_element_type3A_877 : vector<16xi32> to vector<16xf32>
        %sub3A_879 = arith.subf %mul3A_876, %convert_element_type3A_878 : vector<16xf32>
        %sub3A_880 = arith.constant 1.000000e+00 : f32
        %sub3A_881 = vector.broadcast %sub3A_880 : f32 to vector<16xf32>
        %sub3A_882 = arith.subf %sub3A_881, %sub3A_879 : vector<16xf32>
        %sub3A_883 = arith.constant 4 : i32
        %sub3A_884 = vector.broadcast %sub3A_883 : i32 to vector<16xi32>
        %sub3A_885 = arith.subi %convert_element_type3A_877, %sub3A_884 : vector<16xi32>
        %add3A_886 = arith.constant 0 : i32
        %add3A_887 = vector.broadcast %add3A_886 : i32 to vector<16xi32>
        %add3A_888 = arith.addi %sub3A_885, %add3A_887 : vector<16xi32>
        %max3A_889 = arith.constant 0 : i32
        %max3A_890 = vector.broadcast %max3A_889 : i32 to vector<16xi32>
        %max3A_891 = arith.maxsi %add3A_888, %max3A_890 : vector<16xi32>
        %shift_right_arithmetic3A_892 = arith.constant 3 : i32
        %shift_right_arithmetic3A_893 = vector.broadcast %shift_right_arithmetic3A_892 : i32 to vector<16xi32>
        %shift_right_arithmetic3A_894 = arith.shrsi %max3A_891, %shift_right_arithmetic3A_893 : vector<16xi32>
        %and3A_895 = arith.constant 7 : i32
        %and3A_896 = vector.broadcast %and3A_895 : i32 to vector<16xi32>
        %and3A_897 = arith.andi %max3A_891, %and3A_896 : vector<16xi32>
        %gather3A_898 = tpu.vector_load_idx %arg11[%shift_right_arithmetic3A_894, %and3A_897, %add3A_285] : memref<5x8x128xf32, #tpu.memory_space<vmem>>[vector<16xi32>, vector<16xi32>, vector<16xi32>], vector<16xf32>,
        %ge3A_899 = arith.constant 0 : i32
        %ge3A_900 = vector.broadcast %ge3A_899 : i32 to vector<16xi32>
        %ge3A_901 = arith.cmpi sge, %add3A_888, %ge3A_900 : vector<16xi32>
        %jit3A_902 = arith.constant 0.000000e+00 : f32
        %broadcast_in_dim3A_903 = vector.broadcast %jit3A_902 : f32 to vector<16xf32>
        %select_n3A_904 = arith.select %ge3A_901, %gather3A_898, %broadcast_in_dim3A_903 : vector<16xi1>, vector<16xf32>
        %add3A_905 = arith.constant 1 : i32
        %add3A_906 = vector.broadcast %add3A_905 : i32 to vector<16xi32>
        %add3A_907 = arith.addi %sub3A_885, %add3A_906 : vector<16xi32>
        %max3A_908 = arith.constant 0 : i32
        %max3A_909 = vector.broadcast %max3A_908 : i32 to vector<16xi32>
        %max3A_910 = arith.maxsi %add3A_907, %max3A_909 : vector<16xi32>
        %shift_right_arithmetic3A_911 = arith.constant 3 : i32
        %shift_right_arithmetic3A_912 = vector.broadcast %shift_right_arithmetic3A_911 : i32 to vector<16xi32>
        %shift_right_arithmetic3A_913 = arith.shrsi %max3A_910, %shift_right_arithmetic3A_912 : vector<16xi32>
        %and3A_914 = arith.constant 7 : i32
        %and3A_915 = vector.broadcast %and3A_914 : i32 to vector<16xi32>
        %and3A_916 = arith.andi %max3A_910, %and3A_915 : vector<16xi32>
        %gather3A_917 = tpu.vector_load_idx %arg11[%shift_right_arithmetic3A_913, %and3A_916, %add3A_285] : memref<5x8x128xf32, #tpu.memory_space<vmem>>[vector<16xi32>, vector<16xi32>, vector<16xi32>], vector<16xf32>,
        %ge3A_918 = arith.constant 0 : i32
        %ge3A_919 = vector.broadcast %ge3A_918 : i32 to vector<16xi32>
        %ge3A_920 = arith.cmpi sge, %add3A_907, %ge3A_919 : vector<16xi32>
        %jit3A_921 = arith.constant 0.000000e+00 : f32
        %broadcast_in_dim3A_922 = vector.broadcast %jit3A_921 : f32 to vector<16xf32>
        %select_n3A_923 = arith.select %ge3A_920, %gather3A_917, %broadcast_in_dim3A_922 : vector<16xi1>, vector<16xf32>
        %add3A_924 = arith.constant 2 : i32
        %add3A_925 = vector.broadcast %add3A_924 : i32 to vector<16xi32>
        %add3A_926 = arith.addi %sub3A_885, %add3A_925 : vector<16xi32>
        %max3A_927 = arith.constant 0 : i32
        %max3A_928 = vector.broadcast %max3A_927 : i32 to vector<16xi32>
        %max3A_929 = arith.maxsi %add3A_926, %max3A_928 : vector<16xi32>
        %shift_right_arithmetic3A_930 = arith.constant 3 : i32
        %shift_right_arithmetic3A_931 = vector.broadcast %shift_right_arithmetic3A_930 : i32 to vector<16xi32>
        %shift_right_arithmetic3A_932 = arith.shrsi %max3A_929, %shift_right_arithmetic3A_931 : vector<16xi32>
        %and3A_933 = arith.constant 7 : i32
        %and3A_934 = vector.broadcast %and3A_933 : i32 to vector<16xi32>
        %and3A_935 = arith.andi %max3A_929, %and3A_934 : vector<16xi32>
        %gather3A_936 = tpu.vector_load_idx %arg11[%shift_right_arithmetic3A_932, %and3A_935, %add3A_285] : memref<5x8x128xf32, #tpu.memory_space<vmem>>[vector<16xi32>, vector<16xi32>, vector<16xi32>], vector<16xf32>,
        %ge3A_937 = arith.constant 0 : i32
        %ge3A_938 = vector.broadcast %ge3A_937 : i32 to vector<16xi32>
        %ge3A_939 = arith.cmpi sge, %add3A_926, %ge3A_938 : vector<16xi32>
        %jit3A_940 = arith.constant 0.000000e+00 : f32
        %broadcast_in_dim3A_941 = vector.broadcast %jit3A_940 : f32 to vector<16xf32>
        %select_n3A_942 = arith.select %ge3A_939, %gather3A_936, %broadcast_in_dim3A_941 : vector<16xi1>, vector<16xf32>
        %add3A_943 = arith.constant 3 : i32
        %add3A_944 = vector.broadcast %add3A_943 : i32 to vector<16xi32>
        %add3A_945 = arith.addi %sub3A_885, %add3A_944 : vector<16xi32>
        %max3A_946 = arith.constant 0 : i32
        %max3A_947 = vector.broadcast %max3A_946 : i32 to vector<16xi32>
        %max3A_948 = arith.maxsi %add3A_945, %max3A_947 : vector<16xi32>
        %shift_right_arithmetic3A_949 = arith.constant 3 : i32
        %shift_right_arithmetic3A_950 = vector.broadcast %shift_right_arithmetic3A_949 : i32 to vector<16xi32>
        %shift_right_arithmetic3A_951 = arith.shrsi %max3A_948, %shift_right_arithmetic3A_950 : vector<16xi32>
        %and3A_952 = arith.constant 7 : i32
        %and3A_953 = vector.broadcast %and3A_952 : i32 to vector<16xi32>
        %and3A_954 = arith.andi %max3A_948, %and3A_953 : vector<16xi32>
        %gather3A_955 = tpu.vector_load_idx %arg11[%shift_right_arithmetic3A_951, %and3A_954, %add3A_285] : memref<5x8x128xf32, #tpu.memory_space<vmem>>[vector<16xi32>, vector<16xi32>, vector<16xi32>], vector<16xf32>,
        %ge3A_956 = arith.constant 0 : i32
        %ge3A_957 = vector.broadcast %ge3A_956 : i32 to vector<16xi32>
        %ge3A_958 = arith.cmpi sge, %add3A_945, %ge3A_957 : vector<16xi32>
        %jit3A_959 = arith.constant 0.000000e+00 : f32
        %broadcast_in_dim3A_960 = vector.broadcast %jit3A_959 : f32 to vector<16xf32>
        %select_n3A_961 = arith.select %ge3A_958, %gather3A_955, %broadcast_in_dim3A_960 : vector<16xi1>, vector<16xf32>
        %add3A_962 = arith.constant 4 : i32
        %add3A_963 = vector.broadcast %add3A_962 : i32 to vector<16xi32>
        %add3A_964 = arith.addi %sub3A_885, %add3A_963 : vector<16xi32>
        %shift_right_arithmetic3A_965 = arith.constant 3 : i32
        %shift_right_arithmetic3A_966 = vector.broadcast %shift_right_arithmetic3A_965 : i32 to vector<16xi32>
        %shift_right_arithmetic3A_967 = arith.shrsi %add3A_964, %shift_right_arithmetic3A_966 : vector<16xi32>
        %and3A_968 = arith.constant 7 : i32
        %and3A_969 = vector.broadcast %and3A_968 : i32 to vector<16xi32>
        %and3A_970 = arith.andi %add3A_964, %and3A_969 : vector<16xi32>
        %gather3A_971 = tpu.vector_load_idx %arg11[%shift_right_arithmetic3A_967, %and3A_970, %add3A_285] : memref<5x8x128xf32, #tpu.memory_space<vmem>>[vector<16xi32>, vector<16xi32>, vector<16xi32>], vector<16xf32>,
        %add3A_972 = arith.constant 5 : i32
        %add3A_973 = vector.broadcast %add3A_972 : i32 to vector<16xi32>
        %add3A_974 = arith.addi %sub3A_885, %add3A_973 : vector<16xi32>
        %min3A_975 = arith.constant 39 : i32
        %min3A_976 = vector.broadcast %min3A_975 : i32 to vector<16xi32>
        %min3A_977 = arith.minsi %add3A_974, %min3A_976 : vector<16xi32>
        %shift_right_arithmetic3A_978 = arith.constant 3 : i32
        %shift_right_arithmetic3A_979 = vector.broadcast %shift_right_arithmetic3A_978 : i32 to vector<16xi32>
        %shift_right_arithmetic3A_980 = arith.shrsi %min3A_977, %shift_right_arithmetic3A_979 : vector<16xi32>
        %and3A_981 = arith.constant 7 : i32
        %and3A_982 = vector.broadcast %and3A_981 : i32 to vector<16xi32>
        %and3A_983 = arith.andi %min3A_977, %and3A_982 : vector<16xi32>
        %gather3A_984 = tpu.vector_load_idx %arg11[%shift_right_arithmetic3A_980, %and3A_983, %add3A_285] : memref<5x8x128xf32, #tpu.memory_space<vmem>>[vector<16xi32>, vector<16xi32>, vector<16xi32>], vector<16xf32>,
        %lt3A_985 = arith.constant 40 : i32
        %lt3A_986 = vector.broadcast %lt3A_985 : i32 to vector<16xi32>
        %lt3A_987 = arith.cmpi slt, %add3A_974, %lt3A_986 : vector<16xi32>
        %jit3A_988 = arith.constant 0.000000e+00 : f32
        %broadcast_in_dim3A_989 = vector.broadcast %jit3A_988 : f32 to vector<16xf32>
        %select_n3A_990 = arith.select %lt3A_987, %gather3A_984, %broadcast_in_dim3A_989 : vector<16xi1>, vector<16xf32>
        %add3A_991 = arith.constant 6 : i32
        %add3A_992 = vector.broadcast %add3A_991 : i32 to vector<16xi32>
        %add3A_993 = arith.addi %sub3A_885, %add3A_992 : vector<16xi32>
        %min3A_994 = arith.constant 39 : i32
        %min3A_995 = vector.broadcast %min3A_994 : i32 to vector<16xi32>
        %min3A_996 = arith.minsi %add3A_993, %min3A_995 : vector<16xi32>
        %shift_right_arithmetic3A_997 = arith.constant 3 : i32
        %shift_right_arithmetic3A_998 = vector.broadcast %shift_right_arithmetic3A_997 : i32 to vector<16xi32>
        %shift_right_arithmetic3A_999 = arith.shrsi %min3A_996, %shift_right_arithmetic3A_998 : vector<16xi32>
        %and3A_1000 = arith.constant 7 : i32
        %and3A_1001 = vector.broadcast %and3A_1000 : i32 to vector<16xi32>
        %and3A_1002 = arith.andi %min3A_996, %and3A_1001 : vector<16xi32>
        %gather3A_1003 = tpu.vector_load_idx %arg11[%shift_right_arithmetic3A_999, %and3A_1002, %add3A_285] : memref<5x8x128xf32, #tpu.memory_space<vmem>>[vector<16xi32>, vector<16xi32>, vector<16xi32>], vector<16xf32>,
        %lt3A_1004 = arith.constant 40 : i32
        %lt3A_1005 = vector.broadcast %lt3A_1004 : i32 to vector<16xi32>
        %lt3A_1006 = arith.cmpi slt, %add3A_993, %lt3A_1005 : vector<16xi32>
        %jit3A_1007 = arith.constant 0.000000e+00 : f32
        %broadcast_in_dim3A_1008 = vector.broadcast %jit3A_1007 : f32 to vector<16xf32>
        %select_n3A_1009 = arith.select %lt3A_1006, %gather3A_1003, %broadcast_in_dim3A_1008 : vector<16xi1>, vector<16xf32>
        %add3A_1010 = arith.constant 7 : i32
        %add3A_1011 = vector.broadcast %add3A_1010 : i32 to vector<16xi32>
        %add3A_1012 = arith.addi %sub3A_885, %add3A_1011 : vector<16xi32>
        %min3A_1013 = arith.constant 39 : i32
        %min3A_1014 = vector.broadcast %min3A_1013 : i32 to vector<16xi32>
        %min3A_1015 = arith.minsi %add3A_1012, %min3A_1014 : vector<16xi32>
        %shift_right_arithmetic3A_1016 = arith.constant 3 : i32
        %shift_right_arithmetic3A_1017 = vector.broadcast %shift_right_arithmetic3A_1016 : i32 to vector<16xi32>
        %shift_right_arithmetic3A_1018 = arith.shrsi %min3A_1015, %shift_right_arithmetic3A_1017 : vector<16xi32>
        %and3A_1019 = arith.constant 7 : i32
        %and3A_1020 = vector.broadcast %and3A_1019 : i32 to vector<16xi32>
        %and3A_1021 = arith.andi %min3A_1015, %and3A_1020 : vector<16xi32>
        %gather3A_1022 = tpu.vector_load_idx %arg11[%shift_right_arithmetic3A_1018, %and3A_1021, %add3A_285] : memref<5x8x128xf32, #tpu.memory_space<vmem>>[vector<16xi32>, vector<16xi32>, vector<16xi32>], vector<16xf32>,
        %lt3A_1023 = arith.constant 40 : i32
        %lt3A_1024 = vector.broadcast %lt3A_1023 : i32 to vector<16xi32>
        %lt3A_1025 = arith.cmpi slt, %add3A_1012, %lt3A_1024 : vector<16xi32>
        %jit3A_1026 = arith.constant 0.000000e+00 : f32
        %broadcast_in_dim3A_1027 = vector.broadcast %jit3A_1026 : f32 to vector<16xf32>
        %select_n3A_1028 = arith.select %lt3A_1025, %gather3A_1022, %broadcast_in_dim3A_1027 : vector<16xi1>, vector<16xf32>
        %add3A_1029 = arith.constant 8 : i32
        %add3A_1030 = vector.broadcast %add3A_1029 : i32 to vector<16xi32>
        %add3A_1031 = arith.addi %sub3A_885, %add3A_1030 : vector<16xi32>
        %min3A_1032 = arith.constant 39 : i32
        %min3A_1033 = vector.broadcast %min3A_1032 : i32 to vector<16xi32>
        %min3A_1034 = arith.minsi %add3A_1031, %min3A_1033 : vector<16xi32>
        %shift_right_arithmetic3A_1035 = arith.constant 3 : i32
        %shift_right_arithmetic3A_1036 = vector.broadcast %shift_right_arithmetic3A_1035 : i32 to vector<16xi32>
        %shift_right_arithmetic3A_1037 = arith.shrsi %min3A_1034, %shift_right_arithmetic3A_1036 : vector<16xi32>
        %and3A_1038 = arith.constant 7 : i32
        %and3A_1039 = vector.broadcast %and3A_1038 : i32 to vector<16xi32>
        %and3A_1040 = arith.andi %min3A_1034, %and3A_1039 : vector<16xi32>
        %gather3A_1041 = tpu.vector_load_idx %arg11[%shift_right_arithmetic3A_1037, %and3A_1040, %add3A_285] : memref<5x8x128xf32, #tpu.memory_space<vmem>>[vector<16xi32>, vector<16xi32>, vector<16xi32>], vector<16xf32>,
        %lt3A_1042 = arith.constant 40 : i32
        %lt3A_1043 = vector.broadcast %lt3A_1042 : i32 to vector<16xi32>
        %lt3A_1044 = arith.cmpi slt, %add3A_1031, %lt3A_1043 : vector<16xi32>
        %jit3A_1045 = arith.constant 0.000000e+00 : f32
        %broadcast_in_dim3A_1046 = vector.broadcast %jit3A_1045 : f32 to vector<16xf32>
        %select_n3A_1047 = arith.select %lt3A_1044, %gather3A_1041, %broadcast_in_dim3A_1046 : vector<16xi1>, vector<16xf32>
        %add3A_1048 = arith.constant 9 : i32
        %add3A_1049 = vector.broadcast %add3A_1048 : i32 to vector<16xi32>
        %add3A_1050 = arith.addi %sub3A_885, %add3A_1049 : vector<16xi32>
        %min3A_1051 = arith.constant 39 : i32
        %min3A_1052 = vector.broadcast %min3A_1051 : i32 to vector<16xi32>
        %min3A_1053 = arith.minsi %add3A_1050, %min3A_1052 : vector<16xi32>
        %shift_right_arithmetic3A_1054 = arith.constant 3 : i32
        %shift_right_arithmetic3A_1055 = vector.broadcast %shift_right_arithmetic3A_1054 : i32 to vector<16xi32>
        %shift_right_arithmetic3A_1056 = arith.shrsi %min3A_1053, %shift_right_arithmetic3A_1055 : vector<16xi32>
        %and3A_1057 = arith.constant 7 : i32
        %and3A_1058 = vector.broadcast %and3A_1057 : i32 to vector<16xi32>
        %and3A_1059 = arith.andi %min3A_1053, %and3A_1058 : vector<16xi32>
        %gather3A_1060 = tpu.vector_load_idx %arg11[%shift_right_arithmetic3A_1056, %and3A_1059, %add3A_285] : memref<5x8x128xf32, #tpu.memory_space<vmem>>[vector<16xi32>, vector<16xi32>, vector<16xi32>], vector<16xf32>,
        %lt3A_1061 = arith.constant 40 : i32
        %lt3A_1062 = vector.broadcast %lt3A_1061 : i32 to vector<16xi32>
        %lt3A_1063 = arith.cmpi slt, %add3A_1050, %lt3A_1062 : vector<16xi32>
        %jit3A_1064 = arith.constant 0.000000e+00 : f32
        %broadcast_in_dim3A_1065 = vector.broadcast %jit3A_1064 : f32 to vector<16xf32>
        %select_n3A_1066 = arith.select %lt3A_1063, %gather3A_1060, %broadcast_in_dim3A_1065 : vector<16xi1>, vector<16xf32>
        %add3A_1067 = arith.constant 18 : i32
        %add3A_1068 = vector.broadcast %add3A_1067 : i32 to vector<16xi32>
        %add3A_1069 = arith.addi %add3A_1068, %mul3A_349 : vector<16xi32>
        %mul3A_1070 = arith.mulf %select_n3A_904, %sub3A_882 : vector<16xf32>
        %mul3A_1071 = arith.mulf %select_n3A_923, %sub3A_879 : vector<16xf32>
        %add3A_1072 = arith.addf %mul3A_1070, %mul3A_1071 : vector<16xf32>
        tpu.vector_store_idx %arg17[%add3A_1069, %add3A_346, %add3A_382], %add3A_1072 : memref<36x160x8xf32, #tpu.memory_space<vmem>>[vector<16xi32>, vector<16xi32>, vector<16xi32>], vector<16xf32>,
        %add3A_1073 = arith.constant 19 : i32
        %add3A_1074 = vector.broadcast %add3A_1073 : i32 to vector<16xi32>
        %add3A_1075 = arith.addi %add3A_1074, %mul3A_349 : vector<16xi32>
        %mul3A_1076 = arith.mulf %select_n3A_923, %sub3A_882 : vector<16xf32>
        %mul3A_1077 = arith.mulf %select_n3A_942, %sub3A_879 : vector<16xf32>
        %add3A_1078 = arith.addf %mul3A_1076, %mul3A_1077 : vector<16xf32>
        tpu.vector_store_idx %arg17[%add3A_1075, %add3A_346, %add3A_382], %add3A_1078 : memref<36x160x8xf32, #tpu.memory_space<vmem>>[vector<16xi32>, vector<16xi32>, vector<16xi32>], vector<16xf32>,
        %add3A_1079 = arith.constant 20 : i32
        %add3A_1080 = vector.broadcast %add3A_1079 : i32 to vector<16xi32>
        %add3A_1081 = arith.addi %add3A_1080, %mul3A_349 : vector<16xi32>
        %mul3A_1082 = arith.mulf %select_n3A_942, %sub3A_882 : vector<16xf32>
        %mul3A_1083 = arith.mulf %select_n3A_961, %sub3A_879 : vector<16xf32>
        %add3A_1084 = arith.addf %mul3A_1082, %mul3A_1083 : vector<16xf32>
        tpu.vector_store_idx %arg17[%add3A_1081, %add3A_346, %add3A_382], %add3A_1084 : memref<36x160x8xf32, #tpu.memory_space<vmem>>[vector<16xi32>, vector<16xi32>, vector<16xi32>], vector<16xf32>,
        %add3A_1085 = arith.constant 21 : i32
        %add3A_1086 = vector.broadcast %add3A_1085 : i32 to vector<16xi32>
        %add3A_1087 = arith.addi %add3A_1086, %mul3A_349 : vector<16xi32>
        %mul3A_1088 = arith.mulf %select_n3A_961, %sub3A_882 : vector<16xf32>
        %mul3A_1089 = arith.mulf %gather3A_971, %sub3A_879 : vector<16xf32>
        %add3A_1090 = arith.addf %mul3A_1088, %mul3A_1089 : vector<16xf32>
        tpu.vector_store_idx %arg17[%add3A_1087, %add3A_346, %add3A_382], %add3A_1090 : memref<36x160x8xf32, #tpu.memory_space<vmem>>[vector<16xi32>, vector<16xi32>, vector<16xi32>], vector<16xf32>,
        %add3A_1091 = arith.constant 22 : i32
        %add3A_1092 = vector.broadcast %add3A_1091 : i32 to vector<16xi32>
        %add3A_1093 = arith.addi %add3A_1092, %mul3A_349 : vector<16xi32>
        %mul3A_1094 = arith.mulf %gather3A_971, %sub3A_882 : vector<16xf32>
        %mul3A_1095 = arith.mulf %select_n3A_990, %sub3A_879 : vector<16xf32>
        %add3A_1096 = arith.addf %mul3A_1094, %mul3A_1095 : vector<16xf32>
        tpu.vector_store_idx %arg17[%add3A_1093, %add3A_346, %add3A_382], %add3A_1096 : memref<36x160x8xf32, #tpu.memory_space<vmem>>[vector<16xi32>, vector<16xi32>, vector<16xi32>], vector<16xf32>,
        %add3A_1097 = arith.constant 23 : i32
        %add3A_1098 = vector.broadcast %add3A_1097 : i32 to vector<16xi32>
        %add3A_1099 = arith.addi %add3A_1098, %mul3A_349 : vector<16xi32>
        %mul3A_1100 = arith.mulf %select_n3A_990, %sub3A_882 : vector<16xf32>
        %mul3A_1101 = arith.mulf %select_n3A_1009, %sub3A_879 : vector<16xf32>
        %add3A_1102 = arith.addf %mul3A_1100, %mul3A_1101 : vector<16xf32>
        tpu.vector_store_idx %arg17[%add3A_1099, %add3A_346, %add3A_382], %add3A_1102 : memref<36x160x8xf32, #tpu.memory_space<vmem>>[vector<16xi32>, vector<16xi32>, vector<16xi32>], vector<16xf32>,
        %add3A_1103 = arith.constant 24 : i32
        %add3A_1104 = vector.broadcast %add3A_1103 : i32 to vector<16xi32>
        %add3A_1105 = arith.addi %add3A_1104, %mul3A_349 : vector<16xi32>
        %mul3A_1106 = arith.mulf %select_n3A_1009, %sub3A_882 : vector<16xf32>
        %mul3A_1107 = arith.mulf %select_n3A_1028, %sub3A_879 : vector<16xf32>
        %add3A_1108 = arith.addf %mul3A_1106, %mul3A_1107 : vector<16xf32>
        tpu.vector_store_idx %arg17[%add3A_1105, %add3A_346, %add3A_382], %add3A_1108 : memref<36x160x8xf32, #tpu.memory_space<vmem>>[vector<16xi32>, vector<16xi32>, vector<16xi32>], vector<16xf32>,
        %add3A_1109 = arith.constant 25 : i32
        %add3A_1110 = vector.broadcast %add3A_1109 : i32 to vector<16xi32>
        %add3A_1111 = arith.addi %add3A_1110, %mul3A_349 : vector<16xi32>
        %mul3A_1112 = arith.mulf %select_n3A_1028, %sub3A_882 : vector<16xf32>
        %mul3A_1113 = arith.mulf %select_n3A_1047, %sub3A_879 : vector<16xf32>
        %add3A_1114 = arith.addf %mul3A_1112, %mul3A_1113 : vector<16xf32>
        tpu.vector_store_idx %arg17[%add3A_1111, %add3A_346, %add3A_382], %add3A_1114 : memref<36x160x8xf32, #tpu.memory_space<vmem>>[vector<16xi32>, vector<16xi32>, vector<16xi32>], vector<16xf32>,
        %add3A_1115 = arith.constant 26 : i32
        %add3A_1116 = vector.broadcast %add3A_1115 : i32 to vector<16xi32>
        %add3A_1117 = arith.addi %add3A_1116, %mul3A_349 : vector<16xi32>
        %mul3A_1118 = arith.mulf %select_n3A_1047, %sub3A_882 : vector<16xf32>
        %mul3A_1119 = arith.mulf %select_n3A_1066, %sub3A_879 : vector<16xf32>
        %add3A_1120 = arith.addf %mul3A_1118, %mul3A_1119 : vector<16xf32>
        tpu.vector_store_idx %arg17[%add3A_1117, %add3A_346, %add3A_382], %add3A_1120 : memref<36x160x8xf32, #tpu.memory_space<vmem>>[vector<16xi32>, vector<16xi32>, vector<16xi32>], vector<16xf32>,
        %mul3A_1121 = arith.constant 1.250000e-01 : f32
        %mul3A_1122 = vector.broadcast %mul3A_1121 : f32 to vector<16xf32>
        %mul3A_1123 = arith.mulf %gather3A, %mul3A_1122 : vector<16xf32>
        %convert_element_type3A_1124 = arith.fptosi %mul3A_1123 : vector<16xf32> to vector<16xi32>
        %convert_element_type3A_1125 = arith.sitofp %convert_element_type3A_1124 : vector<16xi32> to vector<16xf32>
        %sub3A_1126 = arith.subf %mul3A_1123, %convert_element_type3A_1125 : vector<16xf32>
        %sub3A_1127 = arith.constant 1.000000e+00 : f32
        %sub3A_1128 = vector.broadcast %sub3A_1127 : f32 to vector<16xf32>
        %sub3A_1129 = arith.subf %sub3A_1128, %sub3A_1126 : vector<16xf32>
        %sub3A_1130 = arith.constant 4 : i32
        %sub3A_1131 = vector.broadcast %sub3A_1130 : i32 to vector<16xi32>
        %sub3A_1132 = arith.subi %convert_element_type3A_1124, %sub3A_1131 : vector<16xi32>
        %add3A_1133 = arith.constant 0 : i32
        %add3A_1134 = vector.broadcast %add3A_1133 : i32 to vector<16xi32>
        %add3A_1135 = arith.addi %sub3A_1132, %add3A_1134 : vector<16xi32>
        %max3A_1136 = arith.constant 0 : i32
        %max3A_1137 = vector.broadcast %max3A_1136 : i32 to vector<16xi32>
        %max3A_1138 = arith.maxsi %add3A_1135, %max3A_1137 : vector<16xi32>
        %shift_right_arithmetic3A_1139 = arith.constant 3 : i32
        %shift_right_arithmetic3A_1140 = vector.broadcast %shift_right_arithmetic3A_1139 : i32 to vector<16xi32>
        %shift_right_arithmetic3A_1141 = arith.shrsi %max3A_1138, %shift_right_arithmetic3A_1140 : vector<16xi32>
        %and3A_1142 = arith.constant 7 : i32
        %and3A_1143 = vector.broadcast %and3A_1142 : i32 to vector<16xi32>
        %and3A_1144 = arith.andi %max3A_1138, %and3A_1143 : vector<16xi32>
        %gather3A_1145 = tpu.vector_load_idx %arg12[%shift_right_arithmetic3A_1141, %and3A_1144, %add3A_285] : memref<3x8x128xf32, #tpu.memory_space<vmem>>[vector<16xi32>, vector<16xi32>, vector<16xi32>], vector<16xf32>,
        %ge3A_1146 = arith.constant 0 : i32
        %ge3A_1147 = vector.broadcast %ge3A_1146 : i32 to vector<16xi32>
        %ge3A_1148 = arith.cmpi sge, %add3A_1135, %ge3A_1147 : vector<16xi32>
        %jit3A_1149 = arith.constant 0.000000e+00 : f32
        %broadcast_in_dim3A_1150 = vector.broadcast %jit3A_1149 : f32 to vector<16xf32>
        %select_n3A_1151 = arith.select %ge3A_1148, %gather3A_1145, %broadcast_in_dim3A_1150 : vector<16xi1>, vector<16xf32>
        %add3A_1152 = arith.constant 1 : i32
        %add3A_1153 = vector.broadcast %add3A_1152 : i32 to vector<16xi32>
        %add3A_1154 = arith.addi %sub3A_1132, %add3A_1153 : vector<16xi32>
        %max3A_1155 = arith.constant 0 : i32
        %max3A_1156 = vector.broadcast %max3A_1155 : i32 to vector<16xi32>
        %max3A_1157 = arith.maxsi %add3A_1154, %max3A_1156 : vector<16xi32>
        %shift_right_arithmetic3A_1158 = arith.constant 3 : i32
        %shift_right_arithmetic3A_1159 = vector.broadcast %shift_right_arithmetic3A_1158 : i32 to vector<16xi32>
        %shift_right_arithmetic3A_1160 = arith.shrsi %max3A_1157, %shift_right_arithmetic3A_1159 : vector<16xi32>
        %and3A_1161 = arith.constant 7 : i32
        %and3A_1162 = vector.broadcast %and3A_1161 : i32 to vector<16xi32>
        %and3A_1163 = arith.andi %max3A_1157, %and3A_1162 : vector<16xi32>
        %gather3A_1164 = tpu.vector_load_idx %arg12[%shift_right_arithmetic3A_1160, %and3A_1163, %add3A_285] : memref<3x8x128xf32, #tpu.memory_space<vmem>>[vector<16xi32>, vector<16xi32>, vector<16xi32>], vector<16xf32>,
        %ge3A_1165 = arith.constant 0 : i32
        %ge3A_1166 = vector.broadcast %ge3A_1165 : i32 to vector<16xi32>
        %ge3A_1167 = arith.cmpi sge, %add3A_1154, %ge3A_1166 : vector<16xi32>
        %jit3A_1168 = arith.constant 0.000000e+00 : f32
        %broadcast_in_dim3A_1169 = vector.broadcast %jit3A_1168 : f32 to vector<16xf32>
        %select_n3A_1170 = arith.select %ge3A_1167, %gather3A_1164, %broadcast_in_dim3A_1169 : vector<16xi1>, vector<16xf32>
        %add3A_1171 = arith.constant 2 : i32
        %add3A_1172 = vector.broadcast %add3A_1171 : i32 to vector<16xi32>
        %add3A_1173 = arith.addi %sub3A_1132, %add3A_1172 : vector<16xi32>
        %max3A_1174 = arith.constant 0 : i32
        %max3A_1175 = vector.broadcast %max3A_1174 : i32 to vector<16xi32>
        %max3A_1176 = arith.maxsi %add3A_1173, %max3A_1175 : vector<16xi32>
        %shift_right_arithmetic3A_1177 = arith.constant 3 : i32
        %shift_right_arithmetic3A_1178 = vector.broadcast %shift_right_arithmetic3A_1177 : i32 to vector<16xi32>
        %shift_right_arithmetic3A_1179 = arith.shrsi %max3A_1176, %shift_right_arithmetic3A_1178 : vector<16xi32>
        %and3A_1180 = arith.constant 7 : i32
        %and3A_1181 = vector.broadcast %and3A_1180 : i32 to vector<16xi32>
        %and3A_1182 = arith.andi %max3A_1176, %and3A_1181 : vector<16xi32>
        %gather3A_1183 = tpu.vector_load_idx %arg12[%shift_right_arithmetic3A_1179, %and3A_1182, %add3A_285] : memref<3x8x128xf32, #tpu.memory_space<vmem>>[vector<16xi32>, vector<16xi32>, vector<16xi32>], vector<16xf32>,
        %ge3A_1184 = arith.constant 0 : i32
        %ge3A_1185 = vector.broadcast %ge3A_1184 : i32 to vector<16xi32>
        %ge3A_1186 = arith.cmpi sge, %add3A_1173, %ge3A_1185 : vector<16xi32>
        %jit3A_1187 = arith.constant 0.000000e+00 : f32
        %broadcast_in_dim3A_1188 = vector.broadcast %jit3A_1187 : f32 to vector<16xf32>
        %select_n3A_1189 = arith.select %ge3A_1186, %gather3A_1183, %broadcast_in_dim3A_1188 : vector<16xi1>, vector<16xf32>
        %add3A_1190 = arith.constant 3 : i32
        %add3A_1191 = vector.broadcast %add3A_1190 : i32 to vector<16xi32>
        %add3A_1192 = arith.addi %sub3A_1132, %add3A_1191 : vector<16xi32>
        %max3A_1193 = arith.constant 0 : i32
        %max3A_1194 = vector.broadcast %max3A_1193 : i32 to vector<16xi32>
        %max3A_1195 = arith.maxsi %add3A_1192, %max3A_1194 : vector<16xi32>
        %shift_right_arithmetic3A_1196 = arith.constant 3 : i32
        %shift_right_arithmetic3A_1197 = vector.broadcast %shift_right_arithmetic3A_1196 : i32 to vector<16xi32>
        %shift_right_arithmetic3A_1198 = arith.shrsi %max3A_1195, %shift_right_arithmetic3A_1197 : vector<16xi32>
        %and3A_1199 = arith.constant 7 : i32
        %and3A_1200 = vector.broadcast %and3A_1199 : i32 to vector<16xi32>
        %and3A_1201 = arith.andi %max3A_1195, %and3A_1200 : vector<16xi32>
        %gather3A_1202 = tpu.vector_load_idx %arg12[%shift_right_arithmetic3A_1198, %and3A_1201, %add3A_285] : memref<3x8x128xf32, #tpu.memory_space<vmem>>[vector<16xi32>, vector<16xi32>, vector<16xi32>], vector<16xf32>,
        %ge3A_1203 = arith.constant 0 : i32
        %ge3A_1204 = vector.broadcast %ge3A_1203 : i32 to vector<16xi32>
        %ge3A_1205 = arith.cmpi sge, %add3A_1192, %ge3A_1204 : vector<16xi32>
        %jit3A_1206 = arith.constant 0.000000e+00 : f32
        %broadcast_in_dim3A_1207 = vector.broadcast %jit3A_1206 : f32 to vector<16xf32>
        %select_n3A_1208 = arith.select %ge3A_1205, %gather3A_1202, %broadcast_in_dim3A_1207 : vector<16xi1>, vector<16xf32>
        %add3A_1209 = arith.constant 4 : i32
        %add3A_1210 = vector.broadcast %add3A_1209 : i32 to vector<16xi32>
        %add3A_1211 = arith.addi %sub3A_1132, %add3A_1210 : vector<16xi32>
        %shift_right_arithmetic3A_1212 = arith.constant 3 : i32
        %shift_right_arithmetic3A_1213 = vector.broadcast %shift_right_arithmetic3A_1212 : i32 to vector<16xi32>
        %shift_right_arithmetic3A_1214 = arith.shrsi %add3A_1211, %shift_right_arithmetic3A_1213 : vector<16xi32>
        %and3A_1215 = arith.constant 7 : i32
        %and3A_1216 = vector.broadcast %and3A_1215 : i32 to vector<16xi32>
        %and3A_1217 = arith.andi %add3A_1211, %and3A_1216 : vector<16xi32>
        %gather3A_1218 = tpu.vector_load_idx %arg12[%shift_right_arithmetic3A_1214, %and3A_1217, %add3A_285] : memref<3x8x128xf32, #tpu.memory_space<vmem>>[vector<16xi32>, vector<16xi32>, vector<16xi32>], vector<16xf32>,
        %add3A_1219 = arith.constant 5 : i32
        %add3A_1220 = vector.broadcast %add3A_1219 : i32 to vector<16xi32>
        %add3A_1221 = arith.addi %sub3A_1132, %add3A_1220 : vector<16xi32>
        %min3A_1222 = arith.constant 19 : i32
        %min3A_1223 = vector.broadcast %min3A_1222 : i32 to vector<16xi32>
        %min3A_1224 = arith.minsi %add3A_1221, %min3A_1223 : vector<16xi32>
        %shift_right_arithmetic3A_1225 = arith.constant 3 : i32
        %shift_right_arithmetic3A_1226 = vector.broadcast %shift_right_arithmetic3A_1225 : i32 to vector<16xi32>
        %shift_right_arithmetic3A_1227 = arith.shrsi %min3A_1224, %shift_right_arithmetic3A_1226 : vector<16xi32>
        %and3A_1228 = arith.constant 7 : i32
        %and3A_1229 = vector.broadcast %and3A_1228 : i32 to vector<16xi32>
        %and3A_1230 = arith.andi %min3A_1224, %and3A_1229 : vector<16xi32>
        %gather3A_1231 = tpu.vector_load_idx %arg12[%shift_right_arithmetic3A_1227, %and3A_1230, %add3A_285] : memref<3x8x128xf32, #tpu.memory_space<vmem>>[vector<16xi32>, vector<16xi32>, vector<16xi32>], vector<16xf32>,
        %lt3A_1232 = arith.constant 20 : i32
        %lt3A_1233 = vector.broadcast %lt3A_1232 : i32 to vector<16xi32>
        %lt3A_1234 = arith.cmpi slt, %add3A_1221, %lt3A_1233 : vector<16xi32>
        %jit3A_1235 = arith.constant 0.000000e+00 : f32
        %broadcast_in_dim3A_1236 = vector.broadcast %jit3A_1235 : f32 to vector<16xf32>
        %select_n3A_1237 = arith.select %lt3A_1234, %gather3A_1231, %broadcast_in_dim3A_1236 : vector<16xi1>, vector<16xf32>
        %add3A_1238 = arith.constant 6 : i32
        %add3A_1239 = vector.broadcast %add3A_1238 : i32 to vector<16xi32>
        %add3A_1240 = arith.addi %sub3A_1132, %add3A_1239 : vector<16xi32>
        %min3A_1241 = arith.constant 19 : i32
        %min3A_1242 = vector.broadcast %min3A_1241 : i32 to vector<16xi32>
        %min3A_1243 = arith.minsi %add3A_1240, %min3A_1242 : vector<16xi32>
        %shift_right_arithmetic3A_1244 = arith.constant 3 : i32
        %shift_right_arithmetic3A_1245 = vector.broadcast %shift_right_arithmetic3A_1244 : i32 to vector<16xi32>
        %shift_right_arithmetic3A_1246 = arith.shrsi %min3A_1243, %shift_right_arithmetic3A_1245 : vector<16xi32>
        %and3A_1247 = arith.constant 7 : i32
        %and3A_1248 = vector.broadcast %and3A_1247 : i32 to vector<16xi32>
        %and3A_1249 = arith.andi %min3A_1243, %and3A_1248 : vector<16xi32>
        %gather3A_1250 = tpu.vector_load_idx %arg12[%shift_right_arithmetic3A_1246, %and3A_1249, %add3A_285] : memref<3x8x128xf32, #tpu.memory_space<vmem>>[vector<16xi32>, vector<16xi32>, vector<16xi32>], vector<16xf32>,
        %lt3A_1251 = arith.constant 20 : i32
        %lt3A_1252 = vector.broadcast %lt3A_1251 : i32 to vector<16xi32>
        %lt3A_1253 = arith.cmpi slt, %add3A_1240, %lt3A_1252 : vector<16xi32>
        %jit3A_1254 = arith.constant 0.000000e+00 : f32
        %broadcast_in_dim3A_1255 = vector.broadcast %jit3A_1254 : f32 to vector<16xf32>
        %select_n3A_1256 = arith.select %lt3A_1253, %gather3A_1250, %broadcast_in_dim3A_1255 : vector<16xi1>, vector<16xf32>
        %add3A_1257 = arith.constant 7 : i32
        %add3A_1258 = vector.broadcast %add3A_1257 : i32 to vector<16xi32>
        %add3A_1259 = arith.addi %sub3A_1132, %add3A_1258 : vector<16xi32>
        %min3A_1260 = arith.constant 19 : i32
        %min3A_1261 = vector.broadcast %min3A_1260 : i32 to vector<16xi32>
        %min3A_1262 = arith.minsi %add3A_1259, %min3A_1261 : vector<16xi32>
        %shift_right_arithmetic3A_1263 = arith.constant 3 : i32
        %shift_right_arithmetic3A_1264 = vector.broadcast %shift_right_arithmetic3A_1263 : i32 to vector<16xi32>
        %shift_right_arithmetic3A_1265 = arith.shrsi %min3A_1262, %shift_right_arithmetic3A_1264 : vector<16xi32>
        %and3A_1266 = arith.constant 7 : i32
        %and3A_1267 = vector.broadcast %and3A_1266 : i32 to vector<16xi32>
        %and3A_1268 = arith.andi %min3A_1262, %and3A_1267 : vector<16xi32>
        %gather3A_1269 = tpu.vector_load_idx %arg12[%shift_right_arithmetic3A_1265, %and3A_1268, %add3A_285] : memref<3x8x128xf32, #tpu.memory_space<vmem>>[vector<16xi32>, vector<16xi32>, vector<16xi32>], vector<16xf32>,
        %lt3A_1270 = arith.constant 20 : i32
        %lt3A_1271 = vector.broadcast %lt3A_1270 : i32 to vector<16xi32>
        %lt3A_1272 = arith.cmpi slt, %add3A_1259, %lt3A_1271 : vector<16xi32>
        %jit3A_1273 = arith.constant 0.000000e+00 : f32
        %broadcast_in_dim3A_1274 = vector.broadcast %jit3A_1273 : f32 to vector<16xf32>
        %select_n3A_1275 = arith.select %lt3A_1272, %gather3A_1269, %broadcast_in_dim3A_1274 : vector<16xi1>, vector<16xf32>
        %add3A_1276 = arith.constant 8 : i32
        %add3A_1277 = vector.broadcast %add3A_1276 : i32 to vector<16xi32>
        %add3A_1278 = arith.addi %sub3A_1132, %add3A_1277 : vector<16xi32>
        %min3A_1279 = arith.constant 19 : i32
        %min3A_1280 = vector.broadcast %min3A_1279 : i32 to vector<16xi32>
        %min3A_1281 = arith.minsi %add3A_1278, %min3A_1280 : vector<16xi32>
        %shift_right_arithmetic3A_1282 = arith.constant 3 : i32
        %shift_right_arithmetic3A_1283 = vector.broadcast %shift_right_arithmetic3A_1282 : i32 to vector<16xi32>
        %shift_right_arithmetic3A_1284 = arith.shrsi %min3A_1281, %shift_right_arithmetic3A_1283 : vector<16xi32>
        %and3A_1285 = arith.constant 7 : i32
        %and3A_1286 = vector.broadcast %and3A_1285 : i32 to vector<16xi32>
        %and3A_1287 = arith.andi %min3A_1281, %and3A_1286 : vector<16xi32>
        %gather3A_1288 = tpu.vector_load_idx %arg12[%shift_right_arithmetic3A_1284, %and3A_1287, %add3A_285] : memref<3x8x128xf32, #tpu.memory_space<vmem>>[vector<16xi32>, vector<16xi32>, vector<16xi32>], vector<16xf32>,
        %lt3A_1289 = arith.constant 20 : i32
        %lt3A_1290 = vector.broadcast %lt3A_1289 : i32 to vector<16xi32>
        %lt3A_1291 = arith.cmpi slt, %add3A_1278, %lt3A_1290 : vector<16xi32>
        %jit3A_1292 = arith.constant 0.000000e+00 : f32
        %broadcast_in_dim3A_1293 = vector.broadcast %jit3A_1292 : f32 to vector<16xf32>
        %select_n3A_1294 = arith.select %lt3A_1291, %gather3A_1288, %broadcast_in_dim3A_1293 : vector<16xi1>, vector<16xf32>
        %add3A_1295 = arith.constant 9 : i32
        %add3A_1296 = vector.broadcast %add3A_1295 : i32 to vector<16xi32>
        %add3A_1297 = arith.addi %sub3A_1132, %add3A_1296 : vector<16xi32>
        %min3A_1298 = arith.constant 19 : i32
        %min3A_1299 = vector.broadcast %min3A_1298 : i32 to vector<16xi32>
        %min3A_1300 = arith.minsi %add3A_1297, %min3A_1299 : vector<16xi32>
        %shift_right_arithmetic3A_1301 = arith.constant 3 : i32
        %shift_right_arithmetic3A_1302 = vector.broadcast %shift_right_arithmetic3A_1301 : i32 to vector<16xi32>
        %shift_right_arithmetic3A_1303 = arith.shrsi %min3A_1300, %shift_right_arithmetic3A_1302 : vector<16xi32>
        %and3A_1304 = arith.constant 7 : i32
        %and3A_1305 = vector.broadcast %and3A_1304 : i32 to vector<16xi32>
        %and3A_1306 = arith.andi %min3A_1300, %and3A_1305 : vector<16xi32>
        %gather3A_1307 = tpu.vector_load_idx %arg12[%shift_right_arithmetic3A_1303, %and3A_1306, %add3A_285] : memref<3x8x128xf32, #tpu.memory_space<vmem>>[vector<16xi32>, vector<16xi32>, vector<16xi32>], vector<16xf32>,
        %lt3A_1308 = arith.constant 20 : i32
        %lt3A_1309 = vector.broadcast %lt3A_1308 : i32 to vector<16xi32>
        %lt3A_1310 = arith.cmpi slt, %add3A_1297, %lt3A_1309 : vector<16xi32>
        %jit3A_1311 = arith.constant 0.000000e+00 : f32
        %broadcast_in_dim3A_1312 = vector.broadcast %jit3A_1311 : f32 to vector<16xf32>
        %select_n3A_1313 = arith.select %lt3A_1310, %gather3A_1307, %broadcast_in_dim3A_1312 : vector<16xi1>, vector<16xf32>
        %add3A_1314 = arith.constant 27 : i32
        %add3A_1315 = vector.broadcast %add3A_1314 : i32 to vector<16xi32>
        %add3A_1316 = arith.addi %add3A_1315, %mul3A_349 : vector<16xi32>
        %mul3A_1317 = arith.mulf %select_n3A_1151, %sub3A_1129 : vector<16xf32>
        %mul3A_1318 = arith.mulf %select_n3A_1170, %sub3A_1126 : vector<16xf32>
        %add3A_1319 = arith.addf %mul3A_1317, %mul3A_1318 : vector<16xf32>
        tpu.vector_store_idx %arg17[%add3A_1316, %add3A_346, %add3A_382], %add3A_1319 : memref<36x160x8xf32, #tpu.memory_space<vmem>>[vector<16xi32>, vector<16xi32>, vector<16xi32>], vector<16xf32>,
        %add3A_1320 = arith.constant 28 : i32
        %add3A_1321 = vector.broadcast %add3A_1320 : i32 to vector<16xi32>
        %add3A_1322 = arith.addi %add3A_1321, %mul3A_349 : vector<16xi32>
        %mul3A_1323 = arith.mulf %select_n3A_1170, %sub3A_1129 : vector<16xf32>
        %mul3A_1324 = arith.mulf %select_n3A_1189, %sub3A_1126 : vector<16xf32>
        %add3A_1325 = arith.addf %mul3A_1323, %mul3A_1324 : vector<16xf32>
        tpu.vector_store_idx %arg17[%add3A_1322, %add3A_346, %add3A_382], %add3A_1325 : memref<36x160x8xf32, #tpu.memory_space<vmem>>[vector<16xi32>, vector<16xi32>, vector<16xi32>], vector<16xf32>,
        %add3A_1326 = arith.constant 29 : i32
        %add3A_1327 = vector.broadcast %add3A_1326 : i32 to vector<16xi32>
        %add3A_1328 = arith.addi %add3A_1327, %mul3A_349 : vector<16xi32>
        %mul3A_1329 = arith.mulf %select_n3A_1189, %sub3A_1129 : vector<16xf32>
        %mul3A_1330 = arith.mulf %select_n3A_1208, %sub3A_1126 : vector<16xf32>
        %add3A_1331 = arith.addf %mul3A_1329, %mul3A_1330 : vector<16xf32>
        tpu.vector_store_idx %arg17[%add3A_1328, %add3A_346, %add3A_382], %add3A_1331 : memref<36x160x8xf32, #tpu.memory_space<vmem>>[vector<16xi32>, vector<16xi32>, vector<16xi32>], vector<16xf32>,
        %add3A_1332 = arith.constant 30 : i32
        %add3A_1333 = vector.broadcast %add3A_1332 : i32 to vector<16xi32>
        %add3A_1334 = arith.addi %add3A_1333, %mul3A_349 : vector<16xi32>
        %mul3A_1335 = arith.mulf %select_n3A_1208, %sub3A_1129 : vector<16xf32>
        %mul3A_1336 = arith.mulf %gather3A_1218, %sub3A_1126 : vector<16xf32>
        %add3A_1337 = arith.addf %mul3A_1335, %mul3A_1336 : vector<16xf32>
        tpu.vector_store_idx %arg17[%add3A_1334, %add3A_346, %add3A_382], %add3A_1337 : memref<36x160x8xf32, #tpu.memory_space<vmem>>[vector<16xi32>, vector<16xi32>, vector<16xi32>], vector<16xf32>,
        %add3A_1338 = arith.constant 31 : i32
        %add3A_1339 = vector.broadcast %add3A_1338 : i32 to vector<16xi32>
        %add3A_1340 = arith.addi %add3A_1339, %mul3A_349 : vector<16xi32>
        %mul3A_1341 = arith.mulf %gather3A_1218, %sub3A_1129 : vector<16xf32>
        %mul3A_1342 = arith.mulf %select_n3A_1237, %sub3A_1126 : vector<16xf32>
        %add3A_1343 = arith.addf %mul3A_1341, %mul3A_1342 : vector<16xf32>
        tpu.vector_store_idx %arg17[%add3A_1340, %add3A_346, %add3A_382], %add3A_1343 : memref<36x160x8xf32, #tpu.memory_space<vmem>>[vector<16xi32>, vector<16xi32>, vector<16xi32>], vector<16xf32>,
        %add3A_1344 = arith.constant 32 : i32
        %add3A_1345 = vector.broadcast %add3A_1344 : i32 to vector<16xi32>
        %add3A_1346 = arith.addi %add3A_1345, %mul3A_349 : vector<16xi32>
        %mul3A_1347 = arith.mulf %select_n3A_1237, %sub3A_1129 : vector<16xf32>
        %mul3A_1348 = arith.mulf %select_n3A_1256, %sub3A_1126 : vector<16xf32>
        %add3A_1349 = arith.addf %mul3A_1347, %mul3A_1348 : vector<16xf32>
        tpu.vector_store_idx %arg17[%add3A_1346, %add3A_346, %add3A_382], %add3A_1349 : memref<36x160x8xf32, #tpu.memory_space<vmem>>[vector<16xi32>, vector<16xi32>, vector<16xi32>], vector<16xf32>,
        %add3A_1350 = arith.constant 33 : i32
        %add3A_1351 = vector.broadcast %add3A_1350 : i32 to vector<16xi32>
        %add3A_1352 = arith.addi %add3A_1351, %mul3A_349 : vector<16xi32>
        %mul3A_1353 = arith.mulf %select_n3A_1256, %sub3A_1129 : vector<16xf32>
        %mul3A_1354 = arith.mulf %select_n3A_1275, %sub3A_1126 : vector<16xf32>
        %add3A_1355 = arith.addf %mul3A_1353, %mul3A_1354 : vector<16xf32>
        tpu.vector_store_idx %arg17[%add3A_1352, %add3A_346, %add3A_382], %add3A_1355 : memref<36x160x8xf32, #tpu.memory_space<vmem>>[vector<16xi32>, vector<16xi32>, vector<16xi32>], vector<16xf32>,
        %add3A_1356 = arith.constant 34 : i32
        %add3A_1357 = vector.broadcast %add3A_1356 : i32 to vector<16xi32>
        %add3A_1358 = arith.addi %add3A_1357, %mul3A_349 : vector<16xi32>
        %mul3A_1359 = arith.mulf %select_n3A_1275, %sub3A_1129 : vector<16xf32>
        %mul3A_1360 = arith.mulf %select_n3A_1294, %sub3A_1126 : vector<16xf32>
        %add3A_1361 = arith.addf %mul3A_1359, %mul3A_1360 : vector<16xf32>
        tpu.vector_store_idx %arg17[%add3A_1358, %add3A_346, %add3A_382], %add3A_1361 : memref<36x160x8xf32, #tpu.memory_space<vmem>>[vector<16xi32>, vector<16xi32>, vector<16xi32>], vector<16xf32>,
        %add3A_1362 = arith.constant 35 : i32
        %add3A_1363 = vector.broadcast %add3A_1362 : i32 to vector<16xi32>
        %add3A_1364 = arith.addi %add3A_1363, %mul3A_349 : vector<16xi32>
        %mul3A_1365 = arith.mulf %select_n3A_1294, %sub3A_1129 : vector<16xf32>
        %mul3A_1366 = arith.mulf %select_n3A_1313, %sub3A_1126 : vector<16xf32>
        %add3A_1367 = arith.addf %mul3A_1365, %mul3A_1366 : vector<16xf32>
        tpu.vector_store_idx %arg17[%add3A_1364, %add3A_346, %add3A_382], %add3A_1367 : memref<36x160x8xf32, #tpu.memory_space<vmem>>[vector<16xi32>, vector<16xi32>, vector<16xi32>], vector<16xf32>,
      }
      %scan3A_203 = arith.constant 8 : i32
      %lt3A_204 = arith.constant 19 : i32
      %lt3A_205 = arith.cmpi slt, %scan3A_90, %lt3A_204 : i32
      %convert_element_type3A_206 = arith.extui %lt3A_205 : i1 to i32
      %cond3A_207 = arith.constant 0 : i32
      %cond3A_208 = arith.cmpi ne, %convert_element_type3A_206, %cond3A_207 : i32
      scf.if %cond3A_208 {
        %add3A_281 = arith.constant 2 : i32
        %add3A_282 = arith.addi %mul3A_92, %add3A_281 : i32
        %add3A_283 = arith.addi %mul3A_34, %add3A_282 : i32
        %dma_start3A_284 = arith.constant 0 : i32
        %dma_start3A_285 = arith.constant 0 : i32
        %dma_start3A_286 = arith.constant 0 : i32
        %dma_start3A_287 = tpu.memref_slice %arg3[%dma_start3A_284, %add3A_283, %dma_start3A_285, %dma_start3A_286] : memref<20x1280x8x128xf32, #tpu.memory_space<hbm>> -> memref<20x1x8x128xf32, #tpu.memory_space<hbm>>
        %dma_start3A_288 = tpu.memref_squeeze %dma_start3A_287 : memref<20x1x8x128xf32, #tpu.memory_space<hbm>> -> memref<20x8x128xf32, #tpu.memory_space<hbm>>
        %dma_start3A_289 = arith.constant 0 : i32
        %dma_start3A_290 = arith.constant 0 : i32
        %dma_start3A_291 = arith.constant 0 : i32
        %dma_start3A_292 = tpu.memref_slice %arg3[%dma_start3A_289, %add3A_283, %dma_start3A_290, %dma_start3A_291] : memref<20x1280x8x128xf32, #tpu.memory_space<hbm>> -> memref<20x1x8x128xf32, #tpu.memory_space<hbm>>
        %dma_start3A_293 = tpu.memref_squeeze %dma_start3A_292 : memref<20x1x8x128xf32, #tpu.memory_space<hbm>> -> memref<20x8x128xf32, #tpu.memory_space<hbm>>
        tpu.enqueue_dma source(%dma_start3A_293 : memref<20x8x128xf32, #tpu.memory_space<hbm>>) target(%arg9 : memref<20x8x128xf32, #tpu.memory_space<vmem>>) target_semaphore(%arg18 : memref<!tpu.dma_semaphore, #tpu.memory_space<semaphore_mem>>)
        %dma_start3A_294 = arith.constant 0 : i32
        %dma_start3A_295 = arith.constant 0 : i32
        %dma_start3A_296 = arith.constant 0 : i32
        %dma_start3A_297 = tpu.memref_slice %arg4[%dma_start3A_294, %add3A_283, %dma_start3A_295, %dma_start3A_296] : memref<10x1280x8x128xf32, #tpu.memory_space<hbm>> -> memref<10x1x8x128xf32, #tpu.memory_space<hbm>>
        %dma_start3A_298 = tpu.memref_squeeze %dma_start3A_297 : memref<10x1x8x128xf32, #tpu.memory_space<hbm>> -> memref<10x8x128xf32, #tpu.memory_space<hbm>>
        %dma_start3A_299 = arith.constant 0 : i32
        %dma_start3A_300 = arith.constant 0 : i32
        %dma_start3A_301 = arith.constant 0 : i32
        %dma_start3A_302 = tpu.memref_slice %arg4[%dma_start3A_299, %add3A_283, %dma_start3A_300, %dma_start3A_301] : memref<10x1280x8x128xf32, #tpu.memory_space<hbm>> -> memref<10x1x8x128xf32, #tpu.memory_space<hbm>>
        %dma_start3A_303 = tpu.memref_squeeze %dma_start3A_302 : memref<10x1x8x128xf32, #tpu.memory_space<hbm>> -> memref<10x8x128xf32, #tpu.memory_space<hbm>>
        tpu.enqueue_dma source(%dma_start3A_303 : memref<10x8x128xf32, #tpu.memory_space<hbm>>) target(%arg10 : memref<10x8x128xf32, #tpu.memory_space<vmem>>) target_semaphore(%arg18 : memref<!tpu.dma_semaphore, #tpu.memory_space<semaphore_mem>>)
        %dma_start3A_304 = arith.constant 0 : i32
        %dma_start3A_305 = arith.constant 0 : i32
        %dma_start3A_306 = arith.constant 0 : i32
        %dma_start3A_307 = tpu.memref_slice %arg5[%dma_start3A_304, %add3A_283, %dma_start3A_305, %dma_start3A_306] : memref<5x1280x8x128xf32, #tpu.memory_space<hbm>> -> memref<5x1x8x128xf32, #tpu.memory_space<hbm>>
        %dma_start3A_308 = tpu.memref_squeeze %dma_start3A_307 : memref<5x1x8x128xf32, #tpu.memory_space<hbm>> -> memref<5x8x128xf32, #tpu.memory_space<hbm>>
        %dma_start3A_309 = arith.constant 0 : i32
        %dma_start3A_310 = arith.constant 0 : i32
        %dma_start3A_311 = arith.constant 0 : i32
        %dma_start3A_312 = tpu.memref_slice %arg5[%dma_start3A_309, %add3A_283, %dma_start3A_310, %dma_start3A_311] : memref<5x1280x8x128xf32, #tpu.memory_space<hbm>> -> memref<5x1x8x128xf32, #tpu.memory_space<hbm>>
        %dma_start3A_313 = tpu.memref_squeeze %dma_start3A_312 : memref<5x1x8x128xf32, #tpu.memory_space<hbm>> -> memref<5x8x128xf32, #tpu.memory_space<hbm>>
        tpu.enqueue_dma source(%dma_start3A_313 : memref<5x8x128xf32, #tpu.memory_space<hbm>>) target(%arg11 : memref<5x8x128xf32, #tpu.memory_space<vmem>>) target_semaphore(%arg18 : memref<!tpu.dma_semaphore, #tpu.memory_space<semaphore_mem>>)
        %dma_start3A_314 = arith.constant 0 : i32
        %dma_start3A_315 = arith.constant 0 : i32
        %dma_start3A_316 = arith.constant 0 : i32
        %dma_start3A_317 = tpu.memref_slice %arg6[%dma_start3A_314, %add3A_283, %dma_start3A_315, %dma_start3A_316] : memref<3x1280x8x128xf32, #tpu.memory_space<hbm>> -> memref<3x1x8x128xf32, #tpu.memory_space<hbm>>
        %dma_start3A_318 = tpu.memref_squeeze %dma_start3A_317 : memref<3x1x8x128xf32, #tpu.memory_space<hbm>> -> memref<3x8x128xf32, #tpu.memory_space<hbm>>
        %dma_start3A_319 = arith.constant 0 : i32
        %dma_start3A_320 = arith.constant 0 : i32
        %dma_start3A_321 = arith.constant 0 : i32
        %dma_start3A_322 = tpu.memref_slice %arg6[%dma_start3A_319, %add3A_283, %dma_start3A_320, %dma_start3A_321] : memref<3x1280x8x128xf32, #tpu.memory_space<hbm>> -> memref<3x1x8x128xf32, #tpu.memory_space<hbm>>
        %dma_start3A_323 = tpu.memref_squeeze %dma_start3A_322 : memref<3x1x8x128xf32, #tpu.memory_space<hbm>> -> memref<3x8x128xf32, #tpu.memory_space<hbm>>
        tpu.enqueue_dma source(%dma_start3A_323 : memref<3x8x128xf32, #tpu.memory_space<hbm>>) target(%arg12 : memref<3x8x128xf32, #tpu.memory_space<vmem>>) target_semaphore(%arg18 : memref<!tpu.dma_semaphore, #tpu.memory_space<semaphore_mem>>)
      } else {
      }
      %add3A_209 = arith.constant 1 : i32
      %add3A_210 = arith.addi %mul3A_92, %add3A_209 : i32
      %add3A_211 = arith.addi %mul3A_34, %add3A_210 : i32
      %dma_wait3A_212 = arith.constant 0 : i32
      %dma_wait3A_213 = arith.constant 0 : i32
      %dma_wait3A_214 = arith.constant 0 : i32
      %dma_wait3A_215 = tpu.memref_slice %arg3[%dma_wait3A_212, %add3A_211, %dma_wait3A_213, %dma_wait3A_214] : memref<20x1280x8x128xf32, #tpu.memory_space<hbm>> -> memref<20x1x8x128xf32, #tpu.memory_space<hbm>>
      %dma_wait3A_216 = tpu.memref_squeeze %dma_wait3A_215 : memref<20x1x8x128xf32, #tpu.memory_space<hbm>> -> memref<20x8x128xf32, #tpu.memory_space<hbm>>
      %dma_wait3A_217 = arith.constant 0 : i32
      %dma_wait3A_218 = arith.constant 0 : i32
      %dma_wait3A_219 = arith.constant 0 : i32
      %dma_wait3A_220 = tpu.memref_slice %arg3[%dma_wait3A_217, %add3A_211, %dma_wait3A_218, %dma_wait3A_219] : memref<20x1280x8x128xf32, #tpu.memory_space<hbm>> -> memref<20x1x8x128xf32, #tpu.memory_space<hbm>>
      %dma_wait3A_221 = tpu.memref_squeeze %dma_wait3A_220 : memref<20x1x8x128xf32, #tpu.memory_space<hbm>> -> memref<20x8x128xf32, #tpu.memory_space<hbm>>
      tpu.wait_dma2 semaphore(%arg19 : memref<!tpu.dma_semaphore, #tpu.memory_space<semaphore_mem>>) src(%dma_wait3A_221 : memref<20x8x128xf32, #tpu.memory_space<hbm>>) dst(%arg13 : memref<20x8x128xf32, #tpu.memory_space<vmem>>)
      %dma_wait3A_222 = arith.constant 0 : i32
      %dma_wait3A_223 = arith.constant 0 : i32
      %dma_wait3A_224 = arith.constant 0 : i32
      %dma_wait3A_225 = tpu.memref_slice %arg4[%dma_wait3A_222, %add3A_211, %dma_wait3A_223, %dma_wait3A_224] : memref<10x1280x8x128xf32, #tpu.memory_space<hbm>> -> memref<10x1x8x128xf32, #tpu.memory_space<hbm>>
      %dma_wait3A_226 = tpu.memref_squeeze %dma_wait3A_225 : memref<10x1x8x128xf32, #tpu.memory_space<hbm>> -> memref<10x8x128xf32, #tpu.memory_space<hbm>>
      %dma_wait3A_227 = arith.constant 0 : i32
      %dma_wait3A_228 = arith.constant 0 : i32
      %dma_wait3A_229 = arith.constant 0 : i32
      %dma_wait3A_230 = tpu.memref_slice %arg4[%dma_wait3A_227, %add3A_211, %dma_wait3A_228, %dma_wait3A_229] : memref<10x1280x8x128xf32, #tpu.memory_space<hbm>> -> memref<10x1x8x128xf32, #tpu.memory_space<hbm>>
      %dma_wait3A_231 = tpu.memref_squeeze %dma_wait3A_230 : memref<10x1x8x128xf32, #tpu.memory_space<hbm>> -> memref<10x8x128xf32, #tpu.memory_space<hbm>>
      tpu.wait_dma2 semaphore(%arg19 : memref<!tpu.dma_semaphore, #tpu.memory_space<semaphore_mem>>) src(%dma_wait3A_231 : memref<10x8x128xf32, #tpu.memory_space<hbm>>) dst(%arg14 : memref<10x8x128xf32, #tpu.memory_space<vmem>>)
      %dma_wait3A_232 = arith.constant 0 : i32
      %dma_wait3A_233 = arith.constant 0 : i32
      %dma_wait3A_234 = arith.constant 0 : i32
      %dma_wait3A_235 = tpu.memref_slice %arg5[%dma_wait3A_232, %add3A_211, %dma_wait3A_233, %dma_wait3A_234] : memref<5x1280x8x128xf32, #tpu.memory_space<hbm>> -> memref<5x1x8x128xf32, #tpu.memory_space<hbm>>
      %dma_wait3A_236 = tpu.memref_squeeze %dma_wait3A_235 : memref<5x1x8x128xf32, #tpu.memory_space<hbm>> -> memref<5x8x128xf32, #tpu.memory_space<hbm>>
      %dma_wait3A_237 = arith.constant 0 : i32
      %dma_wait3A_238 = arith.constant 0 : i32
      %dma_wait3A_239 = arith.constant 0 : i32
      %dma_wait3A_240 = tpu.memref_slice %arg5[%dma_wait3A_237, %add3A_211, %dma_wait3A_238, %dma_wait3A_239] : memref<5x1280x8x128xf32, #tpu.memory_space<hbm>> -> memref<5x1x8x128xf32, #tpu.memory_space<hbm>>
      %dma_wait3A_241 = tpu.memref_squeeze %dma_wait3A_240 : memref<5x1x8x128xf32, #tpu.memory_space<hbm>> -> memref<5x8x128xf32, #tpu.memory_space<hbm>>
      tpu.wait_dma2 semaphore(%arg19 : memref<!tpu.dma_semaphore, #tpu.memory_space<semaphore_mem>>) src(%dma_wait3A_241 : memref<5x8x128xf32, #tpu.memory_space<hbm>>) dst(%arg15 : memref<5x8x128xf32, #tpu.memory_space<vmem>>)
      %dma_wait3A_242 = arith.constant 0 : i32
      %dma_wait3A_243 = arith.constant 0 : i32
      %dma_wait3A_244 = arith.constant 0 : i32
      %dma_wait3A_245 = tpu.memref_slice %arg6[%dma_wait3A_242, %add3A_211, %dma_wait3A_243, %dma_wait3A_244] : memref<3x1280x8x128xf32, #tpu.memory_space<hbm>> -> memref<3x1x8x128xf32, #tpu.memory_space<hbm>>
      %dma_wait3A_246 = tpu.memref_squeeze %dma_wait3A_245 : memref<3x1x8x128xf32, #tpu.memory_space<hbm>> -> memref<3x8x128xf32, #tpu.memory_space<hbm>>
      %dma_wait3A_247 = arith.constant 0 : i32
      %dma_wait3A_248 = arith.constant 0 : i32
      %dma_wait3A_249 = arith.constant 0 : i32
      %dma_wait3A_250 = tpu.memref_slice %arg6[%dma_wait3A_247, %add3A_211, %dma_wait3A_248, %dma_wait3A_249] : memref<3x1280x8x128xf32, #tpu.memory_space<hbm>> -> memref<3x1x8x128xf32, #tpu.memory_space<hbm>>
      %dma_wait3A_251 = tpu.memref_squeeze %dma_wait3A_250 : memref<3x1x8x128xf32, #tpu.memory_space<hbm>> -> memref<3x8x128xf32, #tpu.memory_space<hbm>>
      tpu.wait_dma2 semaphore(%arg19 : memref<!tpu.dma_semaphore, #tpu.memory_space<semaphore_mem>>) src(%dma_wait3A_251 : memref<3x8x128xf32, #tpu.memory_space<hbm>>) dst(%arg16 : memref<3x8x128xf32, #tpu.memory_space<vmem>>)
      %add3A_252 = arith.constant 1 : i32
      %add3A_253 = arith.addi %mul3A_92, %add3A_252 : i32
      %scan3A_254 = arith.constant 0 : i32
      %scan3A_255 = arith.constant 0 : i32
      %scan3A_256 = arith.constant 8 : i32
      %scan3A_257 = arith.addi %scan3A_255, %scan3A_256 : i32
      %scan3A_258 = arith.constant 1 : i32
      scf.for %scan3A_281 = %scan3A_255 to %scan3A_257 step %scan3A_258  : i32 {
        %mul3A_282 = arith.constant 16 : i32
        %mul3A_283 = arith.muli %scan3A_281, %mul3A_282 : i32
        %add3A_284 = vector.broadcast %mul3A_283 : i32 to vector<16xi32>
        %add3A_285 = arith.addi %add3A_284, %iota3A : vector<16xi32>
        %mul3A_286 = arith.constant 128 : i32
        %mul3A_287 = arith.muli %add3A_253, %mul3A_286 : i32
        %add3A_288 = arith.addi %mul3A_287, %mul3A_283 : i32
        %jit3A_289 = arith.constant 160 : i32
        %eq3A_290 = arith.constant 0 : i32
        %eq3A_291 = arith.cmpi eq, %jit3A_289, %eq3A_290 : i32
        %jit3A_292 = arith.constant 1 : i32
        %select_n3A_293 = arith.select %eq3A_291, %jit3A_292, %jit3A_289 : i32
        %rem3A_294 = arith.remsi %add3A_288, %select_n3A_293 : i32
        %ne3A_295 = arith.constant 0 : i32
        %ne3A_296 = arith.cmpi ne, %rem3A_294, %ne3A_295 : i32
        %lt3A_297 = arith.constant 0 : i32
        %lt3A_298 = arith.cmpi slt, %rem3A_294, %lt3A_297 : i32
        %lt3A_299 = arith.constant 0 : i32
        %lt3A_300 = arith.cmpi slt, %select_n3A_293, %lt3A_299 : i32
        %ne3A_301 = arith.xori %lt3A_298, %lt3A_300 : i1
        %and3A_302 = arith.andi %ne3A_301, %ne3A_296 : i1
        %add3A_303 = arith.addi %rem3A_294, %select_n3A_293 : i32
        %select_n3A_304 = arith.select %and3A_302, %add3A_303, %rem3A_294 : i32
        %jit3A_305 = arith.constant 160 : i32
        %div3A_306 = arith.divsi %add3A_288, %jit3A_305 : i32
        %sign3A_307 = arith.constant 0 : i32
        %sign3A_308 = arith.cmpi sgt, %add3A_288, %sign3A_307 : i32
        %sign3A_309 = arith.extui %sign3A_308 : i1 to i32
        %sign3A_310 = arith.constant 0 : i32
        %sign3A_311 = arith.cmpi slt, %add3A_288, %sign3A_310 : i32
        %sign3A_312 = arith.extui %sign3A_311 : i1 to i32
        %sign3A_313 = arith.subi %sign3A_309, %sign3A_312 : i32
        %sign3A_314 = arith.constant 0 : i32
        %sign3A_315 = arith.cmpi sgt, %jit3A_305, %sign3A_314 : i32
        %sign3A_316 = arith.extui %sign3A_315 : i1 to i32
        %sign3A_317 = arith.constant 0 : i32
        %sign3A_318 = arith.cmpi slt, %jit3A_305, %sign3A_317 : i32
        %sign3A_319 = arith.extui %sign3A_318 : i1 to i32
        %sign3A_320 = arith.subi %sign3A_316, %sign3A_319 : i32
        %ne3A_321 = arith.cmpi ne, %sign3A_313, %sign3A_320 : i32
        %rem3A_322 = arith.remsi %add3A_288, %jit3A_305 : i32
        %ne3A_323 = arith.constant 0 : i32
        %ne3A_324 = arith.cmpi ne, %rem3A_322, %ne3A_323 : i32
        %and3A_325 = arith.andi %ne3A_321, %ne3A_324 : i1
        %sub3A_326 = arith.constant 1 : i32
        %sub3A_327 = arith.subi %div3A_306, %sub3A_326 : i32
        %select_n3A_328 = arith.select %and3A_325, %sub3A_327, %div3A_306 : i32
        %jit3A_329 = arith.constant 8 : i32
        %eq3A_330 = arith.constant 0 : i32
        %eq3A_331 = arith.cmpi eq, %jit3A_329, %eq3A_330 : i32
        %jit3A_332 = arith.constant 1 : i32
        %select_n3A_333 = arith.select %eq3A_331, %jit3A_332, %jit3A_329 : i32
        %rem3A_334 = arith.remsi %select_n3A_328, %select_n3A_333 : i32
        %ne3A_335 = arith.constant 0 : i32
        %ne3A_336 = arith.cmpi ne, %rem3A_334, %ne3A_335 : i32
        %lt3A_337 = arith.constant 0 : i32
        %lt3A_338 = arith.cmpi slt, %rem3A_334, %lt3A_337 : i32
        %lt3A_339 = arith.constant 0 : i32
        %lt3A_340 = arith.cmpi slt, %select_n3A_333, %lt3A_339 : i32
        %ne3A_341 = arith.xori %lt3A_338, %lt3A_340 : i1
        %and3A_342 = arith.andi %ne3A_341, %ne3A_336 : i1
        %add3A_343 = arith.addi %rem3A_334, %select_n3A_333 : i32
        %select_n3A_344 = arith.select %and3A_342, %add3A_343, %rem3A_334 : i32
        %add3A_345 = vector.broadcast %select_n3A_304 : i32 to vector<16xi32>
        %add3A_346 = arith.addi %add3A_345, %iota3A : vector<16xi32>
        %mul3A_347 = arith.constant 0 : i32
        %mul3A_348 = vector.broadcast %mul3A_347 : i32 to vector<16xi32>
        %mul3A_349 = arith.muli %mul3A_348, %iota3A : vector<16xi32>
        %shift_right_arithmetic3A = arith.constant 3 : i32
        %shift_right_arithmetic3A_350 = vector.broadcast %shift_right_arithmetic3A : i32 to vector<16xi32>
        %shift_right_arithmetic3A_351 = arith.shrsi %add3A_346, %shift_right_arithmetic3A_350 : vector<16xi32>
        %and3A_352 = arith.constant 7 : i32
        %and3A_353 = vector.broadcast %and3A_352 : i32 to vector<16xi32>
        %and3A_354 = arith.andi %add3A_346, %and3A_353 : vector<16xi32>
        %jit3A_355 = arith.constant 160 : i32
        %div3A_356 = arith.divsi %add3A_288, %jit3A_355 : i32
        %sign3A_357 = arith.constant 0 : i32
        %sign3A_358 = arith.cmpi sgt, %add3A_288, %sign3A_357 : i32
        %sign3A_359 = arith.extui %sign3A_358 : i1 to i32
        %sign3A_360 = arith.constant 0 : i32
        %sign3A_361 = arith.cmpi slt, %add3A_288, %sign3A_360 : i32
        %sign3A_362 = arith.extui %sign3A_361 : i1 to i32
        %sign3A_363 = arith.subi %sign3A_359, %sign3A_362 : i32
        %sign3A_364 = arith.constant 0 : i32
        %sign3A_365 = arith.cmpi sgt, %jit3A_355, %sign3A_364 : i32
        %sign3A_366 = arith.extui %sign3A_365 : i1 to i32
        %sign3A_367 = arith.constant 0 : i32
        %sign3A_368 = arith.cmpi slt, %jit3A_355, %sign3A_367 : i32
        %sign3A_369 = arith.extui %sign3A_368 : i1 to i32
        %sign3A_370 = arith.subi %sign3A_366, %sign3A_369 : i32
        %ne3A_371 = arith.cmpi ne, %sign3A_363, %sign3A_370 : i32
        %rem3A_372 = arith.remsi %add3A_288, %jit3A_355 : i32
        %ne3A_373 = arith.constant 0 : i32
        %ne3A_374 = arith.cmpi ne, %rem3A_372, %ne3A_373 : i32
        %and3A_375 = arith.andi %ne3A_371, %ne3A_374 : i1
        %sub3A_376 = arith.constant 1 : i32
        %sub3A_377 = arith.subi %div3A_356, %sub3A_376 : i32
        %select_n3A_378 = arith.select %and3A_375, %sub3A_377, %div3A_356 : i32
        %add3A_379 = vector.broadcast %select_n3A_378 : i32 to vector<16xi32>
        %add3A_380 = arith.addi %add3A_379, %mul3A_349 : vector<16xi32>
        %gather3A = tpu.vector_load_idx %arg8[%shift_right_arithmetic3A_351, %and3A_354, %add3A_380] : memref<20x8x32xf32, #tpu.memory_space<vmem>>[vector<16xi32>, vector<16xi32>, vector<16xi32>], vector<16xf32>,
        %add3A_381 = vector.broadcast %select_n3A_344 : i32 to vector<16xi32>
        %add3A_382 = arith.addi %add3A_381, %mul3A_349 : vector<16xi32>
        %mul3A_383 = arith.constant 1.000000e+00 : f32
        %mul3A_384 = vector.broadcast %mul3A_383 : f32 to vector<16xf32>
        %mul3A_385 = arith.mulf %gather3A, %mul3A_384 : vector<16xf32>
        %convert_element_type3A_386 = arith.fptosi %mul3A_385 : vector<16xf32> to vector<16xi32>
        %convert_element_type3A_387 = arith.sitofp %convert_element_type3A_386 : vector<16xi32> to vector<16xf32>
        %sub3A_388 = arith.subf %mul3A_385, %convert_element_type3A_387 : vector<16xf32>
        %sub3A_389 = arith.constant 1.000000e+00 : f32
        %sub3A_390 = vector.broadcast %sub3A_389 : f32 to vector<16xf32>
        %sub3A_391 = arith.subf %sub3A_390, %sub3A_388 : vector<16xf32>
        %sub3A_392 = arith.constant 4 : i32
        %sub3A_393 = vector.broadcast %sub3A_392 : i32 to vector<16xi32>
        %sub3A_394 = arith.subi %convert_element_type3A_386, %sub3A_393 : vector<16xi32>
        %add3A_395 = arith.constant 0 : i32
        %add3A_396 = vector.broadcast %add3A_395 : i32 to vector<16xi32>
        %add3A_397 = arith.addi %sub3A_394, %add3A_396 : vector<16xi32>
        %max3A = arith.constant 0 : i32
        %max3A_398 = vector.broadcast %max3A : i32 to vector<16xi32>
        %max3A_399 = arith.maxsi %add3A_397, %max3A_398 : vector<16xi32>
        %shift_right_arithmetic3A_400 = arith.constant 3 : i32
        %shift_right_arithmetic3A_401 = vector.broadcast %shift_right_arithmetic3A_400 : i32 to vector<16xi32>
        %shift_right_arithmetic3A_402 = arith.shrsi %max3A_399, %shift_right_arithmetic3A_401 : vector<16xi32>
        %and3A_403 = arith.constant 7 : i32
        %and3A_404 = vector.broadcast %and3A_403 : i32 to vector<16xi32>
        %and3A_405 = arith.andi %max3A_399, %and3A_404 : vector<16xi32>
        %gather3A_406 = tpu.vector_load_idx %arg13[%shift_right_arithmetic3A_402, %and3A_405, %add3A_285] : memref<20x8x128xf32, #tpu.memory_space<vmem>>[vector<16xi32>, vector<16xi32>, vector<16xi32>], vector<16xf32>,
        %ge3A_407 = arith.constant 0 : i32
        %ge3A_408 = vector.broadcast %ge3A_407 : i32 to vector<16xi32>
        %ge3A_409 = arith.cmpi sge, %add3A_397, %ge3A_408 : vector<16xi32>
        %jit3A_410 = arith.constant 0.000000e+00 : f32
        %broadcast_in_dim3A = vector.broadcast %jit3A_410 : f32 to vector<16xf32>
        %select_n3A_411 = arith.select %ge3A_409, %gather3A_406, %broadcast_in_dim3A : vector<16xi1>, vector<16xf32>
        %add3A_412 = arith.constant 1 : i32
        %add3A_413 = vector.broadcast %add3A_412 : i32 to vector<16xi32>
        %add3A_414 = arith.addi %sub3A_394, %add3A_413 : vector<16xi32>
        %max3A_415 = arith.constant 0 : i32
        %max3A_416 = vector.broadcast %max3A_415 : i32 to vector<16xi32>
        %max3A_417 = arith.maxsi %add3A_414, %max3A_416 : vector<16xi32>
        %shift_right_arithmetic3A_418 = arith.constant 3 : i32
        %shift_right_arithmetic3A_419 = vector.broadcast %shift_right_arithmetic3A_418 : i32 to vector<16xi32>
        %shift_right_arithmetic3A_420 = arith.shrsi %max3A_417, %shift_right_arithmetic3A_419 : vector<16xi32>
        %and3A_421 = arith.constant 7 : i32
        %and3A_422 = vector.broadcast %and3A_421 : i32 to vector<16xi32>
        %and3A_423 = arith.andi %max3A_417, %and3A_422 : vector<16xi32>
        %gather3A_424 = tpu.vector_load_idx %arg13[%shift_right_arithmetic3A_420, %and3A_423, %add3A_285] : memref<20x8x128xf32, #tpu.memory_space<vmem>>[vector<16xi32>, vector<16xi32>, vector<16xi32>], vector<16xf32>,
        %ge3A_425 = arith.constant 0 : i32
        %ge3A_426 = vector.broadcast %ge3A_425 : i32 to vector<16xi32>
        %ge3A_427 = arith.cmpi sge, %add3A_414, %ge3A_426 : vector<16xi32>
        %jit3A_428 = arith.constant 0.000000e+00 : f32
        %broadcast_in_dim3A_429 = vector.broadcast %jit3A_428 : f32 to vector<16xf32>
        %select_n3A_430 = arith.select %ge3A_427, %gather3A_424, %broadcast_in_dim3A_429 : vector<16xi1>, vector<16xf32>
        %add3A_431 = arith.constant 2 : i32
        %add3A_432 = vector.broadcast %add3A_431 : i32 to vector<16xi32>
        %add3A_433 = arith.addi %sub3A_394, %add3A_432 : vector<16xi32>
        %max3A_434 = arith.constant 0 : i32
        %max3A_435 = vector.broadcast %max3A_434 : i32 to vector<16xi32>
        %max3A_436 = arith.maxsi %add3A_433, %max3A_435 : vector<16xi32>
        %shift_right_arithmetic3A_437 = arith.constant 3 : i32
        %shift_right_arithmetic3A_438 = vector.broadcast %shift_right_arithmetic3A_437 : i32 to vector<16xi32>
        %shift_right_arithmetic3A_439 = arith.shrsi %max3A_436, %shift_right_arithmetic3A_438 : vector<16xi32>
        %and3A_440 = arith.constant 7 : i32
        %and3A_441 = vector.broadcast %and3A_440 : i32 to vector<16xi32>
        %and3A_442 = arith.andi %max3A_436, %and3A_441 : vector<16xi32>
        %gather3A_443 = tpu.vector_load_idx %arg13[%shift_right_arithmetic3A_439, %and3A_442, %add3A_285] : memref<20x8x128xf32, #tpu.memory_space<vmem>>[vector<16xi32>, vector<16xi32>, vector<16xi32>], vector<16xf32>,
        %ge3A_444 = arith.constant 0 : i32
        %ge3A_445 = vector.broadcast %ge3A_444 : i32 to vector<16xi32>
        %ge3A_446 = arith.cmpi sge, %add3A_433, %ge3A_445 : vector<16xi32>
        %jit3A_447 = arith.constant 0.000000e+00 : f32
        %broadcast_in_dim3A_448 = vector.broadcast %jit3A_447 : f32 to vector<16xf32>
        %select_n3A_449 = arith.select %ge3A_446, %gather3A_443, %broadcast_in_dim3A_448 : vector<16xi1>, vector<16xf32>
        %add3A_450 = arith.constant 3 : i32
        %add3A_451 = vector.broadcast %add3A_450 : i32 to vector<16xi32>
        %add3A_452 = arith.addi %sub3A_394, %add3A_451 : vector<16xi32>
        %max3A_453 = arith.constant 0 : i32
        %max3A_454 = vector.broadcast %max3A_453 : i32 to vector<16xi32>
        %max3A_455 = arith.maxsi %add3A_452, %max3A_454 : vector<16xi32>
        %shift_right_arithmetic3A_456 = arith.constant 3 : i32
        %shift_right_arithmetic3A_457 = vector.broadcast %shift_right_arithmetic3A_456 : i32 to vector<16xi32>
        %shift_right_arithmetic3A_458 = arith.shrsi %max3A_455, %shift_right_arithmetic3A_457 : vector<16xi32>
        %and3A_459 = arith.constant 7 : i32
        %and3A_460 = vector.broadcast %and3A_459 : i32 to vector<16xi32>
        %and3A_461 = arith.andi %max3A_455, %and3A_460 : vector<16xi32>
        %gather3A_462 = tpu.vector_load_idx %arg13[%shift_right_arithmetic3A_458, %and3A_461, %add3A_285] : memref<20x8x128xf32, #tpu.memory_space<vmem>>[vector<16xi32>, vector<16xi32>, vector<16xi32>], vector<16xf32>,
        %ge3A_463 = arith.constant 0 : i32
        %ge3A_464 = vector.broadcast %ge3A_463 : i32 to vector<16xi32>
        %ge3A_465 = arith.cmpi sge, %add3A_452, %ge3A_464 : vector<16xi32>
        %jit3A_466 = arith.constant 0.000000e+00 : f32
        %broadcast_in_dim3A_467 = vector.broadcast %jit3A_466 : f32 to vector<16xf32>
        %select_n3A_468 = arith.select %ge3A_465, %gather3A_462, %broadcast_in_dim3A_467 : vector<16xi1>, vector<16xf32>
        %add3A_469 = arith.constant 4 : i32
        %add3A_470 = vector.broadcast %add3A_469 : i32 to vector<16xi32>
        %add3A_471 = arith.addi %sub3A_394, %add3A_470 : vector<16xi32>
        %shift_right_arithmetic3A_472 = arith.constant 3 : i32
        %shift_right_arithmetic3A_473 = vector.broadcast %shift_right_arithmetic3A_472 : i32 to vector<16xi32>
        %shift_right_arithmetic3A_474 = arith.shrsi %add3A_471, %shift_right_arithmetic3A_473 : vector<16xi32>
        %and3A_475 = arith.constant 7 : i32
        %and3A_476 = vector.broadcast %and3A_475 : i32 to vector<16xi32>
        %and3A_477 = arith.andi %add3A_471, %and3A_476 : vector<16xi32>
        %gather3A_478 = tpu.vector_load_idx %arg13[%shift_right_arithmetic3A_474, %and3A_477, %add3A_285] : memref<20x8x128xf32, #tpu.memory_space<vmem>>[vector<16xi32>, vector<16xi32>, vector<16xi32>], vector<16xf32>,
        %add3A_479 = arith.constant 5 : i32
        %add3A_480 = vector.broadcast %add3A_479 : i32 to vector<16xi32>
        %add3A_481 = arith.addi %sub3A_394, %add3A_480 : vector<16xi32>
        %min3A = arith.constant 159 : i32
        %min3A_482 = vector.broadcast %min3A : i32 to vector<16xi32>
        %min3A_483 = arith.minsi %add3A_481, %min3A_482 : vector<16xi32>
        %shift_right_arithmetic3A_484 = arith.constant 3 : i32
        %shift_right_arithmetic3A_485 = vector.broadcast %shift_right_arithmetic3A_484 : i32 to vector<16xi32>
        %shift_right_arithmetic3A_486 = arith.shrsi %min3A_483, %shift_right_arithmetic3A_485 : vector<16xi32>
        %and3A_487 = arith.constant 7 : i32
        %and3A_488 = vector.broadcast %and3A_487 : i32 to vector<16xi32>
        %and3A_489 = arith.andi %min3A_483, %and3A_488 : vector<16xi32>
        %gather3A_490 = tpu.vector_load_idx %arg13[%shift_right_arithmetic3A_486, %and3A_489, %add3A_285] : memref<20x8x128xf32, #tpu.memory_space<vmem>>[vector<16xi32>, vector<16xi32>, vector<16xi32>], vector<16xf32>,
        %lt3A_491 = arith.constant 160 : i32
        %lt3A_492 = vector.broadcast %lt3A_491 : i32 to vector<16xi32>
        %lt3A_493 = arith.cmpi slt, %add3A_481, %lt3A_492 : vector<16xi32>
        %jit3A_494 = arith.constant 0.000000e+00 : f32
        %broadcast_in_dim3A_495 = vector.broadcast %jit3A_494 : f32 to vector<16xf32>
        %select_n3A_496 = arith.select %lt3A_493, %gather3A_490, %broadcast_in_dim3A_495 : vector<16xi1>, vector<16xf32>
        %add3A_497 = arith.constant 6 : i32
        %add3A_498 = vector.broadcast %add3A_497 : i32 to vector<16xi32>
        %add3A_499 = arith.addi %sub3A_394, %add3A_498 : vector<16xi32>
        %min3A_500 = arith.constant 159 : i32
        %min3A_501 = vector.broadcast %min3A_500 : i32 to vector<16xi32>
        %min3A_502 = arith.minsi %add3A_499, %min3A_501 : vector<16xi32>
        %shift_right_arithmetic3A_503 = arith.constant 3 : i32
        %shift_right_arithmetic3A_504 = vector.broadcast %shift_right_arithmetic3A_503 : i32 to vector<16xi32>
        %shift_right_arithmetic3A_505 = arith.shrsi %min3A_502, %shift_right_arithmetic3A_504 : vector<16xi32>
        %and3A_506 = arith.constant 7 : i32
        %and3A_507 = vector.broadcast %and3A_506 : i32 to vector<16xi32>
        %and3A_508 = arith.andi %min3A_502, %and3A_507 : vector<16xi32>
        %gather3A_509 = tpu.vector_load_idx %arg13[%shift_right_arithmetic3A_505, %and3A_508, %add3A_285] : memref<20x8x128xf32, #tpu.memory_space<vmem>>[vector<16xi32>, vector<16xi32>, vector<16xi32>], vector<16xf32>,
        %lt3A_510 = arith.constant 160 : i32
        %lt3A_511 = vector.broadcast %lt3A_510 : i32 to vector<16xi32>
        %lt3A_512 = arith.cmpi slt, %add3A_499, %lt3A_511 : vector<16xi32>
        %jit3A_513 = arith.constant 0.000000e+00 : f32
        %broadcast_in_dim3A_514 = vector.broadcast %jit3A_513 : f32 to vector<16xf32>
        %select_n3A_515 = arith.select %lt3A_512, %gather3A_509, %broadcast_in_dim3A_514 : vector<16xi1>, vector<16xf32>
        %add3A_516 = arith.constant 7 : i32
        %add3A_517 = vector.broadcast %add3A_516 : i32 to vector<16xi32>
        %add3A_518 = arith.addi %sub3A_394, %add3A_517 : vector<16xi32>
        %min3A_519 = arith.constant 159 : i32
        %min3A_520 = vector.broadcast %min3A_519 : i32 to vector<16xi32>
        %min3A_521 = arith.minsi %add3A_518, %min3A_520 : vector<16xi32>
        %shift_right_arithmetic3A_522 = arith.constant 3 : i32
        %shift_right_arithmetic3A_523 = vector.broadcast %shift_right_arithmetic3A_522 : i32 to vector<16xi32>
        %shift_right_arithmetic3A_524 = arith.shrsi %min3A_521, %shift_right_arithmetic3A_523 : vector<16xi32>
        %and3A_525 = arith.constant 7 : i32
        %and3A_526 = vector.broadcast %and3A_525 : i32 to vector<16xi32>
        %and3A_527 = arith.andi %min3A_521, %and3A_526 : vector<16xi32>
        %gather3A_528 = tpu.vector_load_idx %arg13[%shift_right_arithmetic3A_524, %and3A_527, %add3A_285] : memref<20x8x128xf32, #tpu.memory_space<vmem>>[vector<16xi32>, vector<16xi32>, vector<16xi32>], vector<16xf32>,
        %lt3A_529 = arith.constant 160 : i32
        %lt3A_530 = vector.broadcast %lt3A_529 : i32 to vector<16xi32>
        %lt3A_531 = arith.cmpi slt, %add3A_518, %lt3A_530 : vector<16xi32>
        %jit3A_532 = arith.constant 0.000000e+00 : f32
        %broadcast_in_dim3A_533 = vector.broadcast %jit3A_532 : f32 to vector<16xf32>
        %select_n3A_534 = arith.select %lt3A_531, %gather3A_528, %broadcast_in_dim3A_533 : vector<16xi1>, vector<16xf32>
        %add3A_535 = arith.constant 8 : i32
        %add3A_536 = vector.broadcast %add3A_535 : i32 to vector<16xi32>
        %add3A_537 = arith.addi %sub3A_394, %add3A_536 : vector<16xi32>
        %min3A_538 = arith.constant 159 : i32
        %min3A_539 = vector.broadcast %min3A_538 : i32 to vector<16xi32>
        %min3A_540 = arith.minsi %add3A_537, %min3A_539 : vector<16xi32>
        %shift_right_arithmetic3A_541 = arith.constant 3 : i32
        %shift_right_arithmetic3A_542 = vector.broadcast %shift_right_arithmetic3A_541 : i32 to vector<16xi32>
        %shift_right_arithmetic3A_543 = arith.shrsi %min3A_540, %shift_right_arithmetic3A_542 : vector<16xi32>
        %and3A_544 = arith.constant 7 : i32
        %and3A_545 = vector.broadcast %and3A_544 : i32 to vector<16xi32>
        %and3A_546 = arith.andi %min3A_540, %and3A_545 : vector<16xi32>
        %gather3A_547 = tpu.vector_load_idx %arg13[%shift_right_arithmetic3A_543, %and3A_546, %add3A_285] : memref<20x8x128xf32, #tpu.memory_space<vmem>>[vector<16xi32>, vector<16xi32>, vector<16xi32>], vector<16xf32>,
        %lt3A_548 = arith.constant 160 : i32
        %lt3A_549 = vector.broadcast %lt3A_548 : i32 to vector<16xi32>
        %lt3A_550 = arith.cmpi slt, %add3A_537, %lt3A_549 : vector<16xi32>
        %jit3A_551 = arith.constant 0.000000e+00 : f32
        %broadcast_in_dim3A_552 = vector.broadcast %jit3A_551 : f32 to vector<16xf32>
        %select_n3A_553 = arith.select %lt3A_550, %gather3A_547, %broadcast_in_dim3A_552 : vector<16xi1>, vector<16xf32>
        %add3A_554 = arith.constant 9 : i32
        %add3A_555 = vector.broadcast %add3A_554 : i32 to vector<16xi32>
        %add3A_556 = arith.addi %sub3A_394, %add3A_555 : vector<16xi32>
        %min3A_557 = arith.constant 159 : i32
        %min3A_558 = vector.broadcast %min3A_557 : i32 to vector<16xi32>
        %min3A_559 = arith.minsi %add3A_556, %min3A_558 : vector<16xi32>
        %shift_right_arithmetic3A_560 = arith.constant 3 : i32
        %shift_right_arithmetic3A_561 = vector.broadcast %shift_right_arithmetic3A_560 : i32 to vector<16xi32>
        %shift_right_arithmetic3A_562 = arith.shrsi %min3A_559, %shift_right_arithmetic3A_561 : vector<16xi32>
        %and3A_563 = arith.constant 7 : i32
        %and3A_564 = vector.broadcast %and3A_563 : i32 to vector<16xi32>
        %and3A_565 = arith.andi %min3A_559, %and3A_564 : vector<16xi32>
        %gather3A_566 = tpu.vector_load_idx %arg13[%shift_right_arithmetic3A_562, %and3A_565, %add3A_285] : memref<20x8x128xf32, #tpu.memory_space<vmem>>[vector<16xi32>, vector<16xi32>, vector<16xi32>], vector<16xf32>,
        %lt3A_567 = arith.constant 160 : i32
        %lt3A_568 = vector.broadcast %lt3A_567 : i32 to vector<16xi32>
        %lt3A_569 = arith.cmpi slt, %add3A_556, %lt3A_568 : vector<16xi32>
        %jit3A_570 = arith.constant 0.000000e+00 : f32
        %broadcast_in_dim3A_571 = vector.broadcast %jit3A_570 : f32 to vector<16xf32>
        %select_n3A_572 = arith.select %lt3A_569, %gather3A_566, %broadcast_in_dim3A_571 : vector<16xi1>, vector<16xf32>
        %add3A_573 = arith.constant 0 : i32
        %add3A_574 = vector.broadcast %add3A_573 : i32 to vector<16xi32>
        %add3A_575 = arith.addi %add3A_574, %mul3A_349 : vector<16xi32>
        %mul3A_576 = arith.mulf %select_n3A_411, %sub3A_391 : vector<16xf32>
        %mul3A_577 = arith.mulf %select_n3A_430, %sub3A_388 : vector<16xf32>
        %add3A_578 = arith.addf %mul3A_576, %mul3A_577 : vector<16xf32>
        tpu.vector_store_idx %arg17[%add3A_575, %add3A_346, %add3A_382], %add3A_578 : memref<36x160x8xf32, #tpu.memory_space<vmem>>[vector<16xi32>, vector<16xi32>, vector<16xi32>], vector<16xf32>,
        %add3A_579 = arith.constant 1 : i32
        %add3A_580 = vector.broadcast %add3A_579 : i32 to vector<16xi32>
        %add3A_581 = arith.addi %add3A_580, %mul3A_349 : vector<16xi32>
        %mul3A_582 = arith.mulf %select_n3A_430, %sub3A_391 : vector<16xf32>
        %mul3A_583 = arith.mulf %select_n3A_449, %sub3A_388 : vector<16xf32>
        %add3A_584 = arith.addf %mul3A_582, %mul3A_583 : vector<16xf32>
        tpu.vector_store_idx %arg17[%add3A_581, %add3A_346, %add3A_382], %add3A_584 : memref<36x160x8xf32, #tpu.memory_space<vmem>>[vector<16xi32>, vector<16xi32>, vector<16xi32>], vector<16xf32>,
        %add3A_585 = arith.constant 2 : i32
        %add3A_586 = vector.broadcast %add3A_585 : i32 to vector<16xi32>
        %add3A_587 = arith.addi %add3A_586, %mul3A_349 : vector<16xi32>
        %mul3A_588 = arith.mulf %select_n3A_449, %sub3A_391 : vector<16xf32>
        %mul3A_589 = arith.mulf %select_n3A_468, %sub3A_388 : vector<16xf32>
        %add3A_590 = arith.addf %mul3A_588, %mul3A_589 : vector<16xf32>
        tpu.vector_store_idx %arg17[%add3A_587, %add3A_346, %add3A_382], %add3A_590 : memref<36x160x8xf32, #tpu.memory_space<vmem>>[vector<16xi32>, vector<16xi32>, vector<16xi32>], vector<16xf32>,
        %add3A_591 = arith.constant 3 : i32
        %add3A_592 = vector.broadcast %add3A_591 : i32 to vector<16xi32>
        %add3A_593 = arith.addi %add3A_592, %mul3A_349 : vector<16xi32>
        %mul3A_594 = arith.mulf %select_n3A_468, %sub3A_391 : vector<16xf32>
        %mul3A_595 = arith.mulf %gather3A_478, %sub3A_388 : vector<16xf32>
        %add3A_596 = arith.addf %mul3A_594, %mul3A_595 : vector<16xf32>
        tpu.vector_store_idx %arg17[%add3A_593, %add3A_346, %add3A_382], %add3A_596 : memref<36x160x8xf32, #tpu.memory_space<vmem>>[vector<16xi32>, vector<16xi32>, vector<16xi32>], vector<16xf32>,
        %add3A_597 = arith.constant 4 : i32
        %add3A_598 = vector.broadcast %add3A_597 : i32 to vector<16xi32>
        %add3A_599 = arith.addi %add3A_598, %mul3A_349 : vector<16xi32>
        %mul3A_600 = arith.mulf %gather3A_478, %sub3A_391 : vector<16xf32>
        %mul3A_601 = arith.mulf %select_n3A_496, %sub3A_388 : vector<16xf32>
        %add3A_602 = arith.addf %mul3A_600, %mul3A_601 : vector<16xf32>
        tpu.vector_store_idx %arg17[%add3A_599, %add3A_346, %add3A_382], %add3A_602 : memref<36x160x8xf32, #tpu.memory_space<vmem>>[vector<16xi32>, vector<16xi32>, vector<16xi32>], vector<16xf32>,
        %add3A_603 = arith.constant 5 : i32
        %add3A_604 = vector.broadcast %add3A_603 : i32 to vector<16xi32>
        %add3A_605 = arith.addi %add3A_604, %mul3A_349 : vector<16xi32>
        %mul3A_606 = arith.mulf %select_n3A_496, %sub3A_391 : vector<16xf32>
        %mul3A_607 = arith.mulf %select_n3A_515, %sub3A_388 : vector<16xf32>
        %add3A_608 = arith.addf %mul3A_606, %mul3A_607 : vector<16xf32>
        tpu.vector_store_idx %arg17[%add3A_605, %add3A_346, %add3A_382], %add3A_608 : memref<36x160x8xf32, #tpu.memory_space<vmem>>[vector<16xi32>, vector<16xi32>, vector<16xi32>], vector<16xf32>,
        %add3A_609 = arith.constant 6 : i32
        %add3A_610 = vector.broadcast %add3A_609 : i32 to vector<16xi32>
        %add3A_611 = arith.addi %add3A_610, %mul3A_349 : vector<16xi32>
        %mul3A_612 = arith.mulf %select_n3A_515, %sub3A_391 : vector<16xf32>
        %mul3A_613 = arith.mulf %select_n3A_534, %sub3A_388 : vector<16xf32>
        %add3A_614 = arith.addf %mul3A_612, %mul3A_613 : vector<16xf32>
        tpu.vector_store_idx %arg17[%add3A_611, %add3A_346, %add3A_382], %add3A_614 : memref<36x160x8xf32, #tpu.memory_space<vmem>>[vector<16xi32>, vector<16xi32>, vector<16xi32>], vector<16xf32>,
        %add3A_615 = arith.constant 7 : i32
        %add3A_616 = vector.broadcast %add3A_615 : i32 to vector<16xi32>
        %add3A_617 = arith.addi %add3A_616, %mul3A_349 : vector<16xi32>
        %mul3A_618 = arith.mulf %select_n3A_534, %sub3A_391 : vector<16xf32>
        %mul3A_619 = arith.mulf %select_n3A_553, %sub3A_388 : vector<16xf32>
        %add3A_620 = arith.addf %mul3A_618, %mul3A_619 : vector<16xf32>
        tpu.vector_store_idx %arg17[%add3A_617, %add3A_346, %add3A_382], %add3A_620 : memref<36x160x8xf32, #tpu.memory_space<vmem>>[vector<16xi32>, vector<16xi32>, vector<16xi32>], vector<16xf32>,
        %add3A_621 = arith.constant 8 : i32
        %add3A_622 = vector.broadcast %add3A_621 : i32 to vector<16xi32>
        %add3A_623 = arith.addi %add3A_622, %mul3A_349 : vector<16xi32>
        %mul3A_624 = arith.mulf %select_n3A_553, %sub3A_391 : vector<16xf32>
        %mul3A_625 = arith.mulf %select_n3A_572, %sub3A_388 : vector<16xf32>
        %add3A_626 = arith.addf %mul3A_624, %mul3A_625 : vector<16xf32>
        tpu.vector_store_idx %arg17[%add3A_623, %add3A_346, %add3A_382], %add3A_626 : memref<36x160x8xf32, #tpu.memory_space<vmem>>[vector<16xi32>, vector<16xi32>, vector<16xi32>], vector<16xf32>,
        %mul3A_627 = arith.constant 5.000000e-01 : f32
        %mul3A_628 = vector.broadcast %mul3A_627 : f32 to vector<16xf32>
        %mul3A_629 = arith.mulf %gather3A, %mul3A_628 : vector<16xf32>
        %convert_element_type3A_630 = arith.fptosi %mul3A_629 : vector<16xf32> to vector<16xi32>
        %convert_element_type3A_631 = arith.sitofp %convert_element_type3A_630 : vector<16xi32> to vector<16xf32>
        %sub3A_632 = arith.subf %mul3A_629, %convert_element_type3A_631 : vector<16xf32>
        %sub3A_633 = arith.constant 1.000000e+00 : f32
        %sub3A_634 = vector.broadcast %sub3A_633 : f32 to vector<16xf32>
        %sub3A_635 = arith.subf %sub3A_634, %sub3A_632 : vector<16xf32>
        %sub3A_636 = arith.constant 4 : i32
        %sub3A_637 = vector.broadcast %sub3A_636 : i32 to vector<16xi32>
        %sub3A_638 = arith.subi %convert_element_type3A_630, %sub3A_637 : vector<16xi32>
        %add3A_639 = arith.constant 0 : i32
        %add3A_640 = vector.broadcast %add3A_639 : i32 to vector<16xi32>
        %add3A_641 = arith.addi %sub3A_638, %add3A_640 : vector<16xi32>
        %max3A_642 = arith.constant 0 : i32
        %max3A_643 = vector.broadcast %max3A_642 : i32 to vector<16xi32>
        %max3A_644 = arith.maxsi %add3A_641, %max3A_643 : vector<16xi32>
        %shift_right_arithmetic3A_645 = arith.constant 3 : i32
        %shift_right_arithmetic3A_646 = vector.broadcast %shift_right_arithmetic3A_645 : i32 to vector<16xi32>
        %shift_right_arithmetic3A_647 = arith.shrsi %max3A_644, %shift_right_arithmetic3A_646 : vector<16xi32>
        %and3A_648 = arith.constant 7 : i32
        %and3A_649 = vector.broadcast %and3A_648 : i32 to vector<16xi32>
        %and3A_650 = arith.andi %max3A_644, %and3A_649 : vector<16xi32>
        %gather3A_651 = tpu.vector_load_idx %arg14[%shift_right_arithmetic3A_647, %and3A_650, %add3A_285] : memref<10x8x128xf32, #tpu.memory_space<vmem>>[vector<16xi32>, vector<16xi32>, vector<16xi32>], vector<16xf32>,
        %ge3A_652 = arith.constant 0 : i32
        %ge3A_653 = vector.broadcast %ge3A_652 : i32 to vector<16xi32>
        %ge3A_654 = arith.cmpi sge, %add3A_641, %ge3A_653 : vector<16xi32>
        %jit3A_655 = arith.constant 0.000000e+00 : f32
        %broadcast_in_dim3A_656 = vector.broadcast %jit3A_655 : f32 to vector<16xf32>
        %select_n3A_657 = arith.select %ge3A_654, %gather3A_651, %broadcast_in_dim3A_656 : vector<16xi1>, vector<16xf32>
        %add3A_658 = arith.constant 1 : i32
        %add3A_659 = vector.broadcast %add3A_658 : i32 to vector<16xi32>
        %add3A_660 = arith.addi %sub3A_638, %add3A_659 : vector<16xi32>
        %max3A_661 = arith.constant 0 : i32
        %max3A_662 = vector.broadcast %max3A_661 : i32 to vector<16xi32>
        %max3A_663 = arith.maxsi %add3A_660, %max3A_662 : vector<16xi32>
        %shift_right_arithmetic3A_664 = arith.constant 3 : i32
        %shift_right_arithmetic3A_665 = vector.broadcast %shift_right_arithmetic3A_664 : i32 to vector<16xi32>
        %shift_right_arithmetic3A_666 = arith.shrsi %max3A_663, %shift_right_arithmetic3A_665 : vector<16xi32>
        %and3A_667 = arith.constant 7 : i32
        %and3A_668 = vector.broadcast %and3A_667 : i32 to vector<16xi32>
        %and3A_669 = arith.andi %max3A_663, %and3A_668 : vector<16xi32>
        %gather3A_670 = tpu.vector_load_idx %arg14[%shift_right_arithmetic3A_666, %and3A_669, %add3A_285] : memref<10x8x128xf32, #tpu.memory_space<vmem>>[vector<16xi32>, vector<16xi32>, vector<16xi32>], vector<16xf32>,
        %ge3A_671 = arith.constant 0 : i32
        %ge3A_672 = vector.broadcast %ge3A_671 : i32 to vector<16xi32>
        %ge3A_673 = arith.cmpi sge, %add3A_660, %ge3A_672 : vector<16xi32>
        %jit3A_674 = arith.constant 0.000000e+00 : f32
        %broadcast_in_dim3A_675 = vector.broadcast %jit3A_674 : f32 to vector<16xf32>
        %select_n3A_676 = arith.select %ge3A_673, %gather3A_670, %broadcast_in_dim3A_675 : vector<16xi1>, vector<16xf32>
        %add3A_677 = arith.constant 2 : i32
        %add3A_678 = vector.broadcast %add3A_677 : i32 to vector<16xi32>
        %add3A_679 = arith.addi %sub3A_638, %add3A_678 : vector<16xi32>
        %max3A_680 = arith.constant 0 : i32
        %max3A_681 = vector.broadcast %max3A_680 : i32 to vector<16xi32>
        %max3A_682 = arith.maxsi %add3A_679, %max3A_681 : vector<16xi32>
        %shift_right_arithmetic3A_683 = arith.constant 3 : i32
        %shift_right_arithmetic3A_684 = vector.broadcast %shift_right_arithmetic3A_683 : i32 to vector<16xi32>
        %shift_right_arithmetic3A_685 = arith.shrsi %max3A_682, %shift_right_arithmetic3A_684 : vector<16xi32>
        %and3A_686 = arith.constant 7 : i32
        %and3A_687 = vector.broadcast %and3A_686 : i32 to vector<16xi32>
        %and3A_688 = arith.andi %max3A_682, %and3A_687 : vector<16xi32>
        %gather3A_689 = tpu.vector_load_idx %arg14[%shift_right_arithmetic3A_685, %and3A_688, %add3A_285] : memref<10x8x128xf32, #tpu.memory_space<vmem>>[vector<16xi32>, vector<16xi32>, vector<16xi32>], vector<16xf32>,
        %ge3A_690 = arith.constant 0 : i32
        %ge3A_691 = vector.broadcast %ge3A_690 : i32 to vector<16xi32>
        %ge3A_692 = arith.cmpi sge, %add3A_679, %ge3A_691 : vector<16xi32>
        %jit3A_693 = arith.constant 0.000000e+00 : f32
        %broadcast_in_dim3A_694 = vector.broadcast %jit3A_693 : f32 to vector<16xf32>
        %select_n3A_695 = arith.select %ge3A_692, %gather3A_689, %broadcast_in_dim3A_694 : vector<16xi1>, vector<16xf32>
        %add3A_696 = arith.constant 3 : i32
        %add3A_697 = vector.broadcast %add3A_696 : i32 to vector<16xi32>
        %add3A_698 = arith.addi %sub3A_638, %add3A_697 : vector<16xi32>
        %max3A_699 = arith.constant 0 : i32
        %max3A_700 = vector.broadcast %max3A_699 : i32 to vector<16xi32>
        %max3A_701 = arith.maxsi %add3A_698, %max3A_700 : vector<16xi32>
        %shift_right_arithmetic3A_702 = arith.constant 3 : i32
        %shift_right_arithmetic3A_703 = vector.broadcast %shift_right_arithmetic3A_702 : i32 to vector<16xi32>
        %shift_right_arithmetic3A_704 = arith.shrsi %max3A_701, %shift_right_arithmetic3A_703 : vector<16xi32>
        %and3A_705 = arith.constant 7 : i32
        %and3A_706 = vector.broadcast %and3A_705 : i32 to vector<16xi32>
        %and3A_707 = arith.andi %max3A_701, %and3A_706 : vector<16xi32>
        %gather3A_708 = tpu.vector_load_idx %arg14[%shift_right_arithmetic3A_704, %and3A_707, %add3A_285] : memref<10x8x128xf32, #tpu.memory_space<vmem>>[vector<16xi32>, vector<16xi32>, vector<16xi32>], vector<16xf32>,
        %ge3A_709 = arith.constant 0 : i32
        %ge3A_710 = vector.broadcast %ge3A_709 : i32 to vector<16xi32>
        %ge3A_711 = arith.cmpi sge, %add3A_698, %ge3A_710 : vector<16xi32>
        %jit3A_712 = arith.constant 0.000000e+00 : f32
        %broadcast_in_dim3A_713 = vector.broadcast %jit3A_712 : f32 to vector<16xf32>
        %select_n3A_714 = arith.select %ge3A_711, %gather3A_708, %broadcast_in_dim3A_713 : vector<16xi1>, vector<16xf32>
        %add3A_715 = arith.constant 4 : i32
        %add3A_716 = vector.broadcast %add3A_715 : i32 to vector<16xi32>
        %add3A_717 = arith.addi %sub3A_638, %add3A_716 : vector<16xi32>
        %shift_right_arithmetic3A_718 = arith.constant 3 : i32
        %shift_right_arithmetic3A_719 = vector.broadcast %shift_right_arithmetic3A_718 : i32 to vector<16xi32>
        %shift_right_arithmetic3A_720 = arith.shrsi %add3A_717, %shift_right_arithmetic3A_719 : vector<16xi32>
        %and3A_721 = arith.constant 7 : i32
        %and3A_722 = vector.broadcast %and3A_721 : i32 to vector<16xi32>
        %and3A_723 = arith.andi %add3A_717, %and3A_722 : vector<16xi32>
        %gather3A_724 = tpu.vector_load_idx %arg14[%shift_right_arithmetic3A_720, %and3A_723, %add3A_285] : memref<10x8x128xf32, #tpu.memory_space<vmem>>[vector<16xi32>, vector<16xi32>, vector<16xi32>], vector<16xf32>,
        %add3A_725 = arith.constant 5 : i32
        %add3A_726 = vector.broadcast %add3A_725 : i32 to vector<16xi32>
        %add3A_727 = arith.addi %sub3A_638, %add3A_726 : vector<16xi32>
        %min3A_728 = arith.constant 79 : i32
        %min3A_729 = vector.broadcast %min3A_728 : i32 to vector<16xi32>
        %min3A_730 = arith.minsi %add3A_727, %min3A_729 : vector<16xi32>
        %shift_right_arithmetic3A_731 = arith.constant 3 : i32
        %shift_right_arithmetic3A_732 = vector.broadcast %shift_right_arithmetic3A_731 : i32 to vector<16xi32>
        %shift_right_arithmetic3A_733 = arith.shrsi %min3A_730, %shift_right_arithmetic3A_732 : vector<16xi32>
        %and3A_734 = arith.constant 7 : i32
        %and3A_735 = vector.broadcast %and3A_734 : i32 to vector<16xi32>
        %and3A_736 = arith.andi %min3A_730, %and3A_735 : vector<16xi32>
        %gather3A_737 = tpu.vector_load_idx %arg14[%shift_right_arithmetic3A_733, %and3A_736, %add3A_285] : memref<10x8x128xf32, #tpu.memory_space<vmem>>[vector<16xi32>, vector<16xi32>, vector<16xi32>], vector<16xf32>,
        %lt3A_738 = arith.constant 80 : i32
        %lt3A_739 = vector.broadcast %lt3A_738 : i32 to vector<16xi32>
        %lt3A_740 = arith.cmpi slt, %add3A_727, %lt3A_739 : vector<16xi32>
        %jit3A_741 = arith.constant 0.000000e+00 : f32
        %broadcast_in_dim3A_742 = vector.broadcast %jit3A_741 : f32 to vector<16xf32>
        %select_n3A_743 = arith.select %lt3A_740, %gather3A_737, %broadcast_in_dim3A_742 : vector<16xi1>, vector<16xf32>
        %add3A_744 = arith.constant 6 : i32
        %add3A_745 = vector.broadcast %add3A_744 : i32 to vector<16xi32>
        %add3A_746 = arith.addi %sub3A_638, %add3A_745 : vector<16xi32>
        %min3A_747 = arith.constant 79 : i32
        %min3A_748 = vector.broadcast %min3A_747 : i32 to vector<16xi32>
        %min3A_749 = arith.minsi %add3A_746, %min3A_748 : vector<16xi32>
        %shift_right_arithmetic3A_750 = arith.constant 3 : i32
        %shift_right_arithmetic3A_751 = vector.broadcast %shift_right_arithmetic3A_750 : i32 to vector<16xi32>
        %shift_right_arithmetic3A_752 = arith.shrsi %min3A_749, %shift_right_arithmetic3A_751 : vector<16xi32>
        %and3A_753 = arith.constant 7 : i32
        %and3A_754 = vector.broadcast %and3A_753 : i32 to vector<16xi32>
        %and3A_755 = arith.andi %min3A_749, %and3A_754 : vector<16xi32>
        %gather3A_756 = tpu.vector_load_idx %arg14[%shift_right_arithmetic3A_752, %and3A_755, %add3A_285] : memref<10x8x128xf32, #tpu.memory_space<vmem>>[vector<16xi32>, vector<16xi32>, vector<16xi32>], vector<16xf32>,
        %lt3A_757 = arith.constant 80 : i32
        %lt3A_758 = vector.broadcast %lt3A_757 : i32 to vector<16xi32>
        %lt3A_759 = arith.cmpi slt, %add3A_746, %lt3A_758 : vector<16xi32>
        %jit3A_760 = arith.constant 0.000000e+00 : f32
        %broadcast_in_dim3A_761 = vector.broadcast %jit3A_760 : f32 to vector<16xf32>
        %select_n3A_762 = arith.select %lt3A_759, %gather3A_756, %broadcast_in_dim3A_761 : vector<16xi1>, vector<16xf32>
        %add3A_763 = arith.constant 7 : i32
        %add3A_764 = vector.broadcast %add3A_763 : i32 to vector<16xi32>
        %add3A_765 = arith.addi %sub3A_638, %add3A_764 : vector<16xi32>
        %min3A_766 = arith.constant 79 : i32
        %min3A_767 = vector.broadcast %min3A_766 : i32 to vector<16xi32>
        %min3A_768 = arith.minsi %add3A_765, %min3A_767 : vector<16xi32>
        %shift_right_arithmetic3A_769 = arith.constant 3 : i32
        %shift_right_arithmetic3A_770 = vector.broadcast %shift_right_arithmetic3A_769 : i32 to vector<16xi32>
        %shift_right_arithmetic3A_771 = arith.shrsi %min3A_768, %shift_right_arithmetic3A_770 : vector<16xi32>
        %and3A_772 = arith.constant 7 : i32
        %and3A_773 = vector.broadcast %and3A_772 : i32 to vector<16xi32>
        %and3A_774 = arith.andi %min3A_768, %and3A_773 : vector<16xi32>
        %gather3A_775 = tpu.vector_load_idx %arg14[%shift_right_arithmetic3A_771, %and3A_774, %add3A_285] : memref<10x8x128xf32, #tpu.memory_space<vmem>>[vector<16xi32>, vector<16xi32>, vector<16xi32>], vector<16xf32>,
        %lt3A_776 = arith.constant 80 : i32
        %lt3A_777 = vector.broadcast %lt3A_776 : i32 to vector<16xi32>
        %lt3A_778 = arith.cmpi slt, %add3A_765, %lt3A_777 : vector<16xi32>
        %jit3A_779 = arith.constant 0.000000e+00 : f32
        %broadcast_in_dim3A_780 = vector.broadcast %jit3A_779 : f32 to vector<16xf32>
        %select_n3A_781 = arith.select %lt3A_778, %gather3A_775, %broadcast_in_dim3A_780 : vector<16xi1>, vector<16xf32>
        %add3A_782 = arith.constant 8 : i32
        %add3A_783 = vector.broadcast %add3A_782 : i32 to vector<16xi32>
        %add3A_784 = arith.addi %sub3A_638, %add3A_783 : vector<16xi32>
        %min3A_785 = arith.constant 79 : i32
        %min3A_786 = vector.broadcast %min3A_785 : i32 to vector<16xi32>
        %min3A_787 = arith.minsi %add3A_784, %min3A_786 : vector<16xi32>
        %shift_right_arithmetic3A_788 = arith.constant 3 : i32
        %shift_right_arithmetic3A_789 = vector.broadcast %shift_right_arithmetic3A_788 : i32 to vector<16xi32>
        %shift_right_arithmetic3A_790 = arith.shrsi %min3A_787, %shift_right_arithmetic3A_789 : vector<16xi32>
        %and3A_791 = arith.constant 7 : i32
        %and3A_792 = vector.broadcast %and3A_791 : i32 to vector<16xi32>
        %and3A_793 = arith.andi %min3A_787, %and3A_792 : vector<16xi32>
        %gather3A_794 = tpu.vector_load_idx %arg14[%shift_right_arithmetic3A_790, %and3A_793, %add3A_285] : memref<10x8x128xf32, #tpu.memory_space<vmem>>[vector<16xi32>, vector<16xi32>, vector<16xi32>], vector<16xf32>,
        %lt3A_795 = arith.constant 80 : i32
        %lt3A_796 = vector.broadcast %lt3A_795 : i32 to vector<16xi32>
        %lt3A_797 = arith.cmpi slt, %add3A_784, %lt3A_796 : vector<16xi32>
        %jit3A_798 = arith.constant 0.000000e+00 : f32
        %broadcast_in_dim3A_799 = vector.broadcast %jit3A_798 : f32 to vector<16xf32>
        %select_n3A_800 = arith.select %lt3A_797, %gather3A_794, %broadcast_in_dim3A_799 : vector<16xi1>, vector<16xf32>
        %add3A_801 = arith.constant 9 : i32
        %add3A_802 = vector.broadcast %add3A_801 : i32 to vector<16xi32>
        %add3A_803 = arith.addi %sub3A_638, %add3A_802 : vector<16xi32>
        %min3A_804 = arith.constant 79 : i32
        %min3A_805 = vector.broadcast %min3A_804 : i32 to vector<16xi32>
        %min3A_806 = arith.minsi %add3A_803, %min3A_805 : vector<16xi32>
        %shift_right_arithmetic3A_807 = arith.constant 3 : i32
        %shift_right_arithmetic3A_808 = vector.broadcast %shift_right_arithmetic3A_807 : i32 to vector<16xi32>
        %shift_right_arithmetic3A_809 = arith.shrsi %min3A_806, %shift_right_arithmetic3A_808 : vector<16xi32>
        %and3A_810 = arith.constant 7 : i32
        %and3A_811 = vector.broadcast %and3A_810 : i32 to vector<16xi32>
        %and3A_812 = arith.andi %min3A_806, %and3A_811 : vector<16xi32>
        %gather3A_813 = tpu.vector_load_idx %arg14[%shift_right_arithmetic3A_809, %and3A_812, %add3A_285] : memref<10x8x128xf32, #tpu.memory_space<vmem>>[vector<16xi32>, vector<16xi32>, vector<16xi32>], vector<16xf32>,
        %lt3A_814 = arith.constant 80 : i32
        %lt3A_815 = vector.broadcast %lt3A_814 : i32 to vector<16xi32>
        %lt3A_816 = arith.cmpi slt, %add3A_803, %lt3A_815 : vector<16xi32>
        %jit3A_817 = arith.constant 0.000000e+00 : f32
        %broadcast_in_dim3A_818 = vector.broadcast %jit3A_817 : f32 to vector<16xf32>
        %select_n3A_819 = arith.select %lt3A_816, %gather3A_813, %broadcast_in_dim3A_818 : vector<16xi1>, vector<16xf32>
        %add3A_820 = arith.constant 9 : i32
        %add3A_821 = vector.broadcast %add3A_820 : i32 to vector<16xi32>
        %add3A_822 = arith.addi %add3A_821, %mul3A_349 : vector<16xi32>
        %mul3A_823 = arith.mulf %select_n3A_657, %sub3A_635 : vector<16xf32>
        %mul3A_824 = arith.mulf %select_n3A_676, %sub3A_632 : vector<16xf32>
        %add3A_825 = arith.addf %mul3A_823, %mul3A_824 : vector<16xf32>
        tpu.vector_store_idx %arg17[%add3A_822, %add3A_346, %add3A_382], %add3A_825 : memref<36x160x8xf32, #tpu.memory_space<vmem>>[vector<16xi32>, vector<16xi32>, vector<16xi32>], vector<16xf32>,
        %add3A_826 = arith.constant 10 : i32
        %add3A_827 = vector.broadcast %add3A_826 : i32 to vector<16xi32>
        %add3A_828 = arith.addi %add3A_827, %mul3A_349 : vector<16xi32>
        %mul3A_829 = arith.mulf %select_n3A_676, %sub3A_635 : vector<16xf32>
        %mul3A_830 = arith.mulf %select_n3A_695, %sub3A_632 : vector<16xf32>
        %add3A_831 = arith.addf %mul3A_829, %mul3A_830 : vector<16xf32>
        tpu.vector_store_idx %arg17[%add3A_828, %add3A_346, %add3A_382], %add3A_831 : memref<36x160x8xf32, #tpu.memory_space<vmem>>[vector<16xi32>, vector<16xi32>, vector<16xi32>], vector<16xf32>,
        %add3A_832 = arith.constant 11 : i32
        %add3A_833 = vector.broadcast %add3A_832 : i32 to vector<16xi32>
        %add3A_834 = arith.addi %add3A_833, %mul3A_349 : vector<16xi32>
        %mul3A_835 = arith.mulf %select_n3A_695, %sub3A_635 : vector<16xf32>
        %mul3A_836 = arith.mulf %select_n3A_714, %sub3A_632 : vector<16xf32>
        %add3A_837 = arith.addf %mul3A_835, %mul3A_836 : vector<16xf32>
        tpu.vector_store_idx %arg17[%add3A_834, %add3A_346, %add3A_382], %add3A_837 : memref<36x160x8xf32, #tpu.memory_space<vmem>>[vector<16xi32>, vector<16xi32>, vector<16xi32>], vector<16xf32>,
        %add3A_838 = arith.constant 12 : i32
        %add3A_839 = vector.broadcast %add3A_838 : i32 to vector<16xi32>
        %add3A_840 = arith.addi %add3A_839, %mul3A_349 : vector<16xi32>
        %mul3A_841 = arith.mulf %select_n3A_714, %sub3A_635 : vector<16xf32>
        %mul3A_842 = arith.mulf %gather3A_724, %sub3A_632 : vector<16xf32>
        %add3A_843 = arith.addf %mul3A_841, %mul3A_842 : vector<16xf32>
        tpu.vector_store_idx %arg17[%add3A_840, %add3A_346, %add3A_382], %add3A_843 : memref<36x160x8xf32, #tpu.memory_space<vmem>>[vector<16xi32>, vector<16xi32>, vector<16xi32>], vector<16xf32>,
        %add3A_844 = arith.constant 13 : i32
        %add3A_845 = vector.broadcast %add3A_844 : i32 to vector<16xi32>
        %add3A_846 = arith.addi %add3A_845, %mul3A_349 : vector<16xi32>
        %mul3A_847 = arith.mulf %gather3A_724, %sub3A_635 : vector<16xf32>
        %mul3A_848 = arith.mulf %select_n3A_743, %sub3A_632 : vector<16xf32>
        %add3A_849 = arith.addf %mul3A_847, %mul3A_848 : vector<16xf32>
        tpu.vector_store_idx %arg17[%add3A_846, %add3A_346, %add3A_382], %add3A_849 : memref<36x160x8xf32, #tpu.memory_space<vmem>>[vector<16xi32>, vector<16xi32>, vector<16xi32>], vector<16xf32>,
        %add3A_850 = arith.constant 14 : i32
        %add3A_851 = vector.broadcast %add3A_850 : i32 to vector<16xi32>
        %add3A_852 = arith.addi %add3A_851, %mul3A_349 : vector<16xi32>
        %mul3A_853 = arith.mulf %select_n3A_743, %sub3A_635 : vector<16xf32>
        %mul3A_854 = arith.mulf %select_n3A_762, %sub3A_632 : vector<16xf32>
        %add3A_855 = arith.addf %mul3A_853, %mul3A_854 : vector<16xf32>
        tpu.vector_store_idx %arg17[%add3A_852, %add3A_346, %add3A_382], %add3A_855 : memref<36x160x8xf32, #tpu.memory_space<vmem>>[vector<16xi32>, vector<16xi32>, vector<16xi32>], vector<16xf32>,
        %add3A_856 = arith.constant 15 : i32
        %add3A_857 = vector.broadcast %add3A_856 : i32 to vector<16xi32>
        %add3A_858 = arith.addi %add3A_857, %mul3A_349 : vector<16xi32>
        %mul3A_859 = arith.mulf %select_n3A_762, %sub3A_635 : vector<16xf32>
        %mul3A_860 = arith.mulf %select_n3A_781, %sub3A_632 : vector<16xf32>
        %add3A_861 = arith.addf %mul3A_859, %mul3A_860 : vector<16xf32>
        tpu.vector_store_idx %arg17[%add3A_858, %add3A_346, %add3A_382], %add3A_861 : memref<36x160x8xf32, #tpu.memory_space<vmem>>[vector<16xi32>, vector<16xi32>, vector<16xi32>], vector<16xf32>,
        %add3A_862 = arith.constant 16 : i32
        %add3A_863 = vector.broadcast %add3A_862 : i32 to vector<16xi32>
        %add3A_864 = arith.addi %add3A_863, %mul3A_349 : vector<16xi32>
        %mul3A_865 = arith.mulf %select_n3A_781, %sub3A_635 : vector<16xf32>
        %mul3A_866 = arith.mulf %select_n3A_800, %sub3A_632 : vector<16xf32>
        %add3A_867 = arith.addf %mul3A_865, %mul3A_866 : vector<16xf32>
        tpu.vector_store_idx %arg17[%add3A_864, %add3A_346, %add3A_382], %add3A_867 : memref<36x160x8xf32, #tpu.memory_space<vmem>>[vector<16xi32>, vector<16xi32>, vector<16xi32>], vector<16xf32>,
        %add3A_868 = arith.constant 17 : i32
        %add3A_869 = vector.broadcast %add3A_868 : i32 to vector<16xi32>
        %add3A_870 = arith.addi %add3A_869, %mul3A_349 : vector<16xi32>
        %mul3A_871 = arith.mulf %select_n3A_800, %sub3A_635 : vector<16xf32>
        %mul3A_872 = arith.mulf %select_n3A_819, %sub3A_632 : vector<16xf32>
        %add3A_873 = arith.addf %mul3A_871, %mul3A_872 : vector<16xf32>
        tpu.vector_store_idx %arg17[%add3A_870, %add3A_346, %add3A_382], %add3A_873 : memref<36x160x8xf32, #tpu.memory_space<vmem>>[vector<16xi32>, vector<16xi32>, vector<16xi32>], vector<16xf32>,
        %mul3A_874 = arith.constant 2.500000e-01 : f32
        %mul3A_875 = vector.broadcast %mul3A_874 : f32 to vector<16xf32>
        %mul3A_876 = arith.mulf %gather3A, %mul3A_875 : vector<16xf32>
        %convert_element_type3A_877 = arith.fptosi %mul3A_876 : vector<16xf32> to vector<16xi32>
        %convert_element_type3A_878 = arith.sitofp %convert_element_type3A_877 : vector<16xi32> to vector<16xf32>
        %sub3A_879 = arith.subf %mul3A_876, %convert_element_type3A_878 : vector<16xf32>
        %sub3A_880 = arith.constant 1.000000e+00 : f32
        %sub3A_881 = vector.broadcast %sub3A_880 : f32 to vector<16xf32>
        %sub3A_882 = arith.subf %sub3A_881, %sub3A_879 : vector<16xf32>
        %sub3A_883 = arith.constant 4 : i32
        %sub3A_884 = vector.broadcast %sub3A_883 : i32 to vector<16xi32>
        %sub3A_885 = arith.subi %convert_element_type3A_877, %sub3A_884 : vector<16xi32>
        %add3A_886 = arith.constant 0 : i32
        %add3A_887 = vector.broadcast %add3A_886 : i32 to vector<16xi32>
        %add3A_888 = arith.addi %sub3A_885, %add3A_887 : vector<16xi32>
        %max3A_889 = arith.constant 0 : i32
        %max3A_890 = vector.broadcast %max3A_889 : i32 to vector<16xi32>
        %max3A_891 = arith.maxsi %add3A_888, %max3A_890 : vector<16xi32>
        %shift_right_arithmetic3A_892 = arith.constant 3 : i32
        %shift_right_arithmetic3A_893 = vector.broadcast %shift_right_arithmetic3A_892 : i32 to vector<16xi32>
        %shift_right_arithmetic3A_894 = arith.shrsi %max3A_891, %shift_right_arithmetic3A_893 : vector<16xi32>
        %and3A_895 = arith.constant 7 : i32
        %and3A_896 = vector.broadcast %and3A_895 : i32 to vector<16xi32>
        %and3A_897 = arith.andi %max3A_891, %and3A_896 : vector<16xi32>
        %gather3A_898 = tpu.vector_load_idx %arg15[%shift_right_arithmetic3A_894, %and3A_897, %add3A_285] : memref<5x8x128xf32, #tpu.memory_space<vmem>>[vector<16xi32>, vector<16xi32>, vector<16xi32>], vector<16xf32>,
        %ge3A_899 = arith.constant 0 : i32
        %ge3A_900 = vector.broadcast %ge3A_899 : i32 to vector<16xi32>
        %ge3A_901 = arith.cmpi sge, %add3A_888, %ge3A_900 : vector<16xi32>
        %jit3A_902 = arith.constant 0.000000e+00 : f32
        %broadcast_in_dim3A_903 = vector.broadcast %jit3A_902 : f32 to vector<16xf32>
        %select_n3A_904 = arith.select %ge3A_901, %gather3A_898, %broadcast_in_dim3A_903 : vector<16xi1>, vector<16xf32>
        %add3A_905 = arith.constant 1 : i32
        %add3A_906 = vector.broadcast %add3A_905 : i32 to vector<16xi32>
        %add3A_907 = arith.addi %sub3A_885, %add3A_906 : vector<16xi32>
        %max3A_908 = arith.constant 0 : i32
        %max3A_909 = vector.broadcast %max3A_908 : i32 to vector<16xi32>
        %max3A_910 = arith.maxsi %add3A_907, %max3A_909 : vector<16xi32>
        %shift_right_arithmetic3A_911 = arith.constant 3 : i32
        %shift_right_arithmetic3A_912 = vector.broadcast %shift_right_arithmetic3A_911 : i32 to vector<16xi32>
        %shift_right_arithmetic3A_913 = arith.shrsi %max3A_910, %shift_right_arithmetic3A_912 : vector<16xi32>
        %and3A_914 = arith.constant 7 : i32
        %and3A_915 = vector.broadcast %and3A_914 : i32 to vector<16xi32>
        %and3A_916 = arith.andi %max3A_910, %and3A_915 : vector<16xi32>
        %gather3A_917 = tpu.vector_load_idx %arg15[%shift_right_arithmetic3A_913, %and3A_916, %add3A_285] : memref<5x8x128xf32, #tpu.memory_space<vmem>>[vector<16xi32>, vector<16xi32>, vector<16xi32>], vector<16xf32>,
        %ge3A_918 = arith.constant 0 : i32
        %ge3A_919 = vector.broadcast %ge3A_918 : i32 to vector<16xi32>
        %ge3A_920 = arith.cmpi sge, %add3A_907, %ge3A_919 : vector<16xi32>
        %jit3A_921 = arith.constant 0.000000e+00 : f32
        %broadcast_in_dim3A_922 = vector.broadcast %jit3A_921 : f32 to vector<16xf32>
        %select_n3A_923 = arith.select %ge3A_920, %gather3A_917, %broadcast_in_dim3A_922 : vector<16xi1>, vector<16xf32>
        %add3A_924 = arith.constant 2 : i32
        %add3A_925 = vector.broadcast %add3A_924 : i32 to vector<16xi32>
        %add3A_926 = arith.addi %sub3A_885, %add3A_925 : vector<16xi32>
        %max3A_927 = arith.constant 0 : i32
        %max3A_928 = vector.broadcast %max3A_927 : i32 to vector<16xi32>
        %max3A_929 = arith.maxsi %add3A_926, %max3A_928 : vector<16xi32>
        %shift_right_arithmetic3A_930 = arith.constant 3 : i32
        %shift_right_arithmetic3A_931 = vector.broadcast %shift_right_arithmetic3A_930 : i32 to vector<16xi32>
        %shift_right_arithmetic3A_932 = arith.shrsi %max3A_929, %shift_right_arithmetic3A_931 : vector<16xi32>
        %and3A_933 = arith.constant 7 : i32
        %and3A_934 = vector.broadcast %and3A_933 : i32 to vector<16xi32>
        %and3A_935 = arith.andi %max3A_929, %and3A_934 : vector<16xi32>
        %gather3A_936 = tpu.vector_load_idx %arg15[%shift_right_arithmetic3A_932, %and3A_935, %add3A_285] : memref<5x8x128xf32, #tpu.memory_space<vmem>>[vector<16xi32>, vector<16xi32>, vector<16xi32>], vector<16xf32>,
        %ge3A_937 = arith.constant 0 : i32
        %ge3A_938 = vector.broadcast %ge3A_937 : i32 to vector<16xi32>
        %ge3A_939 = arith.cmpi sge, %add3A_926, %ge3A_938 : vector<16xi32>
        %jit3A_940 = arith.constant 0.000000e+00 : f32
        %broadcast_in_dim3A_941 = vector.broadcast %jit3A_940 : f32 to vector<16xf32>
        %select_n3A_942 = arith.select %ge3A_939, %gather3A_936, %broadcast_in_dim3A_941 : vector<16xi1>, vector<16xf32>
        %add3A_943 = arith.constant 3 : i32
        %add3A_944 = vector.broadcast %add3A_943 : i32 to vector<16xi32>
        %add3A_945 = arith.addi %sub3A_885, %add3A_944 : vector<16xi32>
        %max3A_946 = arith.constant 0 : i32
        %max3A_947 = vector.broadcast %max3A_946 : i32 to vector<16xi32>
        %max3A_948 = arith.maxsi %add3A_945, %max3A_947 : vector<16xi32>
        %shift_right_arithmetic3A_949 = arith.constant 3 : i32
        %shift_right_arithmetic3A_950 = vector.broadcast %shift_right_arithmetic3A_949 : i32 to vector<16xi32>
        %shift_right_arithmetic3A_951 = arith.shrsi %max3A_948, %shift_right_arithmetic3A_950 : vector<16xi32>
        %and3A_952 = arith.constant 7 : i32
        %and3A_953 = vector.broadcast %and3A_952 : i32 to vector<16xi32>
        %and3A_954 = arith.andi %max3A_948, %and3A_953 : vector<16xi32>
        %gather3A_955 = tpu.vector_load_idx %arg15[%shift_right_arithmetic3A_951, %and3A_954, %add3A_285] : memref<5x8x128xf32, #tpu.memory_space<vmem>>[vector<16xi32>, vector<16xi32>, vector<16xi32>], vector<16xf32>,
        %ge3A_956 = arith.constant 0 : i32
        %ge3A_957 = vector.broadcast %ge3A_956 : i32 to vector<16xi32>
        %ge3A_958 = arith.cmpi sge, %add3A_945, %ge3A_957 : vector<16xi32>
        %jit3A_959 = arith.constant 0.000000e+00 : f32
        %broadcast_in_dim3A_960 = vector.broadcast %jit3A_959 : f32 to vector<16xf32>
        %select_n3A_961 = arith.select %ge3A_958, %gather3A_955, %broadcast_in_dim3A_960 : vector<16xi1>, vector<16xf32>
        %add3A_962 = arith.constant 4 : i32
        %add3A_963 = vector.broadcast %add3A_962 : i32 to vector<16xi32>
        %add3A_964 = arith.addi %sub3A_885, %add3A_963 : vector<16xi32>
        %shift_right_arithmetic3A_965 = arith.constant 3 : i32
        %shift_right_arithmetic3A_966 = vector.broadcast %shift_right_arithmetic3A_965 : i32 to vector<16xi32>
        %shift_right_arithmetic3A_967 = arith.shrsi %add3A_964, %shift_right_arithmetic3A_966 : vector<16xi32>
        %and3A_968 = arith.constant 7 : i32
        %and3A_969 = vector.broadcast %and3A_968 : i32 to vector<16xi32>
        %and3A_970 = arith.andi %add3A_964, %and3A_969 : vector<16xi32>
        %gather3A_971 = tpu.vector_load_idx %arg15[%shift_right_arithmetic3A_967, %and3A_970, %add3A_285] : memref<5x8x128xf32, #tpu.memory_space<vmem>>[vector<16xi32>, vector<16xi32>, vector<16xi32>], vector<16xf32>,
        %add3A_972 = arith.constant 5 : i32
        %add3A_973 = vector.broadcast %add3A_972 : i32 to vector<16xi32>
        %add3A_974 = arith.addi %sub3A_885, %add3A_973 : vector<16xi32>
        %min3A_975 = arith.constant 39 : i32
        %min3A_976 = vector.broadcast %min3A_975 : i32 to vector<16xi32>
        %min3A_977 = arith.minsi %add3A_974, %min3A_976 : vector<16xi32>
        %shift_right_arithmetic3A_978 = arith.constant 3 : i32
        %shift_right_arithmetic3A_979 = vector.broadcast %shift_right_arithmetic3A_978 : i32 to vector<16xi32>
        %shift_right_arithmetic3A_980 = arith.shrsi %min3A_977, %shift_right_arithmetic3A_979 : vector<16xi32>
        %and3A_981 = arith.constant 7 : i32
        %and3A_982 = vector.broadcast %and3A_981 : i32 to vector<16xi32>
        %and3A_983 = arith.andi %min3A_977, %and3A_982 : vector<16xi32>
        %gather3A_984 = tpu.vector_load_idx %arg15[%shift_right_arithmetic3A_980, %and3A_983, %add3A_285] : memref<5x8x128xf32, #tpu.memory_space<vmem>>[vector<16xi32>, vector<16xi32>, vector<16xi32>], vector<16xf32>,
        %lt3A_985 = arith.constant 40 : i32
        %lt3A_986 = vector.broadcast %lt3A_985 : i32 to vector<16xi32>
        %lt3A_987 = arith.cmpi slt, %add3A_974, %lt3A_986 : vector<16xi32>
        %jit3A_988 = arith.constant 0.000000e+00 : f32
        %broadcast_in_dim3A_989 = vector.broadcast %jit3A_988 : f32 to vector<16xf32>
        %select_n3A_990 = arith.select %lt3A_987, %gather3A_984, %broadcast_in_dim3A_989 : vector<16xi1>, vector<16xf32>
        %add3A_991 = arith.constant 6 : i32
        %add3A_992 = vector.broadcast %add3A_991 : i32 to vector<16xi32>
        %add3A_993 = arith.addi %sub3A_885, %add3A_992 : vector<16xi32>
        %min3A_994 = arith.constant 39 : i32
        %min3A_995 = vector.broadcast %min3A_994 : i32 to vector<16xi32>
        %min3A_996 = arith.minsi %add3A_993, %min3A_995 : vector<16xi32>
        %shift_right_arithmetic3A_997 = arith.constant 3 : i32
        %shift_right_arithmetic3A_998 = vector.broadcast %shift_right_arithmetic3A_997 : i32 to vector<16xi32>
        %shift_right_arithmetic3A_999 = arith.shrsi %min3A_996, %shift_right_arithmetic3A_998 : vector<16xi32>
        %and3A_1000 = arith.constant 7 : i32
        %and3A_1001 = vector.broadcast %and3A_1000 : i32 to vector<16xi32>
        %and3A_1002 = arith.andi %min3A_996, %and3A_1001 : vector<16xi32>
        %gather3A_1003 = tpu.vector_load_idx %arg15[%shift_right_arithmetic3A_999, %and3A_1002, %add3A_285] : memref<5x8x128xf32, #tpu.memory_space<vmem>>[vector<16xi32>, vector<16xi32>, vector<16xi32>], vector<16xf32>,
        %lt3A_1004 = arith.constant 40 : i32
        %lt3A_1005 = vector.broadcast %lt3A_1004 : i32 to vector<16xi32>
        %lt3A_1006 = arith.cmpi slt, %add3A_993, %lt3A_1005 : vector<16xi32>
        %jit3A_1007 = arith.constant 0.000000e+00 : f32
        %broadcast_in_dim3A_1008 = vector.broadcast %jit3A_1007 : f32 to vector<16xf32>
        %select_n3A_1009 = arith.select %lt3A_1006, %gather3A_1003, %broadcast_in_dim3A_1008 : vector<16xi1>, vector<16xf32>
        %add3A_1010 = arith.constant 7 : i32
        %add3A_1011 = vector.broadcast %add3A_1010 : i32 to vector<16xi32>
        %add3A_1012 = arith.addi %sub3A_885, %add3A_1011 : vector<16xi32>
        %min3A_1013 = arith.constant 39 : i32
        %min3A_1014 = vector.broadcast %min3A_1013 : i32 to vector<16xi32>
        %min3A_1015 = arith.minsi %add3A_1012, %min3A_1014 : vector<16xi32>
        %shift_right_arithmetic3A_1016 = arith.constant 3 : i32
        %shift_right_arithmetic3A_1017 = vector.broadcast %shift_right_arithmetic3A_1016 : i32 to vector<16xi32>
        %shift_right_arithmetic3A_1018 = arith.shrsi %min3A_1015, %shift_right_arithmetic3A_1017 : vector<16xi32>
        %and3A_1019 = arith.constant 7 : i32
        %and3A_1020 = vector.broadcast %and3A_1019 : i32 to vector<16xi32>
        %and3A_1021 = arith.andi %min3A_1015, %and3A_1020 : vector<16xi32>
        %gather3A_1022 = tpu.vector_load_idx %arg15[%shift_right_arithmetic3A_1018, %and3A_1021, %add3A_285] : memref<5x8x128xf32, #tpu.memory_space<vmem>>[vector<16xi32>, vector<16xi32>, vector<16xi32>], vector<16xf32>,
        %lt3A_1023 = arith.constant 40 : i32
        %lt3A_1024 = vector.broadcast %lt3A_1023 : i32 to vector<16xi32>
        %lt3A_1025 = arith.cmpi slt, %add3A_1012, %lt3A_1024 : vector<16xi32>
        %jit3A_1026 = arith.constant 0.000000e+00 : f32
        %broadcast_in_dim3A_1027 = vector.broadcast %jit3A_1026 : f32 to vector<16xf32>
        %select_n3A_1028 = arith.select %lt3A_1025, %gather3A_1022, %broadcast_in_dim3A_1027 : vector<16xi1>, vector<16xf32>
        %add3A_1029 = arith.constant 8 : i32
        %add3A_1030 = vector.broadcast %add3A_1029 : i32 to vector<16xi32>
        %add3A_1031 = arith.addi %sub3A_885, %add3A_1030 : vector<16xi32>
        %min3A_1032 = arith.constant 39 : i32
        %min3A_1033 = vector.broadcast %min3A_1032 : i32 to vector<16xi32>
        %min3A_1034 = arith.minsi %add3A_1031, %min3A_1033 : vector<16xi32>
        %shift_right_arithmetic3A_1035 = arith.constant 3 : i32
        %shift_right_arithmetic3A_1036 = vector.broadcast %shift_right_arithmetic3A_1035 : i32 to vector<16xi32>
        %shift_right_arithmetic3A_1037 = arith.shrsi %min3A_1034, %shift_right_arithmetic3A_1036 : vector<16xi32>
        %and3A_1038 = arith.constant 7 : i32
        %and3A_1039 = vector.broadcast %and3A_1038 : i32 to vector<16xi32>
        %and3A_1040 = arith.andi %min3A_1034, %and3A_1039 : vector<16xi32>
        %gather3A_1041 = tpu.vector_load_idx %arg15[%shift_right_arithmetic3A_1037, %and3A_1040, %add3A_285] : memref<5x8x128xf32, #tpu.memory_space<vmem>>[vector<16xi32>, vector<16xi32>, vector<16xi32>], vector<16xf32>,
        %lt3A_1042 = arith.constant 40 : i32
        %lt3A_1043 = vector.broadcast %lt3A_1042 : i32 to vector<16xi32>
        %lt3A_1044 = arith.cmpi slt, %add3A_1031, %lt3A_1043 : vector<16xi32>
        %jit3A_1045 = arith.constant 0.000000e+00 : f32
        %broadcast_in_dim3A_1046 = vector.broadcast %jit3A_1045 : f32 to vector<16xf32>
        %select_n3A_1047 = arith.select %lt3A_1044, %gather3A_1041, %broadcast_in_dim3A_1046 : vector<16xi1>, vector<16xf32>
        %add3A_1048 = arith.constant 9 : i32
        %add3A_1049 = vector.broadcast %add3A_1048 : i32 to vector<16xi32>
        %add3A_1050 = arith.addi %sub3A_885, %add3A_1049 : vector<16xi32>
        %min3A_1051 = arith.constant 39 : i32
        %min3A_1052 = vector.broadcast %min3A_1051 : i32 to vector<16xi32>
        %min3A_1053 = arith.minsi %add3A_1050, %min3A_1052 : vector<16xi32>
        %shift_right_arithmetic3A_1054 = arith.constant 3 : i32
        %shift_right_arithmetic3A_1055 = vector.broadcast %shift_right_arithmetic3A_1054 : i32 to vector<16xi32>
        %shift_right_arithmetic3A_1056 = arith.shrsi %min3A_1053, %shift_right_arithmetic3A_1055 : vector<16xi32>
        %and3A_1057 = arith.constant 7 : i32
        %and3A_1058 = vector.broadcast %and3A_1057 : i32 to vector<16xi32>
        %and3A_1059 = arith.andi %min3A_1053, %and3A_1058 : vector<16xi32>
        %gather3A_1060 = tpu.vector_load_idx %arg15[%shift_right_arithmetic3A_1056, %and3A_1059, %add3A_285] : memref<5x8x128xf32, #tpu.memory_space<vmem>>[vector<16xi32>, vector<16xi32>, vector<16xi32>], vector<16xf32>,
        %lt3A_1061 = arith.constant 40 : i32
        %lt3A_1062 = vector.broadcast %lt3A_1061 : i32 to vector<16xi32>
        %lt3A_1063 = arith.cmpi slt, %add3A_1050, %lt3A_1062 : vector<16xi32>
        %jit3A_1064 = arith.constant 0.000000e+00 : f32
        %broadcast_in_dim3A_1065 = vector.broadcast %jit3A_1064 : f32 to vector<16xf32>
        %select_n3A_1066 = arith.select %lt3A_1063, %gather3A_1060, %broadcast_in_dim3A_1065 : vector<16xi1>, vector<16xf32>
        %add3A_1067 = arith.constant 18 : i32
        %add3A_1068 = vector.broadcast %add3A_1067 : i32 to vector<16xi32>
        %add3A_1069 = arith.addi %add3A_1068, %mul3A_349 : vector<16xi32>
        %mul3A_1070 = arith.mulf %select_n3A_904, %sub3A_882 : vector<16xf32>
        %mul3A_1071 = arith.mulf %select_n3A_923, %sub3A_879 : vector<16xf32>
        %add3A_1072 = arith.addf %mul3A_1070, %mul3A_1071 : vector<16xf32>
        tpu.vector_store_idx %arg17[%add3A_1069, %add3A_346, %add3A_382], %add3A_1072 : memref<36x160x8xf32, #tpu.memory_space<vmem>>[vector<16xi32>, vector<16xi32>, vector<16xi32>], vector<16xf32>,
        %add3A_1073 = arith.constant 19 : i32
        %add3A_1074 = vector.broadcast %add3A_1073 : i32 to vector<16xi32>
        %add3A_1075 = arith.addi %add3A_1074, %mul3A_349 : vector<16xi32>
        %mul3A_1076 = arith.mulf %select_n3A_923, %sub3A_882 : vector<16xf32>
        %mul3A_1077 = arith.mulf %select_n3A_942, %sub3A_879 : vector<16xf32>
        %add3A_1078 = arith.addf %mul3A_1076, %mul3A_1077 : vector<16xf32>
        tpu.vector_store_idx %arg17[%add3A_1075, %add3A_346, %add3A_382], %add3A_1078 : memref<36x160x8xf32, #tpu.memory_space<vmem>>[vector<16xi32>, vector<16xi32>, vector<16xi32>], vector<16xf32>,
        %add3A_1079 = arith.constant 20 : i32
        %add3A_1080 = vector.broadcast %add3A_1079 : i32 to vector<16xi32>
        %add3A_1081 = arith.addi %add3A_1080, %mul3A_349 : vector<16xi32>
        %mul3A_1082 = arith.mulf %select_n3A_942, %sub3A_882 : vector<16xf32>
        %mul3A_1083 = arith.mulf %select_n3A_961, %sub3A_879 : vector<16xf32>
        %add3A_1084 = arith.addf %mul3A_1082, %mul3A_1083 : vector<16xf32>
        tpu.vector_store_idx %arg17[%add3A_1081, %add3A_346, %add3A_382], %add3A_1084 : memref<36x160x8xf32, #tpu.memory_space<vmem>>[vector<16xi32>, vector<16xi32>, vector<16xi32>], vector<16xf32>,
        %add3A_1085 = arith.constant 21 : i32
        %add3A_1086 = vector.broadcast %add3A_1085 : i32 to vector<16xi32>
        %add3A_1087 = arith.addi %add3A_1086, %mul3A_349 : vector<16xi32>
        %mul3A_1088 = arith.mulf %select_n3A_961, %sub3A_882 : vector<16xf32>
        %mul3A_1089 = arith.mulf %gather3A_971, %sub3A_879 : vector<16xf32>
        %add3A_1090 = arith.addf %mul3A_1088, %mul3A_1089 : vector<16xf32>
        tpu.vector_store_idx %arg17[%add3A_1087, %add3A_346, %add3A_382], %add3A_1090 : memref<36x160x8xf32, #tpu.memory_space<vmem>>[vector<16xi32>, vector<16xi32>, vector<16xi32>], vector<16xf32>,
        %add3A_1091 = arith.constant 22 : i32
        %add3A_1092 = vector.broadcast %add3A_1091 : i32 to vector<16xi32>
        %add3A_1093 = arith.addi %add3A_1092, %mul3A_349 : vector<16xi32>
        %mul3A_1094 = arith.mulf %gather3A_971, %sub3A_882 : vector<16xf32>
        %mul3A_1095 = arith.mulf %select_n3A_990, %sub3A_879 : vector<16xf32>
        %add3A_1096 = arith.addf %mul3A_1094, %mul3A_1095 : vector<16xf32>
        tpu.vector_store_idx %arg17[%add3A_1093, %add3A_346, %add3A_382], %add3A_1096 : memref<36x160x8xf32, #tpu.memory_space<vmem>>[vector<16xi32>, vector<16xi32>, vector<16xi32>], vector<16xf32>,
        %add3A_1097 = arith.constant 23 : i32
        %add3A_1098 = vector.broadcast %add3A_1097 : i32 to vector<16xi32>
        %add3A_1099 = arith.addi %add3A_1098, %mul3A_349 : vector<16xi32>
        %mul3A_1100 = arith.mulf %select_n3A_990, %sub3A_882 : vector<16xf32>
        %mul3A_1101 = arith.mulf %select_n3A_1009, %sub3A_879 : vector<16xf32>
        %add3A_1102 = arith.addf %mul3A_1100, %mul3A_1101 : vector<16xf32>
        tpu.vector_store_idx %arg17[%add3A_1099, %add3A_346, %add3A_382], %add3A_1102 : memref<36x160x8xf32, #tpu.memory_space<vmem>>[vector<16xi32>, vector<16xi32>, vector<16xi32>], vector<16xf32>,
        %add3A_1103 = arith.constant 24 : i32
        %add3A_1104 = vector.broadcast %add3A_1103 : i32 to vector<16xi32>
        %add3A_1105 = arith.addi %add3A_1104, %mul3A_349 : vector<16xi32>
        %mul3A_1106 = arith.mulf %select_n3A_1009, %sub3A_882 : vector<16xf32>
        %mul3A_1107 = arith.mulf %select_n3A_1028, %sub3A_879 : vector<16xf32>
        %add3A_1108 = arith.addf %mul3A_1106, %mul3A_1107 : vector<16xf32>
        tpu.vector_store_idx %arg17[%add3A_1105, %add3A_346, %add3A_382], %add3A_1108 : memref<36x160x8xf32, #tpu.memory_space<vmem>>[vector<16xi32>, vector<16xi32>, vector<16xi32>], vector<16xf32>,
        %add3A_1109 = arith.constant 25 : i32
        %add3A_1110 = vector.broadcast %add3A_1109 : i32 to vector<16xi32>
        %add3A_1111 = arith.addi %add3A_1110, %mul3A_349 : vector<16xi32>
        %mul3A_1112 = arith.mulf %select_n3A_1028, %sub3A_882 : vector<16xf32>
        %mul3A_1113 = arith.mulf %select_n3A_1047, %sub3A_879 : vector<16xf32>
        %add3A_1114 = arith.addf %mul3A_1112, %mul3A_1113 : vector<16xf32>
        tpu.vector_store_idx %arg17[%add3A_1111, %add3A_346, %add3A_382], %add3A_1114 : memref<36x160x8xf32, #tpu.memory_space<vmem>>[vector<16xi32>, vector<16xi32>, vector<16xi32>], vector<16xf32>,
        %add3A_1115 = arith.constant 26 : i32
        %add3A_1116 = vector.broadcast %add3A_1115 : i32 to vector<16xi32>
        %add3A_1117 = arith.addi %add3A_1116, %mul3A_349 : vector<16xi32>
        %mul3A_1118 = arith.mulf %select_n3A_1047, %sub3A_882 : vector<16xf32>
        %mul3A_1119 = arith.mulf %select_n3A_1066, %sub3A_879 : vector<16xf32>
        %add3A_1120 = arith.addf %mul3A_1118, %mul3A_1119 : vector<16xf32>
        tpu.vector_store_idx %arg17[%add3A_1117, %add3A_346, %add3A_382], %add3A_1120 : memref<36x160x8xf32, #tpu.memory_space<vmem>>[vector<16xi32>, vector<16xi32>, vector<16xi32>], vector<16xf32>,
        %mul3A_1121 = arith.constant 1.250000e-01 : f32
        %mul3A_1122 = vector.broadcast %mul3A_1121 : f32 to vector<16xf32>
        %mul3A_1123 = arith.mulf %gather3A, %mul3A_1122 : vector<16xf32>
        %convert_element_type3A_1124 = arith.fptosi %mul3A_1123 : vector<16xf32> to vector<16xi32>
        %convert_element_type3A_1125 = arith.sitofp %convert_element_type3A_1124 : vector<16xi32> to vector<16xf32>
        %sub3A_1126 = arith.subf %mul3A_1123, %convert_element_type3A_1125 : vector<16xf32>
        %sub3A_1127 = arith.constant 1.000000e+00 : f32
        %sub3A_1128 = vector.broadcast %sub3A_1127 : f32 to vector<16xf32>
        %sub3A_1129 = arith.subf %sub3A_1128, %sub3A_1126 : vector<16xf32>
        %sub3A_1130 = arith.constant 4 : i32
        %sub3A_1131 = vector.broadcast %sub3A_1130 : i32 to vector<16xi32>
        %sub3A_1132 = arith.subi %convert_element_type3A_1124, %sub3A_1131 : vector<16xi32>
        %add3A_1133 = arith.constant 0 : i32
        %add3A_1134 = vector.broadcast %add3A_1133 : i32 to vector<16xi32>
        %add3A_1135 = arith.addi %sub3A_1132, %add3A_1134 : vector<16xi32>
        %max3A_1136 = arith.constant 0 : i32
        %max3A_1137 = vector.broadcast %max3A_1136 : i32 to vector<16xi32>
        %max3A_1138 = arith.maxsi %add3A_1135, %max3A_1137 : vector<16xi32>
        %shift_right_arithmetic3A_1139 = arith.constant 3 : i32
        %shift_right_arithmetic3A_1140 = vector.broadcast %shift_right_arithmetic3A_1139 : i32 to vector<16xi32>
        %shift_right_arithmetic3A_1141 = arith.shrsi %max3A_1138, %shift_right_arithmetic3A_1140 : vector<16xi32>
        %and3A_1142 = arith.constant 7 : i32
        %and3A_1143 = vector.broadcast %and3A_1142 : i32 to vector<16xi32>
        %and3A_1144 = arith.andi %max3A_1138, %and3A_1143 : vector<16xi32>
        %gather3A_1145 = tpu.vector_load_idx %arg16[%shift_right_arithmetic3A_1141, %and3A_1144, %add3A_285] : memref<3x8x128xf32, #tpu.memory_space<vmem>>[vector<16xi32>, vector<16xi32>, vector<16xi32>], vector<16xf32>,
        %ge3A_1146 = arith.constant 0 : i32
        %ge3A_1147 = vector.broadcast %ge3A_1146 : i32 to vector<16xi32>
        %ge3A_1148 = arith.cmpi sge, %add3A_1135, %ge3A_1147 : vector<16xi32>
        %jit3A_1149 = arith.constant 0.000000e+00 : f32
        %broadcast_in_dim3A_1150 = vector.broadcast %jit3A_1149 : f32 to vector<16xf32>
        %select_n3A_1151 = arith.select %ge3A_1148, %gather3A_1145, %broadcast_in_dim3A_1150 : vector<16xi1>, vector<16xf32>
        %add3A_1152 = arith.constant 1 : i32
        %add3A_1153 = vector.broadcast %add3A_1152 : i32 to vector<16xi32>
        %add3A_1154 = arith.addi %sub3A_1132, %add3A_1153 : vector<16xi32>
        %max3A_1155 = arith.constant 0 : i32
        %max3A_1156 = vector.broadcast %max3A_1155 : i32 to vector<16xi32>
        %max3A_1157 = arith.maxsi %add3A_1154, %max3A_1156 : vector<16xi32>
        %shift_right_arithmetic3A_1158 = arith.constant 3 : i32
        %shift_right_arithmetic3A_1159 = vector.broadcast %shift_right_arithmetic3A_1158 : i32 to vector<16xi32>
        %shift_right_arithmetic3A_1160 = arith.shrsi %max3A_1157, %shift_right_arithmetic3A_1159 : vector<16xi32>
        %and3A_1161 = arith.constant 7 : i32
        %and3A_1162 = vector.broadcast %and3A_1161 : i32 to vector<16xi32>
        %and3A_1163 = arith.andi %max3A_1157, %and3A_1162 : vector<16xi32>
        %gather3A_1164 = tpu.vector_load_idx %arg16[%shift_right_arithmetic3A_1160, %and3A_1163, %add3A_285] : memref<3x8x128xf32, #tpu.memory_space<vmem>>[vector<16xi32>, vector<16xi32>, vector<16xi32>], vector<16xf32>,
        %ge3A_1165 = arith.constant 0 : i32
        %ge3A_1166 = vector.broadcast %ge3A_1165 : i32 to vector<16xi32>
        %ge3A_1167 = arith.cmpi sge, %add3A_1154, %ge3A_1166 : vector<16xi32>
        %jit3A_1168 = arith.constant 0.000000e+00 : f32
        %broadcast_in_dim3A_1169 = vector.broadcast %jit3A_1168 : f32 to vector<16xf32>
        %select_n3A_1170 = arith.select %ge3A_1167, %gather3A_1164, %broadcast_in_dim3A_1169 : vector<16xi1>, vector<16xf32>
        %add3A_1171 = arith.constant 2 : i32
        %add3A_1172 = vector.broadcast %add3A_1171 : i32 to vector<16xi32>
        %add3A_1173 = arith.addi %sub3A_1132, %add3A_1172 : vector<16xi32>
        %max3A_1174 = arith.constant 0 : i32
        %max3A_1175 = vector.broadcast %max3A_1174 : i32 to vector<16xi32>
        %max3A_1176 = arith.maxsi %add3A_1173, %max3A_1175 : vector<16xi32>
        %shift_right_arithmetic3A_1177 = arith.constant 3 : i32
        %shift_right_arithmetic3A_1178 = vector.broadcast %shift_right_arithmetic3A_1177 : i32 to vector<16xi32>
        %shift_right_arithmetic3A_1179 = arith.shrsi %max3A_1176, %shift_right_arithmetic3A_1178 : vector<16xi32>
        %and3A_1180 = arith.constant 7 : i32
        %and3A_1181 = vector.broadcast %and3A_1180 : i32 to vector<16xi32>
        %and3A_1182 = arith.andi %max3A_1176, %and3A_1181 : vector<16xi32>
        %gather3A_1183 = tpu.vector_load_idx %arg16[%shift_right_arithmetic3A_1179, %and3A_1182, %add3A_285] : memref<3x8x128xf32, #tpu.memory_space<vmem>>[vector<16xi32>, vector<16xi32>, vector<16xi32>], vector<16xf32>,
        %ge3A_1184 = arith.constant 0 : i32
        %ge3A_1185 = vector.broadcast %ge3A_1184 : i32 to vector<16xi32>
        %ge3A_1186 = arith.cmpi sge, %add3A_1173, %ge3A_1185 : vector<16xi32>
        %jit3A_1187 = arith.constant 0.000000e+00 : f32
        %broadcast_in_dim3A_1188 = vector.broadcast %jit3A_1187 : f32 to vector<16xf32>
        %select_n3A_1189 = arith.select %ge3A_1186, %gather3A_1183, %broadcast_in_dim3A_1188 : vector<16xi1>, vector<16xf32>
        %add3A_1190 = arith.constant 3 : i32
        %add3A_1191 = vector.broadcast %add3A_1190 : i32 to vector<16xi32>
        %add3A_1192 = arith.addi %sub3A_1132, %add3A_1191 : vector<16xi32>
        %max3A_1193 = arith.constant 0 : i32
        %max3A_1194 = vector.broadcast %max3A_1193 : i32 to vector<16xi32>
        %max3A_1195 = arith.maxsi %add3A_1192, %max3A_1194 : vector<16xi32>
        %shift_right_arithmetic3A_1196 = arith.constant 3 : i32
        %shift_right_arithmetic3A_1197 = vector.broadcast %shift_right_arithmetic3A_1196 : i32 to vector<16xi32>
        %shift_right_arithmetic3A_1198 = arith.shrsi %max3A_1195, %shift_right_arithmetic3A_1197 : vector<16xi32>
        %and3A_1199 = arith.constant 7 : i32
        %and3A_1200 = vector.broadcast %and3A_1199 : i32 to vector<16xi32>
        %and3A_1201 = arith.andi %max3A_1195, %and3A_1200 : vector<16xi32>
        %gather3A_1202 = tpu.vector_load_idx %arg16[%shift_right_arithmetic3A_1198, %and3A_1201, %add3A_285] : memref<3x8x128xf32, #tpu.memory_space<vmem>>[vector<16xi32>, vector<16xi32>, vector<16xi32>], vector<16xf32>,
        %ge3A_1203 = arith.constant 0 : i32
        %ge3A_1204 = vector.broadcast %ge3A_1203 : i32 to vector<16xi32>
        %ge3A_1205 = arith.cmpi sge, %add3A_1192, %ge3A_1204 : vector<16xi32>
        %jit3A_1206 = arith.constant 0.000000e+00 : f32
        %broadcast_in_dim3A_1207 = vector.broadcast %jit3A_1206 : f32 to vector<16xf32>
        %select_n3A_1208 = arith.select %ge3A_1205, %gather3A_1202, %broadcast_in_dim3A_1207 : vector<16xi1>, vector<16xf32>
        %add3A_1209 = arith.constant 4 : i32
        %add3A_1210 = vector.broadcast %add3A_1209 : i32 to vector<16xi32>
        %add3A_1211 = arith.addi %sub3A_1132, %add3A_1210 : vector<16xi32>
        %shift_right_arithmetic3A_1212 = arith.constant 3 : i32
        %shift_right_arithmetic3A_1213 = vector.broadcast %shift_right_arithmetic3A_1212 : i32 to vector<16xi32>
        %shift_right_arithmetic3A_1214 = arith.shrsi %add3A_1211, %shift_right_arithmetic3A_1213 : vector<16xi32>
        %and3A_1215 = arith.constant 7 : i32
        %and3A_1216 = vector.broadcast %and3A_1215 : i32 to vector<16xi32>
        %and3A_1217 = arith.andi %add3A_1211, %and3A_1216 : vector<16xi32>
        %gather3A_1218 = tpu.vector_load_idx %arg16[%shift_right_arithmetic3A_1214, %and3A_1217, %add3A_285] : memref<3x8x128xf32, #tpu.memory_space<vmem>>[vector<16xi32>, vector<16xi32>, vector<16xi32>], vector<16xf32>,
        %add3A_1219 = arith.constant 5 : i32
        %add3A_1220 = vector.broadcast %add3A_1219 : i32 to vector<16xi32>
        %add3A_1221 = arith.addi %sub3A_1132, %add3A_1220 : vector<16xi32>
        %min3A_1222 = arith.constant 19 : i32
        %min3A_1223 = vector.broadcast %min3A_1222 : i32 to vector<16xi32>
        %min3A_1224 = arith.minsi %add3A_1221, %min3A_1223 : vector<16xi32>
        %shift_right_arithmetic3A_1225 = arith.constant 3 : i32
        %shift_right_arithmetic3A_1226 = vector.broadcast %shift_right_arithmetic3A_1225 : i32 to vector<16xi32>
        %shift_right_arithmetic3A_1227 = arith.shrsi %min3A_1224, %shift_right_arithmetic3A_1226 : vector<16xi32>
        %and3A_1228 = arith.constant 7 : i32
        %and3A_1229 = vector.broadcast %and3A_1228 : i32 to vector<16xi32>
        %and3A_1230 = arith.andi %min3A_1224, %and3A_1229 : vector<16xi32>
        %gather3A_1231 = tpu.vector_load_idx %arg16[%shift_right_arithmetic3A_1227, %and3A_1230, %add3A_285] : memref<3x8x128xf32, #tpu.memory_space<vmem>>[vector<16xi32>, vector<16xi32>, vector<16xi32>], vector<16xf32>,
        %lt3A_1232 = arith.constant 20 : i32
        %lt3A_1233 = vector.broadcast %lt3A_1232 : i32 to vector<16xi32>
        %lt3A_1234 = arith.cmpi slt, %add3A_1221, %lt3A_1233 : vector<16xi32>
        %jit3A_1235 = arith.constant 0.000000e+00 : f32
        %broadcast_in_dim3A_1236 = vector.broadcast %jit3A_1235 : f32 to vector<16xf32>
        %select_n3A_1237 = arith.select %lt3A_1234, %gather3A_1231, %broadcast_in_dim3A_1236 : vector<16xi1>, vector<16xf32>
        %add3A_1238 = arith.constant 6 : i32
        %add3A_1239 = vector.broadcast %add3A_1238 : i32 to vector<16xi32>
        %add3A_1240 = arith.addi %sub3A_1132, %add3A_1239 : vector<16xi32>
        %min3A_1241 = arith.constant 19 : i32
        %min3A_1242 = vector.broadcast %min3A_1241 : i32 to vector<16xi32>
        %min3A_1243 = arith.minsi %add3A_1240, %min3A_1242 : vector<16xi32>
        %shift_right_arithmetic3A_1244 = arith.constant 3 : i32
        %shift_right_arithmetic3A_1245 = vector.broadcast %shift_right_arithmetic3A_1244 : i32 to vector<16xi32>
        %shift_right_arithmetic3A_1246 = arith.shrsi %min3A_1243, %shift_right_arithmetic3A_1245 : vector<16xi32>
        %and3A_1247 = arith.constant 7 : i32
        %and3A_1248 = vector.broadcast %and3A_1247 : i32 to vector<16xi32>
        %and3A_1249 = arith.andi %min3A_1243, %and3A_1248 : vector<16xi32>
        %gather3A_1250 = tpu.vector_load_idx %arg16[%shift_right_arithmetic3A_1246, %and3A_1249, %add3A_285] : memref<3x8x128xf32, #tpu.memory_space<vmem>>[vector<16xi32>, vector<16xi32>, vector<16xi32>], vector<16xf32>,
        %lt3A_1251 = arith.constant 20 : i32
        %lt3A_1252 = vector.broadcast %lt3A_1251 : i32 to vector<16xi32>
        %lt3A_1253 = arith.cmpi slt, %add3A_1240, %lt3A_1252 : vector<16xi32>
        %jit3A_1254 = arith.constant 0.000000e+00 : f32
        %broadcast_in_dim3A_1255 = vector.broadcast %jit3A_1254 : f32 to vector<16xf32>
        %select_n3A_1256 = arith.select %lt3A_1253, %gather3A_1250, %broadcast_in_dim3A_1255 : vector<16xi1>, vector<16xf32>
        %add3A_1257 = arith.constant 7 : i32
        %add3A_1258 = vector.broadcast %add3A_1257 : i32 to vector<16xi32>
        %add3A_1259 = arith.addi %sub3A_1132, %add3A_1258 : vector<16xi32>
        %min3A_1260 = arith.constant 19 : i32
        %min3A_1261 = vector.broadcast %min3A_1260 : i32 to vector<16xi32>
        %min3A_1262 = arith.minsi %add3A_1259, %min3A_1261 : vector<16xi32>
        %shift_right_arithmetic3A_1263 = arith.constant 3 : i32
        %shift_right_arithmetic3A_1264 = vector.broadcast %shift_right_arithmetic3A_1263 : i32 to vector<16xi32>
        %shift_right_arithmetic3A_1265 = arith.shrsi %min3A_1262, %shift_right_arithmetic3A_1264 : vector<16xi32>
        %and3A_1266 = arith.constant 7 : i32
        %and3A_1267 = vector.broadcast %and3A_1266 : i32 to vector<16xi32>
        %and3A_1268 = arith.andi %min3A_1262, %and3A_1267 : vector<16xi32>
        %gather3A_1269 = tpu.vector_load_idx %arg16[%shift_right_arithmetic3A_1265, %and3A_1268, %add3A_285] : memref<3x8x128xf32, #tpu.memory_space<vmem>>[vector<16xi32>, vector<16xi32>, vector<16xi32>], vector<16xf32>,
        %lt3A_1270 = arith.constant 20 : i32
        %lt3A_1271 = vector.broadcast %lt3A_1270 : i32 to vector<16xi32>
        %lt3A_1272 = arith.cmpi slt, %add3A_1259, %lt3A_1271 : vector<16xi32>
        %jit3A_1273 = arith.constant 0.000000e+00 : f32
        %broadcast_in_dim3A_1274 = vector.broadcast %jit3A_1273 : f32 to vector<16xf32>
        %select_n3A_1275 = arith.select %lt3A_1272, %gather3A_1269, %broadcast_in_dim3A_1274 : vector<16xi1>, vector<16xf32>
        %add3A_1276 = arith.constant 8 : i32
        %add3A_1277 = vector.broadcast %add3A_1276 : i32 to vector<16xi32>
        %add3A_1278 = arith.addi %sub3A_1132, %add3A_1277 : vector<16xi32>
        %min3A_1279 = arith.constant 19 : i32
        %min3A_1280 = vector.broadcast %min3A_1279 : i32 to vector<16xi32>
        %min3A_1281 = arith.minsi %add3A_1278, %min3A_1280 : vector<16xi32>
        %shift_right_arithmetic3A_1282 = arith.constant 3 : i32
        %shift_right_arithmetic3A_1283 = vector.broadcast %shift_right_arithmetic3A_1282 : i32 to vector<16xi32>
        %shift_right_arithmetic3A_1284 = arith.shrsi %min3A_1281, %shift_right_arithmetic3A_1283 : vector<16xi32>
        %and3A_1285 = arith.constant 7 : i32
        %and3A_1286 = vector.broadcast %and3A_1285 : i32 to vector<16xi32>
        %and3A_1287 = arith.andi %min3A_1281, %and3A_1286 : vector<16xi32>
        %gather3A_1288 = tpu.vector_load_idx %arg16[%shift_right_arithmetic3A_1284, %and3A_1287, %add3A_285] : memref<3x8x128xf32, #tpu.memory_space<vmem>>[vector<16xi32>, vector<16xi32>, vector<16xi32>], vector<16xf32>,
        %lt3A_1289 = arith.constant 20 : i32
        %lt3A_1290 = vector.broadcast %lt3A_1289 : i32 to vector<16xi32>
        %lt3A_1291 = arith.cmpi slt, %add3A_1278, %lt3A_1290 : vector<16xi32>
        %jit3A_1292 = arith.constant 0.000000e+00 : f32
        %broadcast_in_dim3A_1293 = vector.broadcast %jit3A_1292 : f32 to vector<16xf32>
        %select_n3A_1294 = arith.select %lt3A_1291, %gather3A_1288, %broadcast_in_dim3A_1293 : vector<16xi1>, vector<16xf32>
        %add3A_1295 = arith.constant 9 : i32
        %add3A_1296 = vector.broadcast %add3A_1295 : i32 to vector<16xi32>
        %add3A_1297 = arith.addi %sub3A_1132, %add3A_1296 : vector<16xi32>
        %min3A_1298 = arith.constant 19 : i32
        %min3A_1299 = vector.broadcast %min3A_1298 : i32 to vector<16xi32>
        %min3A_1300 = arith.minsi %add3A_1297, %min3A_1299 : vector<16xi32>
        %shift_right_arithmetic3A_1301 = arith.constant 3 : i32
        %shift_right_arithmetic3A_1302 = vector.broadcast %shift_right_arithmetic3A_1301 : i32 to vector<16xi32>
        %shift_right_arithmetic3A_1303 = arith.shrsi %min3A_1300, %shift_right_arithmetic3A_1302 : vector<16xi32>
        %and3A_1304 = arith.constant 7 : i32
        %and3A_1305 = vector.broadcast %and3A_1304 : i32 to vector<16xi32>
        %and3A_1306 = arith.andi %min3A_1300, %and3A_1305 : vector<16xi32>
        %gather3A_1307 = tpu.vector_load_idx %arg16[%shift_right_arithmetic3A_1303, %and3A_1306, %add3A_285] : memref<3x8x128xf32, #tpu.memory_space<vmem>>[vector<16xi32>, vector<16xi32>, vector<16xi32>], vector<16xf32>,
        %lt3A_1308 = arith.constant 20 : i32
        %lt3A_1309 = vector.broadcast %lt3A_1308 : i32 to vector<16xi32>
        %lt3A_1310 = arith.cmpi slt, %add3A_1297, %lt3A_1309 : vector<16xi32>
        %jit3A_1311 = arith.constant 0.000000e+00 : f32
        %broadcast_in_dim3A_1312 = vector.broadcast %jit3A_1311 : f32 to vector<16xf32>
        %select_n3A_1313 = arith.select %lt3A_1310, %gather3A_1307, %broadcast_in_dim3A_1312 : vector<16xi1>, vector<16xf32>
        %add3A_1314 = arith.constant 27 : i32
        %add3A_1315 = vector.broadcast %add3A_1314 : i32 to vector<16xi32>
        %add3A_1316 = arith.addi %add3A_1315, %mul3A_349 : vector<16xi32>
        %mul3A_1317 = arith.mulf %select_n3A_1151, %sub3A_1129 : vector<16xf32>
        %mul3A_1318 = arith.mulf %select_n3A_1170, %sub3A_1126 : vector<16xf32>
        %add3A_1319 = arith.addf %mul3A_1317, %mul3A_1318 : vector<16xf32>
        tpu.vector_store_idx %arg17[%add3A_1316, %add3A_346, %add3A_382], %add3A_1319 : memref<36x160x8xf32, #tpu.memory_space<vmem>>[vector<16xi32>, vector<16xi32>, vector<16xi32>], vector<16xf32>,
        %add3A_1320 = arith.constant 28 : i32
        %add3A_1321 = vector.broadcast %add3A_1320 : i32 to vector<16xi32>
        %add3A_1322 = arith.addi %add3A_1321, %mul3A_349 : vector<16xi32>
        %mul3A_1323 = arith.mulf %select_n3A_1170, %sub3A_1129 : vector<16xf32>
        %mul3A_1324 = arith.mulf %select_n3A_1189, %sub3A_1126 : vector<16xf32>
        %add3A_1325 = arith.addf %mul3A_1323, %mul3A_1324 : vector<16xf32>
        tpu.vector_store_idx %arg17[%add3A_1322, %add3A_346, %add3A_382], %add3A_1325 : memref<36x160x8xf32, #tpu.memory_space<vmem>>[vector<16xi32>, vector<16xi32>, vector<16xi32>], vector<16xf32>,
        %add3A_1326 = arith.constant 29 : i32
        %add3A_1327 = vector.broadcast %add3A_1326 : i32 to vector<16xi32>
        %add3A_1328 = arith.addi %add3A_1327, %mul3A_349 : vector<16xi32>
        %mul3A_1329 = arith.mulf %select_n3A_1189, %sub3A_1129 : vector<16xf32>
        %mul3A_1330 = arith.mulf %select_n3A_1208, %sub3A_1126 : vector<16xf32>
        %add3A_1331 = arith.addf %mul3A_1329, %mul3A_1330 : vector<16xf32>
        tpu.vector_store_idx %arg17[%add3A_1328, %add3A_346, %add3A_382], %add3A_1331 : memref<36x160x8xf32, #tpu.memory_space<vmem>>[vector<16xi32>, vector<16xi32>, vector<16xi32>], vector<16xf32>,
        %add3A_1332 = arith.constant 30 : i32
        %add3A_1333 = vector.broadcast %add3A_1332 : i32 to vector<16xi32>
        %add3A_1334 = arith.addi %add3A_1333, %mul3A_349 : vector<16xi32>
        %mul3A_1335 = arith.mulf %select_n3A_1208, %sub3A_1129 : vector<16xf32>
        %mul3A_1336 = arith.mulf %gather3A_1218, %sub3A_1126 : vector<16xf32>
        %add3A_1337 = arith.addf %mul3A_1335, %mul3A_1336 : vector<16xf32>
        tpu.vector_store_idx %arg17[%add3A_1334, %add3A_346, %add3A_382], %add3A_1337 : memref<36x160x8xf32, #tpu.memory_space<vmem>>[vector<16xi32>, vector<16xi32>, vector<16xi32>], vector<16xf32>,
        %add3A_1338 = arith.constant 31 : i32
        %add3A_1339 = vector.broadcast %add3A_1338 : i32 to vector<16xi32>
        %add3A_1340 = arith.addi %add3A_1339, %mul3A_349 : vector<16xi32>
        %mul3A_1341 = arith.mulf %gather3A_1218, %sub3A_1129 : vector<16xf32>
        %mul3A_1342 = arith.mulf %select_n3A_1237, %sub3A_1126 : vector<16xf32>
        %add3A_1343 = arith.addf %mul3A_1341, %mul3A_1342 : vector<16xf32>
        tpu.vector_store_idx %arg17[%add3A_1340, %add3A_346, %add3A_382], %add3A_1343 : memref<36x160x8xf32, #tpu.memory_space<vmem>>[vector<16xi32>, vector<16xi32>, vector<16xi32>], vector<16xf32>,
        %add3A_1344 = arith.constant 32 : i32
        %add3A_1345 = vector.broadcast %add3A_1344 : i32 to vector<16xi32>
        %add3A_1346 = arith.addi %add3A_1345, %mul3A_349 : vector<16xi32>
        %mul3A_1347 = arith.mulf %select_n3A_1237, %sub3A_1129 : vector<16xf32>
        %mul3A_1348 = arith.mulf %select_n3A_1256, %sub3A_1126 : vector<16xf32>
        %add3A_1349 = arith.addf %mul3A_1347, %mul3A_1348 : vector<16xf32>
        tpu.vector_store_idx %arg17[%add3A_1346, %add3A_346, %add3A_382], %add3A_1349 : memref<36x160x8xf32, #tpu.memory_space<vmem>>[vector<16xi32>, vector<16xi32>, vector<16xi32>], vector<16xf32>,
        %add3A_1350 = arith.constant 33 : i32
        %add3A_1351 = vector.broadcast %add3A_1350 : i32 to vector<16xi32>
        %add3A_1352 = arith.addi %add3A_1351, %mul3A_349 : vector<16xi32>
        %mul3A_1353 = arith.mulf %select_n3A_1256, %sub3A_1129 : vector<16xf32>
        %mul3A_1354 = arith.mulf %select_n3A_1275, %sub3A_1126 : vector<16xf32>
        %add3A_1355 = arith.addf %mul3A_1353, %mul3A_1354 : vector<16xf32>
        tpu.vector_store_idx %arg17[%add3A_1352, %add3A_346, %add3A_382], %add3A_1355 : memref<36x160x8xf32, #tpu.memory_space<vmem>>[vector<16xi32>, vector<16xi32>, vector<16xi32>], vector<16xf32>,
        %add3A_1356 = arith.constant 34 : i32
        %add3A_1357 = vector.broadcast %add3A_1356 : i32 to vector<16xi32>
        %add3A_1358 = arith.addi %add3A_1357, %mul3A_349 : vector<16xi32>
        %mul3A_1359 = arith.mulf %select_n3A_1275, %sub3A_1129 : vector<16xf32>
        %mul3A_1360 = arith.mulf %select_n3A_1294, %sub3A_1126 : vector<16xf32>
        %add3A_1361 = arith.addf %mul3A_1359, %mul3A_1360 : vector<16xf32>
        tpu.vector_store_idx %arg17[%add3A_1358, %add3A_346, %add3A_382], %add3A_1361 : memref<36x160x8xf32, #tpu.memory_space<vmem>>[vector<16xi32>, vector<16xi32>, vector<16xi32>], vector<16xf32>,
        %add3A_1362 = arith.constant 35 : i32
        %add3A_1363 = vector.broadcast %add3A_1362 : i32 to vector<16xi32>
        %add3A_1364 = arith.addi %add3A_1363, %mul3A_349 : vector<16xi32>
        %mul3A_1365 = arith.mulf %select_n3A_1294, %sub3A_1129 : vector<16xf32>
        %mul3A_1366 = arith.mulf %select_n3A_1313, %sub3A_1126 : vector<16xf32>
        %add3A_1367 = arith.addf %mul3A_1365, %mul3A_1366 : vector<16xf32>
        tpu.vector_store_idx %arg17[%add3A_1364, %add3A_346, %add3A_382], %add3A_1367 : memref<36x160x8xf32, #tpu.memory_space<vmem>>[vector<16xi32>, vector<16xi32>, vector<16xi32>], vector<16xf32>,
      }
      %scan3A_259 = arith.constant 8 : i32
      %jit3A_260 = arith.constant 5 : i32
      %eq3A_261 = arith.constant 0 : i32
      %eq3A_262 = arith.cmpi eq, %jit3A_260, %eq3A_261 : i32
      %jit3A_263 = arith.constant 1 : i32
      %select_n3A_264 = arith.select %eq3A_262, %jit3A_263, %jit3A_260 : i32
      %rem3A_265 = arith.remsi %scan3A_90, %select_n3A_264 : i32
      %ne3A_266 = arith.constant 0 : i32
      %ne3A_267 = arith.cmpi ne, %rem3A_265, %ne3A_266 : i32
      %lt3A_268 = arith.constant 0 : i32
      %lt3A_269 = arith.cmpi slt, %rem3A_265, %lt3A_268 : i32
      %lt3A_270 = arith.constant 0 : i32
      %lt3A_271 = arith.cmpi slt, %select_n3A_264, %lt3A_270 : i32
      %ne3A_272 = arith.xori %lt3A_269, %lt3A_271 : i1
      %and3A_273 = arith.andi %ne3A_272, %ne3A_267 : i1
      %add3A_274 = arith.addi %rem3A_265, %select_n3A_264 : i32
      %select_n3A_275 = arith.select %and3A_273, %add3A_274, %rem3A_265 : i32
      %eq3A_276 = arith.constant 4 : i32
      %eq3A_277 = arith.cmpi eq, %select_n3A_275, %eq3A_276 : i32
      %convert_element_type3A_278 = arith.extui %eq3A_277 : i1 to i32
      %cond3A_279 = arith.constant 0 : i32
      %cond3A_280 = arith.cmpi ne, %convert_element_type3A_278, %cond3A_279 : i32
      scf.if %cond3A_280 {
        %jit3A_281 = arith.constant 10 : i32
        %div3A_282 = arith.divsi %mul3A_92, %jit3A_281 : i32
        %sign3A_283 = arith.constant 0 : i32
        %sign3A_284 = arith.cmpi sgt, %mul3A_92, %sign3A_283 : i32
        %sign3A_285 = arith.extui %sign3A_284 : i1 to i32
        %sign3A_286 = arith.constant 0 : i32
        %sign3A_287 = arith.cmpi slt, %mul3A_92, %sign3A_286 : i32
        %sign3A_288 = arith.extui %sign3A_287 : i1 to i32
        %sign3A_289 = arith.subi %sign3A_285, %sign3A_288 : i32
        %sign3A_290 = arith.constant 0 : i32
        %sign3A_291 = arith.cmpi sgt, %jit3A_281, %sign3A_290 : i32
        %sign3A_292 = arith.extui %sign3A_291 : i1 to i32
        %sign3A_293 = arith.constant 0 : i32
        %sign3A_294 = arith.cmpi slt, %jit3A_281, %sign3A_293 : i32
        %sign3A_295 = arith.extui %sign3A_294 : i1 to i32
        %sign3A_296 = arith.subi %sign3A_292, %sign3A_295 : i32
        %ne3A_297 = arith.cmpi ne, %sign3A_289, %sign3A_296 : i32
        %rem3A_298 = arith.remsi %mul3A_92, %jit3A_281 : i32
        %ne3A_299 = arith.constant 0 : i32
        %ne3A_300 = arith.cmpi ne, %rem3A_298, %ne3A_299 : i32
        %and3A_301 = arith.andi %ne3A_297, %ne3A_300 : i1
        %sub3A_302 = arith.constant 1 : i32
        %sub3A_303 = arith.subi %div3A_282, %sub3A_302 : i32
        %select_n3A_304 = arith.select %and3A_301, %sub3A_303, %div3A_282 : i32
        %mul3A_305 = arith.constant 8 : i32
        %mul3A_306 = arith.muli %select_n3A_304, %mul3A_305 : i32
        %add3A_307 = arith.addi %mul3A_32, %mul3A_306 : i32
        %dma_start3A_308 = arith.constant 0 : i32
        %dma_start3A_309 = arith.constant 0 : i32
        %dma_start3A_310 = tpu.memref_slice %arg7[%select_n3A, %dma_start3A_308, %dma_start3A_309, %add3A_307] : memref<8x36x160x128xf32, #tpu.memory_space<hbm>> -> memref<1x36x160x8xf32, #tpu.memory_space<hbm>>
        %dma_start3A_311 = tpu.memref_squeeze %dma_start3A_310 : memref<1x36x160x8xf32, #tpu.memory_space<hbm>> -> memref<36x160x8xf32, #tpu.memory_space<hbm>>
        %dma_start3A_312 = arith.constant 0 : i32
        %dma_start3A_313 = arith.constant 0 : i32
        %dma_start3A_314 = tpu.memref_slice %arg7[%select_n3A, %dma_start3A_312, %dma_start3A_313, %add3A_307] : memref<8x36x160x128xf32, #tpu.memory_space<hbm>> -> memref<1x36x160x8xf32, #tpu.memory_space<hbm>>
        %dma_start3A_315 = tpu.memref_squeeze %dma_start3A_314 : memref<1x36x160x8xf32, #tpu.memory_space<hbm>> -> memref<36x160x8xf32, #tpu.memory_space<hbm>>
        tpu.enqueue_dma source(%arg17 : memref<36x160x8xf32, #tpu.memory_space<vmem>>) target(%dma_start3A_315 : memref<36x160x8xf32, #tpu.memory_space<hbm>>) target_semaphore(%arg20 : memref<!tpu.dma_semaphore, #tpu.memory_space<semaphore_mem>>)
      } else {
      }
    }
    %scan3A_80 = arith.constant 20 : i32
    %add3A_81 = arith.constant 24 : i32
    %add3A_82 = arith.addi %mul3A_32, %add3A_81 : i32
    %dma_wait3A = arith.constant 0 : i32
    %dma_wait3A_83 = arith.constant 0 : i32
    %dma_wait3A_84 = tpu.memref_slice %arg7[%select_n3A, %dma_wait3A, %dma_wait3A_83, %add3A_82] : memref<8x36x160x128xf32, #tpu.memory_space<hbm>> -> memref<1x36x160x8xf32, #tpu.memory_space<hbm>>
    %dma_wait3A_85 = tpu.memref_squeeze %dma_wait3A_84 : memref<1x36x160x8xf32, #tpu.memory_space<hbm>> -> memref<36x160x8xf32, #tpu.memory_space<hbm>>
    %dma_wait3A_86 = arith.constant 0 : i32
    %dma_wait3A_87 = arith.constant 0 : i32
    %dma_wait3A_88 = tpu.memref_slice %arg7[%select_n3A, %dma_wait3A_86, %dma_wait3A_87, %add3A_82] : memref<8x36x160x128xf32, #tpu.memory_space<hbm>> -> memref<1x36x160x8xf32, #tpu.memory_space<hbm>>
    %dma_wait3A_89 = tpu.memref_squeeze %dma_wait3A_88 : memref<1x36x160x8xf32, #tpu.memory_space<hbm>> -> memref<36x160x8xf32, #tpu.memory_space<hbm>>
    tpu.wait_dma2 semaphore(%arg20 : memref<!tpu.dma_semaphore, #tpu.memory_space<semaphore_mem>>) src(%arg17 : memref<36x160x8xf32, #tpu.memory_space<vmem>>) dst(%dma_wait3A_89 : memref<36x160x8xf32, #tpu.memory_space<hbm>>)
    return
  }
}

</mosaic_0001>

<sc_bundles>
// kernel: kernel.3.cloned.1.call-start
scs
__scs_entry_jumppad:
0x0: {  	(pc) =	sbr.rel $0x88, $3  }
0x1: {  	(tag) =	ssettag $0x0;
	lr =	simm.s32 $0x1  }
0x2: {  	[smem:$0x3F9C] =	sst lr;
	_ =	strace $0xD0000000  }
0x3: {  	_ = 	snop  }
0x4: {  	_ = 	snop  }
0x5: {  	_ = 	snop  }
0x6: {  	_ = 	snop  }
0x7: {  	_ = 	snop  }
__scs_overlays_trampoline_lowered:
0x8: {  	[smem:$0x3FAB] =	sst s0  }
0x9: {  	[smem:$0x3FAC] =	sst s1  }
0xa: {  	[smem:$0x3FAD] =	sst s2  }
0xb: {  	[smem:$0x3FAE] =	sst s3  }
0xc: {  	[smem:$0x3FAF] =	sst s4  }
0xd: {  	[smem:$0x3FB0] =	sst s5  }
0xe: {  	[smem:$0x3FB1] =	sst s6  }
0xf: {  	[smem:$0x3FB2] =	sst s7  }
0x10: {  	[smem:$0x3FB3] =	sst s8  }
0x11: {  	[smem:$0x3FB4] =	sst s9;
	s0 =	simm.s32 @!p0 $0x0  }
0x12: {  	s1 =	sld [smem:$0x3F9A];
	s0 =	simm.s32 @p0 $0x1  }
0x13: {  	[smem:$0x3FB5] =	sst s0;
	s0 =	simm.s32 @!p1 $0x0  }
0x14: {  	s2 =	sld [smem:$0x3F99];
	s0 =	simm.s32 @p1 $0x1  }
0x15: {  	[smem:$0x3FB6] =	sst s0;
	s0 =	simm.s32 @!p2 $0x0  }
0x16: {  	s3 =	sld [smem:$0x3FDB];
	s0 =	simm.s32 @p2 $0x1  }
0x17: {  	s4 =	simm.s32 $0x1BF5;
	[smem:$0x3FB8] =	sst s0  }
0x18: {  	s0 =	sld [smem:$0x3F9B];
	_ =	swait.ge [sflag:s4], $0x0  }
0x19: {  	s7 =	sld [smem:$0x3F9C]  }
0x1a: {  	s8 =	sadd.s32 $0xFFFFE003, lr  }
0x1b: {  	s9 =	sadd.s32 $0xFFFFFEF7, lr;
	s5 =	simm.s32 $0xFFFFFFFF;
	p2 =	slt.u32 s8, $0xFFFFF086  }
0x1c: {  	p1 =	slt.u32 s9, $0xF7A;
	s5 =	simm.s32 @!p2 $0x0  }
0x1d: {  	s5 =	simm.s32 @p1 $0x1;
	p0 =	seq.s32 s7, s2  }
0x1e: {  	s7 =	smul.u32 @!p0 $0xF7A, s2;
	p2 =	seq.s32 @!p0 s5, $0x0  }
0x1f: {  	s9 =	smul.u32 $0xF7A, s1;
	s8 =	simm.s32 @!p0 $0x1BF5;
	p2 =	por !p2, p0  }
0x20: {  	[sflag:s8] =	ssyncset.s32 @!p0 $0xFFFFF086;
	s6 =	sadd.s32 @!p0 s3, s7;
	s7 =	simm.s32 @!p0 $0x108  }
0x21: {  	s3 =	sadd.s32 s3, s9;
	s6 =	sadd.s32 @!p0 $0x88, s6;
	s7 =	simm.s32 @p2 $0x1082  }
0x22: {  	[simem:s7], [sflag:s8] =	dma.local @!p0 [hbm:s6], $0xF7A  }
0x23: {  	s9 =	sor.u32 $0xD0000000, s2;
	s6 =	simm.s32 $0x108;
	_ =	swait.ge @!p0 [sflag:s8], $0x0  }
0x24: {  	s3 =	sadd.s32 $0x88, s3;
	s6 =	simm.s32 @!p1 $0x1082;
	[sflag:s4] =	ssyncset.s32 $0xFFFFF086  }
0x25: {  	[simem:s6], [sflag:s4] =	dma.local [hbm:s3], $0xF7A  }
0x26: {  	[smem:$0x3F9C] =	sst s1;
	(tag) =	ssettag s2;
	_ =	strace s9  }
0x27: {  	s1 =	sld [smem:$0x3FAC]  }
0x28: {  	s2 =	sld [smem:$0x3FAD]  }
0x29: {  	s4 =	sld [smem:$0x3FAF]  }
0x2a: {  	p0 =	seq.s32 s5, $0x0;
	s5 =	sld [smem:$0x3FB0]  }
0x2b: {  	s6 =	sld [smem:$0x3FB1]  }
0x2c: {  	s7 =	sld [smem:$0x3FB2]  }
0x2d: {  	s3 =	simm.s32 $0x108;
	s8 =	sld [smem:$0x3FB3]  }
0x2e: {  	s3 =	simm.s32 @!p0 $0x1082;
	s9 =	sld [smem:$0x3FB4]  }
0x2f: {  	lr =	sadd.s32 s0, s3;
	s0 =	sld [smem:$0x3FAB]  }
0x30: {  	s3 =	sld [smem:$0x3FAE]  }
0x31: {  	[smem:$0x3FB7] =	sst s10  }
0x32: {  	s10 =	sld [smem:$0x3FB5];
	_ =	sdelay $0x3  }
0x33: {  	p0 =	seq.s32 s10, $0x1;
	s10 =	sld [smem:$0x3FB7];
	_ =	sdelay $0x3  }
0x34: {  	[smem:$0x3FB7] =	sst s10  }
0x35: {  	s10 =	sld [smem:$0x3FB6];
	_ =	sdelay $0x3  }
0x36: {  	p1 =	seq.s32 s10, $0x1;
	s10 =	sld [smem:$0x3FB7];
	_ =	sdelay $0x3  }
0x37: {  	[smem:$0x3FB7] =	sst s10  }
0x38: {  	s10 =	sld [smem:$0x3FB8]  }
0x39: {  	_ = 	snop;
	(pc) =	sbr.ind lr, $3  }
0x3a: {  	_ = 	snop  }
0x3b: {  	_ = 	snop  }
0x3c: {  	p2 =	seq.s32 s10, $0x1;
	s10 =	sld [smem:$0x3FB7]  }
0x3d: {  	_ =	shalt  }
0x3e: {  	_ =	shalt  }
0x3f: {  	_ =	shalt  }
0x40: {  	_ =	shalt  }
0x41: {  	_ =	shalt  }
0x42: {  	_ =	shalt  }
0x43: {  	_ =	shalt  }
0x44: {  	_ =	shalt  }
0x45: {  	_ =	shalt  }
0x46: {  	_ =	shalt  }
0x47: {  	_ =	shalt  }
0x48: {  	_ =	shalt  }
0x49: {  	_ =	shalt  }
0x4a: {  	_ =	shalt  }
0x4b: {  	_ =	shalt  }
0x4c: {  	_ =	shalt  }
0x4d: {  	_ =	shalt  }
0x4e: {  	_ =	shalt  }
0x4f: {  	_ =	shalt  }
0x50: {  	_ =	shalt  }
0x51: {  	_ =	shalt  }
0x52: {  	_ =	shalt  }
0x53: {  	_ =	shalt  }
0x54: {  	_ =	shalt  }
0x55: {  	_ =	shalt  }
0x56: {  	_ =	shalt  }
0x57: {  	_ =	shalt  }
0x58: {  	_ =	shalt  }
0x59: {  	_ =	shalt  }
0x5a: {  	_ =	shalt  }
0x5b: {  	_ =	shalt  }
0x5c: {  	_ =	shalt  }
0x5d: {  	_ =	shalt  }
0x5e: {  	_ =	shalt  }
0x5f: {  	_ =	shalt  }
0x60: {  	_ =	shalt  }
0x61: {  	_ =	shalt  }
0x62: {  	_ =	shalt  }
0x63: {  	_ =	shalt  }
0x64: {  	_ =	shalt  }
0x65: {  	_ =	shalt  }
0x66: {  	_ =	shalt  }
0x67: {  	_ =	shalt  }
0x68: {  	_ =	shalt  }
0x69: {  	_ =	shalt  }
0x6a: {  	_ =	shalt  }
0x6b: {  	_ =	shalt  }
0x6c: {  	_ =	shalt  }
0x6d: {  	_ =	shalt  }
0x6e: {  	_ =	shalt  }
0x6f: {  	_ =	shalt  }
0x70: {  	_ =	shalt  }
0x71: {  	_ =	shalt  }
0x72: {  	_ =	shalt  }
0x73: {  	_ =	shalt  }
0x74: {  	_ =	shalt  }
0x75: {  	_ =	shalt  }
0x76: {  	_ =	shalt  }
0x77: {  	_ =	shalt  }
0x78: {  	_ =	shalt  }
0x79: {  	_ =	shalt  }
0x7a: {  	_ =	shalt  }
0x7b: {  	_ =	shalt  }
0x7c: {  	_ =	shalt  }
0x7d: {  	_ =	shalt  }
0x7e: {  	_ =	shalt  }
0x7f: {  	_ =	shalt  }
0x80: {  	_ =	shalt  }
0x81: {  	_ =	shalt  }
0x82: {  	_ =	shalt  }
0x83: {  	_ =	shalt  }
0x84: {  	_ =	shalt  }
0x85: {  	_ =	shalt  }
0x86: {  	_ =	shalt  }
0x87: {  	_ =	shalt  }
.Lfunc_end0:
.L_simem_size_0:
called_computation_lowered:
.L_overlay_start_0:
0x88: {  	s2 =	sld [smem:$0x3FD9]  }
0x89: {  	s3 =	sld [smem:$0x3FFE];
	_ =	sdelay $0x1  }
0x8a: {  	s1 =	srdreg.scid  }
0x8b: {  	s0 =	sand.u32 $0x1, s1  }
0x8c: {  	s17 =	sshll.u32 s0, $0xA;
	s2 =	sadd.s32 s3, s2  }
0x8d: {  	s2 =	sadd.s32 s2, s17  }
0x8e: {  	[smem:$0x3FC3] =	sst s2  }
0x8f: {  	_ = 	snop  }
0x90: {  	s2 =	sld [smem:$0x3FC9]  }
0x91: {  	s18 =	sld [smem:$0x3FC8]  }
0x92: {  	s4 =	sld [smem:$0x3FC7]  }
0x93: {  	s5 =	sld [smem:$0x3FC6]  }
0x94: {  	s6 =	sld [smem:$0x3FD0];
	(tm) =	ssettm $0x1  }
0x95: {  	s7 =	sld [smem:$0x3FFB];
	_ =	sdelay $0x3  }
0x96: {  	_ =	strace s7  }
0x97: {  	s7 =	sld [smem:$0x3FFC];
	_ =	sdelay $0x3  }
0x98: {  	_ =	strace s7  }
0x99: {  	s7 =	sld [smem:$0x3FFD];
	_ =	sdelay $0x3  }
0x9a: {  	_ =	strace s7  }
0x9b: {  	_ =	strace $0x8FFFFFFF  }
0x9c: {  	s19 =	sld [smem:$0x3FDB];
	_ =	sdelay $0x1  }
0x9d: {  	s8 =	simm.s32 $_scs_section_size  }
0x9e: {  	s9 =	simm.s32 $_size__tile_overlayer_lowered;
	s10 =	simm.s32 $_tile_overlayer_lowered  }
0x9f: {  	s22 =	simm.s32 $0x1BFF;
	s21 =	sshll.u32 s10, $0x1;
	s7 =	sadd.s32 s8, s19  }
0xa0: {  	s11 =	simm.s32 $0x0;
	s20 =	sshll.u32 s9, $0x1;
	s9 =	sadd.s32 s21, s7  }
0xa1: {  	[timem:s11], [sflag:s22] =	dma.local [hbm:s9], s20  }
0xa2: {  	_ =	swait.ge [sflag:s22], s20  }
0xa3: {  	s8 =	ssub.s32 $0x0, s20;
	[sflag:s22] =	ssyncset.done $0x0  }
0xa4: {  	[sflag:s22] =	ssyncadd.s32 s8;
	_ =	sdelay $0x1  }
0xa5: {  	s23 =	simm.s32 $0x1B8B  }
0xa6: {  	_ =	swait.ge [sflag:s23], $0x1  }
0xa7: {  	[sflag:s23] =	ssyncset.done $0x0  }
0xa8: {  	s25 =	simm.s32 $0x1B8E;
	s24 =	sld [smem:$0x3FFE];
	[sflag:s23] =	ssyncadd.s32 $0xFFFFFFFF  }
0xa9: {  	s26 =	simm.s32 $execute0_lowered;
	[smem:$0x3FD2] =	sst s25  }
0xaa: {  	s9 =	sshll.u32 s26, $0x1;
	_ =	strace $0x80000046;
	[dreg:$0x1] =	wrdreg $0xFFFFFFFF  }
0xab: {  	s28 =	simm.s32 $_size_execute0_lowered;
	s7 =	sadd.s32 s7, s9;
	[dreg:$0x0] =	wrdreg $0x0  }
0xac: {  	s9 =	sshll.u32 s28, $0x1;
	[dreg:$0x2] =	wrdreg s7  }
0xad: {  	[dreg:$0x3] =	wrdreg s9  }
0xae: {  	[dreg:$0x4] =	wrdreg $0xC0  }
0xaf: {  	_ =	task [dreg:s11], $0x5FFFF  }
0xb0: {  	[dreg:$0x1] =	wrdreg $0xFFFFFFFF  }
0xb1: {  	[dreg:$0x0] =	wrdreg $0x60  }
0xb2: {  	[dreg:$0x2] =	wrdreg s2  }
0xb3: {  	[dreg:$0x3] =	wrdreg s18  }
0xb4: {  	[dreg:$0x4] =	wrdreg s4  }
0xb5: {  	[dreg:$0x5] =	wrdreg s5  }
0xb6: {  	[dreg:$0x6] =	wrdreg s24  }
0xb7: {  	[dreg:$0x7] =	wrdreg s6  }
0xb8: {  	[dreg:$0x8] =	wrdreg $0x9  }
0xb9: {  	_ =	task.clear_ibuf [dreg:s11], $0x9FFFF;
	_ =	strace $0x90000046  }
0xba: {  	s29 =	simm.s32 $0x9;
	_ =	strace $0x80000048  }
0xbb: {  	_ =	swait.ge [sflag:s29], $0x1  }
0xbc: {  	[sflag:s29] =	ssyncadd.s32 $0xFFFFFFFF  }
0xbd: {  	_ =	strace $0x90000048  }
0xbe: {  	_ =	sfence  }
0xbf: {  	s30 =	sld [smem:$0x0];
	_ =	sdelay $0x2  }
0xc0: {  	s31 =	sshll.u32 s1, $0xD;
	s1 =	sshrl.u32 s1, $0x2  }
0xc1: {  	s3 =	sand.u32 $0x4000, s31;
	s1 =	sadd.s32 s1, s30  }
0xc2: {  	s0 =	sor.u32 s3, s0;
	s1 =	sshll.u32 s1, $0x11  }
0xc3: {  	s0 =	sor.u32 s1, s0  }
0xc4: {  	s0 =	sadd.s32 $0x8F2B, s0  }
0xc5: {  	[sflag:s0] =	ssyncadd.remote.s32 $0x1  }
0xc6: {  	_ =	sfence.sel $0xFFFF  }
0xc7: {  	[dreg:$0x0] =	wrdreg $0xFFFFFFFF;
	(pc) =	sbr.abs _section_cstart, $3  }
0xc8: {  	[dreg:$0x1] =	wrdreg $0xFFFFFFFF  }
0xc9: {  	_ =	task.clear_ibuf [dreg:s11], $0x2FFFF;
	_ =	strace $0x9FFFFFFF  }
0xca: {  	(tm) =	ssettm $0x7FFFFFFF  }
0xcb: {  	_ =	shalt  }
tec
execute0_lowered:
.L_overlay_start_1:
0x0: {  	(tag) =	ssettag $0x1  }
0x1: {  	s0 =	rddreg [dreg:$0x0]  }
0x2: {  	s1 =	rddreg [dreg:$0x1]  }
0x3: {  	s2 =	rddreg [dreg:$0x2]  }
0x4: {  	s3 =	rddreg [dreg:$0x3]  }
0x5: {  	s4 =	rddreg [dreg:$0x4]  }
0x6: {  	s8 =	rddreg [dreg:$0x5]  }
0x7: {  	s5 =	simm.s32 $0x0;
	s6 =	srdreg.scid;
	s10 =	stileid.u32  }
0x8: {  	s18 =	simm.s32 $0x400;
	s28 =	simm.s32 $0x13800;
	s29 =	simm.s32 $0x1  }
0x9: {  	s30 =	simm.s32 $0x14400;
	s19 =	sshll.u32 s10, $0x1;
	s10 =	sshrl.u32 s10, $0x1  }
0xa: {  	s31 =	simm.s32 $0x2;
	s7 =	sand.u32 $0x1, s6;
	s11 =	smul.u32 $0xA000, s10  }
0xb: {  	[smem:$0x7FF] =	sst s5;
	s9 =	sor.u32 s7, s19;
	s10 =	smul.u32 $0xB4000, s10  }
0xc: {  	s6 =	sadd.s32 $0x400, s4;
	s12 =	ssub.s32 $0x2, s7;
	s7 =	smul.u32 $0x28, s9  }
0xd: {  	_ =	strace $0x80000047;
	s20 =	sshll.u32 s9, $0x5;
	s9 =	smul.u32 $0x1400, s9  }
0xe: {  	s19 =	simm.s32 $0x140000;
	s13 =	sshrl.u32 s12, $0x1;
	s4 =	sand.u32 $0x60, s20  }
0xf: {  	s12 =	ssub.s32 s12, s13;
	s20 =	simm.s32 $0x1400;
	s21 =	sadd.s32 s1, s9  }
0x10: {  	s11 =	sor.u32 s11, s4;
	s22 =	sadd.s32 s2, s9;
	[dreg:$0x8] =	wrdreg s21  }
0x11: {  	s23 =	sadd.s32 s3, s9;
	s24 =	sadd.s32 s6, s9;
	[dreg:$0x9] =	wrdreg s22  }
0x12: {  	s25 =	sor.u32 s10, s4;
	s13 =	sor.u32 $0x2, s7;
	[dreg:$0xa] =	wrdreg s23  }
0x13: {  	s26 =	smax.u32 s12, $0x1;
	s11 =	sshrl.u32 s11, $0x3;
	[dreg:$0xb] =	wrdreg s24  }
0x14: {  	[dreg:$0xc] =	wrdreg s26;
	s21 =	simm.s32 $0x6400;
	s22 =	simm.s32 $0x8C00  }
0x15: {  	v0 =	vlaneseq.u32;
	s23 =	simm.s32 $0xA000;
	s24 =	simm.s32 $0xAC00;
	s0 =	sadd.s32 s0, s11  }
0x16: {  	v1 =	vshrl.u32 v0, $0x3;
	s26 =	simm.s32 $0x12400;
	[dreg:$0x7] =	wrdreg s0;
	s0 =	sshrl.u32 s25, $0x3  }
0x17: {  	v2 =	vand.u32 $0x7, v0;
	v1 =	vmul.u32 $0x8, v1;
	s25 =	simm.s32 $0xFC00;
	s15 =	sadd.s32 s8, s0;
	s8 =	simm.s32 $0x0  }
.LBB2_1:
0x18: {  	[dreg:$0xd] =	wrdreg s8;
	s16 =	simm.s32 $0x80  }
0x19: {  	s0 =	rddreg [dreg:$0x7];
	s4 =	simm.s32 $0x20;
	s10 =	simm.s32 $0x4  }
0x1a: {  	[tilespmem:s5], [sflag:$0x4] =	stream.strided.gather [hbm4b:s0+s4], $0x1400, s16, s4, $0x38;
	[tilespmem:$0x1F800] =	vst v63  }
0x1b: {  	_ =	swait.ge [sflag:s10], $0x1400  }
0x1c: {  	[sflag:s10] =	ssyncset.done $0x0  }
0x1d: {  	s11 =	rddreg [dreg:$0x8];
	[sflag:s10] =	ssyncadd.s32 $0xFFFFEC00  }
0x1e: {  	[tilespmem:s20], [sflag:$0x1] =	stream.strided.gather [hbm4b:s11+s18], $0x5000, s19, s18, $0x38;
	[tilespmem:$0x1F800] =	vst v63  }
0x1f: {  	s12 =	rddreg [dreg:$0x9]  }
0x20: {  	[tilespmem:s21], [sflag:$0x1] =	stream.strided.gather [hbm4b:s12+s18], $0x2800, s19, s18, $0x38;
	[tilespmem:$0x1F800] =	vst v63  }
0x21: {  	s14 =	rddreg [dreg:$0xa]  }
0x22: {  	[tilespmem:s22], [sflag:$0x1] =	stream.strided.gather [hbm4b:s14+s18], $0x1400, s19, s18, $0x38;
	[tilespmem:$0x1F800] =	vst v63  }
0x23: {  	s9 =	simm.s32 $0x0;
	s17 =	rddreg [dreg:$0xb];
	s14 =	simm.s32 $0x0  }
0x24: {  	[tilespmem:s23], [sflag:$0x1] =	stream.strided.gather [hbm4b:s17+s18], $0xC00, s19, s18, $0x38;
	[tilespmem:$0x1F800] =	vst v63  }
.LBB2_2:
0x25: {  	s11 =	sshll.u32 s9, $0x1  }
0x26: {  	s8 =	sadd.s32 s11, s7  }
0x27: {  	s8 =	sshll.u32 s8, $0x7  }
0x28: {  	s8 =	sadd.s32 $0x80, s8  }
0x29: {  	s8 =	sand.u32 $0x1FFFFF80, s8  }
0x2a: {  	s10 =	sadd.s32 s1, s8  }
0x2b: {  	[tilespmem:s24], [sflag:$0x2] =	stream.strided.gather [hbm4b:s10+s18], $0x5000, s19, s18, $0x38;
	[tilespmem:$0x1F800] =	vst v63  }
0x2c: {  	s4 =	sadd.s32 s2, s8  }
0x2d: {  	[tilespmem:s25], [sflag:$0x2] =	stream.strided.gather [hbm4b:s4+s18], $0x2800, s19, s18, $0x38;
	[tilespmem:$0x1F800] =	vst v63  }
0x2e: {  	s12 =	sadd.s32 s3, s8  }
0x2f: {  	[tilespmem:s26], [sflag:$0x2] =	stream.strided.gather [hbm4b:s12+s18], $0x1400, s19, s18, $0x38;
	[tilespmem:$0x1F800] =	vst v63  }
0x30: {  	s8 =	sadd.s32 s6, s8  }
0x31: {  	[tilespmem:s28], [sflag:$0x2] =	stream.strided.gather [hbm4b:s8+s18], $0xC00, s19, s18, $0x38;
	[tilespmem:$0x1F800] =	vst v63  }
0x32: {  	_ =	swait.ge [sflag:s29], $0x5000  }
0x33: {  	s17 =	smul.u32 $0xCD, s9;
	[sflag:s29] =	ssyncset.done $0x0  }
0x34: {  	[sflag:s29] =	ssyncadd.s32 $0xFFFFB000  }
0x35: {  	s8 =	sshrl.u32 s17, $0xA;
	_ =	swait.ge [sflag:s29], $0x2800  }
0x36: {  	s8 =	sand.u32 $0x3F, s8;
	[sflag:s29] =	ssyncset.done $0x0  }
0x37: {  	s8 =	smul.u32 $0x5, s8;
	[sflag:s29] =	ssyncadd.s32 $0xFFFFD800  }
0x38: {  	_ =	swait.ge [sflag:s29], $0x1400  }
0x39: {  	p0 =	slt.u32 s9, $0x5;
	s10 =	ssub.s32 s9, s8;
	[sflag:s29] =	ssyncset.done $0x0  }
0x3a: {  	s8 =	sand.u32 @!p0 $0xFF, s10;
	[sflag:s29] =	ssyncadd.s32 $0xFFFFEC00  }
0x3b: {  	p1 =	sne.s32 @!p0 s8, $0x0;
	_ =	swait.ge [sflag:s29], $0xC00  }
0x3c: {  	p0 =	por p1, p0;
	[sflag:s29] =	ssyncset.done $0x0  }
0x3d: {  	s8 =	simm.s32 @!p0 $0x3;
	[sflag:s29] =	ssyncadd.s32 $0xFFFFF400  }
0x3e: {  	_ =	swait.ge @!p0 [sflag:s8], $0xB400  }
0x3f: {  	[sflag:s8] =	ssyncset.done @!p0 $0x0  }
0x40: {  	s12 =	simm.s32 $0x0;
	[sflag:s8] =	ssyncadd.s32 @!p0 $0xFFFF4C00;
	s8 =	smov.u32 s14  }
.LBB2_3:
0x41: {  	s17 =	smulhi.u32 $0xCCCCCCCD, s8;
	_ =	sdelay $0x1  }
0x42: {  	s17 =	sshrl.u32 s17, $0x7  }
0x43: {  	s0 =	sadd.s32 s12, s14;
	s17 =	smul.u32 $0xA0, s17  }
0x44: {  	s0 =	smulhi.u32 $0xCCCCCCCD, s0  }
0x45: {  	s17 =	ssub.s32 s14, s17  }
0x46: {  	s0 =	sshrl.u32 s0, $0x7;
	s4 =	sadd.s32 s17, s12  }
0x47: {  	v3 =	vmov s0;
	v4 =	vor.u32 s4, v0  }
0x48: {  	v5 =	vand.u32 $0x38, v3;
	v6 =	vshll.u32 v4, $0x5  }
0x49: {  	v3 =	vand.u32 $0x7, v3;
	v5 =	vadd.s32 v5, v6  }
0x4a: {  	v3 =	vor.u32 v3, v5;
	_ =	sdelay $0x4  }
0x4b: {  	v5 =	vld.idx.msk [tilespmem:v3+s5+$0x0], $0xffff  }
0x4c: {  	s0 =	sand.u32 $0x7, s0;
	v4 =	vshll.u32 v4, $0x3  }
0x4d: {  	v4 =	vor.u32 s0, v4  }
0x4e: {  	v41 =	vadd.s32 $0x500, v4  }
0x4f: {  	v43 =	vadd.s32 $0xA00, v4;
	v45 =	vadd.s32 $0xF00, v4;
	v49 =	vadd.s32 $0x1400, v4  }
0x50: {  	v52 =	vadd.s32 $0x1900, v4;
	v3 =	vtrunc.f32 v5;
	v48 =	vmul.f32 $5.000000000e-01, v5  }
0x51: {  	v53 =	vadd.s32 $0x1E00, v4;
	v54 =	vadd.s32 $0x2300, v4;
	v30 =	vcvt.f32.s32 v3  }
0x52: {  	v56 =	vor.u32 $0x2800, v4;
	v3 =	vor.u32 s12, v1;
	v51 =	vtrunc.f32 v48  }
0x53: {  	v7 =	vadd.s32 $0xFFFFFFFC, v30;
	v8 =	vadd.s32 $0xFFFFFFFD, v30;
	v11 =	vadd.s32 $0xFFFFFFFE, v30  }
0x54: {  	v13 =	vadd.s32 $0xFFFFFFFF, v30;
	v14 =	vadd.s32 $0x1, v30;
	v17 =	vadd.s32 $0x2, v30  }
0x55: {  	v19 =	vadd.s32 $0x3, v30;
	v20 =	vadd.s32 $0x4, v30;
	v23 =	vadd.s32 $0x5, v30  }
0x56: {  	v25 =	vcvt.s32.f32 v30;
	v6 =	vshll.u32 v30, $0x7;
	vm0 =	vgt.s32 v7, $0x0  }
0x57: {  	vm7 =	vgt.s32 v8, $0x0;
	vm8 =	vgt.s32 v11, $0x0;
	vm9 =	vgt.s32 v13, $0x0  }
0x58: {  	vm10 =	vlt.s32 v14, $0x9F;
	vm11 =	vlt.s32 v17, $0x9F;
	vm12 =	vlt.s32 v19, $0x9F  }
0x59: {  	vm13 =	vlt.s32 v20, $0x9F;
	vm14 =	vlt.s32 v23, $0x9F;
	v6 =	vadd.s32 v3, v6  }
0x5a: {  	vm15 =	vgt.s32 v7, $0xFFFFFFFF;
	vm1 =	vgt.s32 v8, $0xFFFFFFFF;
	vm4 =	vgt.s32 v11, $0xFFFFFFFF  }
0x5b: {  	vm5 =	vgt.s32 v13, $0xFFFFFFFF;
	vm2 =	vlt.s32 v14, $0xA0;
	vm6 =	vlt.s32 v17, $0xA0  }
0x5c: {  	v9 =	vnsel vm0, $0x0, v7;
	v10 =	vnsel vm7, $0x0, v8;
	v12 =	vnsel vm8, $0x0, v11  }
0x5d: {  	v15 =	vnsel vm9, $0x0, v13;
	v16 =	vnsel vm10, $0x9F, v14;
	v18 =	vnsel vm11, $0x9F, v17  }
0x5e: {  	v21 =	vnsel vm12, $0x9F, v19;
	v22 =	vnsel vm13, $0x9F, v20;
	v24 =	vnsel vm14, $0x9F, v23  }
0x5f: {  	v25 =	vsub.f32 v5, v25;
	v6 =	vor.u32 v2, v6;
	vm7 =	vlt.s32 v19, $0xA0  }
0x60: {  	vm8 =	vlt.s32 v20, $0xA0;
	vm9 =	vlt.s32 v23, $0xA0;
	v8 =	vcvt.f32.s32 v51  }
0x61: {  	v9 =	vshll.u32 v9, $0x7;
	v10 =	vshll.u32 v10, $0x7;
	v12 =	vshll.u32 v12, $0x7  }
0x62: {  	v15 =	vshll.u32 v15, $0x7;
	v16 =	vshll.u32 v16, $0x7;
	v18 =	vshll.u32 v18, $0x7  }
0x63: {  	v21 =	vshll.u32 v21, $0x7;
	v22 =	vshll.u32 v22, $0x7;
	v24 =	vshll.u32 v24, $0x7  }
0x64: {  	v9 =	vadd.s32 v3, v9;
	v10 =	vadd.s32 v3, v10;
	v12 =	vadd.s32 v3, v12  }
0x65: {  	v15 =	vadd.s32 v3, v15;
	v16 =	vadd.s32 v3, v16;
	v9 =	vor.u32 v2, v9  }
0x66: {  	v18 =	vadd.s32 v3, v18;
	v21 =	vadd.s32 v3, v21;
	v10 =	vor.u32 v2, v10  }
0x67: {  	v22 =	vadd.s32 v3, v22;
	v24 =	vadd.s32 v3, v24;
	v12 =	vor.u32 v2, v12  }
0x68: {  	v32 =	vsub.f32 $1.000000000e+00, v25;
	v55 =	vadd.s32 $0xFFFFFFFC, v8;
	v15 =	vor.u32 v2, v15  }
0x69: {  	v26 =	vadd.s32 $0xFFFFFFFD, v8;
	v28 =	vadd.s32 $0xFFFFFFFE, v8;
	v16 =	vor.u32 v2, v16;
	v6 =	vld.idx.msk [tilespmem:v6+s20+$0x0], $0xffff  }
0x6a: {  	v58 =	vadd.s32 $0x1, v8;
	v60 =	vadd.s32 $0x2, v8;
	v18 =	vor.u32 v2, v18;
	v9 =	vld.idx.msk [tilespmem:v9+s20+$0x0], $0xffff  }
0x6b: {  	v21 =	vor.u32 v2, v21;
	v22 =	vor.u32 v2, v22;
	v24 =	vor.u32 v2, v24;
	v10 =	vld.idx.msk [tilespmem:v10+s20+$0x0], $0xffff  }
0x6c: {  	vm10 =	vgt.s32 v55, $0x0;
	vm11 =	vgt.s32 v26, $0x0;
	vm12 =	vgt.s32 v28, $0x0;
	v12 =	vld.idx.msk [tilespmem:v12+s20+$0x0], $0xffff  }
0x6d: {  	vm14 =	vlt.s32 v58, $0x4F;
	v27 =	vnsel vm10, $0x0, v55;
	v29 =	vnsel vm11, $0x0, v26;
	v15 =	vld.idx.msk [tilespmem:v15+s20+$0x0], $0xffff  }
0x6e: {  	v30 =	vnsel vm12, $0x0, v28;
	v61 =	vnsel vm14, $0x4F, v58;
	vm11 =	vlt.s32 v58, $0x50;
	v16 =	vld.idx.msk [tilespmem:v16+s20+$0x0], $0xffff  }
0x6f: {  	vm12 =	vlt.s32 v60, $0x50;
	v27 =	vshll.u32 v27, $0x7;
	v29 =	vshll.u32 v29, $0x7;
	v18 =	vld.idx.msk [tilespmem:v18+s20+$0x0], $0xffff  }
0x70: {  	v30 =	vshll.u32 v30, $0x7;
	v27 =	vadd.s32 v3, v27;
	v29 =	vadd.s32 v3, v29;
	v21 =	vld.idx.msk [tilespmem:v21+s20+$0x0], $0xffff  }
0x71: {  	v30 =	vadd.s32 v3, v30;
	v27 =	vor.u32 v2, v27;
	v29 =	vor.u32 v2, v29;
	v31 =	vld.idx.msk [tilespmem:v22+s20+$0x0], $0xffff  }
0x72: {  	v57 =	vor.u32 v2, v30;
	v35 =	vld.idx.msk [tilespmem:v24+s20+$0x0], $0xffff;
	v24 =	vmul.f32 $2.500000000e-01, v5;
	v5 =	vmul.f32 $1.250000000e-01, v5  }
0x73: {  	v42 =	vmul.f32 v6, v25;
	v6 =	vmul.f32 v6, v32;
	v9 =	vnsel vm15, $0x0, v9  }
0x74: {  	v10 =	vnsel vm1, $0x0, v10;
	v11 =	vnsel vm4, $0x0, v12;
	v33 =	vnsel vm5, $0x0, v15  }
0x75: {  	v34 =	vnsel vm2, $0x0, v16;
	v36 =	vnsel vm6, $0x0, v18;
	v37 =	vnsel vm7, $0x0, v21  }
0x76: {  	v7 =	vnsel vm8, $0x0, v31;
	v9 =	vmul.f32 v32, v9;
	v38 =	vmul.f32 v10, v25  }
0x77: {  	v14 =	vnsel vm9, $0x0, v35;
	v10 =	vmul.f32 v32, v10;
	v39 =	vmul.f32 v11, v25  }
0x78: {  	v31 =	vadd.s32 $0xFFFFFFFF, v8;
	v11 =	vmul.f32 v32, v11;
	v40 =	vmul.f32 v33, v25  }
0x79: {  	vm15 =	vlt.s32 v60, $0x4F;
	v12 =	vmul.f32 v33, v32;
	v44 =	vmul.f32 v34, v25  }
0x7a: {  	vm7 =	vgt.s32 v55, $0xFFFFFFFF;
	v13 =	vmul.f32 v34, v32;
	v46 =	vmul.f32 v36, v25  }
0x7b: {  	vm8 =	vgt.s32 v26, $0xFFFFFFFF;
	v15 =	vmul.f32 v36, v32;
	v47 =	vmul.f32 v37, v25  }
0x7c: {  	vm9 =	vgt.s32 v28, $0xFFFFFFFF;
	v16 =	vmul.f32 v37, v32;
	v50 =	vmul.f32 v7, v25  }
0x7d: {  	v55 =	vadd.s32 $0x3C00, v4;
	v7 =	vmul.f32 v7, v32;
	v14 =	vmul.f32 v14, v25  }
0x7e: {  	vm13 =	vgt.s32 v31, $0x0;
	v62 =	vnsel vm15, $0x4F, v60;
	v33 =	vadd.s32 $0x3, v8  }
0x7f: {  	v34 =	vadd.s32 $0x4, v8;
	v36 =	vadd.s32 $0x5, v8;
	vm10 =	vgt.s32 v31, $0xFFFFFFFF  }
0x80: {  	v60 =	vtrunc.f32 v24;
	v59 =	vnsel vm13, $0x0, v31;
	v32 =	vshll.u32 v62, $0x7  }
0x81: {  	vm4 =	vlt.s32 v33, $0x4F;
	vm5 =	vlt.s32 v34, $0x4F;
	vm6 =	vlt.s32 v36, $0x4F  }
0x82: {  	vm13 =	vlt.s32 v33, $0x50;
	vm14 =	vlt.s32 v34, $0x50;
	v9 =	vadd.f32 v38, v9  }
0x83: {  	vm15 =	vlt.s32 v36, $0x50;
	v10 =	vadd.f32 v39, v10;
	v11 =	vadd.f32 v40, v11  }
0x84: {  	v26 =	vcvt.f32.s32 v60;
	v12 =	vadd.f32 v42, v12;
	v6 =	vadd.f32 v44, v6  }
0x85: {  	v62 =	vadd.s32 $0x4B00, v4;
	v13 =	vadd.f32 v46, v13;
	v15 =	vadd.f32 v47, v15  }
0x86: {  	v16 =	vadd.f32 v50, v16;
	v7 =	vadd.f32 v14, v7;
	v35 =	vnsel vm4, $0x4F, v33;
	[tilespmem:v4+s30+$0x0] =	vst.idx.msk $0xffff, v9  }
0x87: {  	v38 =	vnsel vm5, $0x4F, v34;
	v39 =	vnsel vm6, $0x4F, v36;
	v40 =	vcvt.s32.f32 v8;
	[tilespmem:v41+s30+$0x0] =	vst.idx.msk $0xffff, v10  }
0x88: {  	v8 =	vshll.u32 v8, $0x7;
	v37 =	vshll.u32 v35, $0x7;
	v19 =	vshll.u32 v39, $0x7;
	[tilespmem:v43+s30+$0x0] =	vst.idx.msk $0xffff, v11  }
0x89: {  	v8 =	vadd.s32 v3, v8;
	v36 =	vadd.s32 $0xFFFFFFFC, v26;
	v19 =	vadd.s32 v3, v19;
	[tilespmem:v45+s30+$0x0] =	vst.idx.msk $0xffff, v12  }
0x8a: {  	v60 =	vcvt.s32.f32 v26;
	v21 =	vsub.f32 v48, v40;
	v8 =	vor.u32 v2, v8;
	[tilespmem:v49+s30+$0x0] =	vst.idx.msk $0xffff, v6  }
0x8b: {  	vm4 =	vgt.s32 v36, $0x0;
	v10 =	vshll.u32 v59, $0x7;
	v19 =	vor.u32 v2, v19;
	[tilespmem:v52+s30+$0x0] =	vst.idx.msk $0xffff, v13  }
0x8c: {  	v59 =	vadd.s32 $0x4600, v4;
	v39 =	vnsel vm4, $0x0, v36;
	v10 =	vadd.s32 v3, v10;
	[tilespmem:v53+s30+$0x0] =	vst.idx.msk $0xffff, v15  }
0x8d: {  	v11 =	vshll.u32 v61, $0x7;
	v22 =	vsub.f32 $1.000000000e+00, v21;
	v63 =	vor.u32 v2, v10;
	[tilespmem:v54+s30+$0x0] =	vst.idx.msk $0xffff, v16  }
0x8e: {  	v28 =	vshll.u32 v39, $0x7;
	v39 =	vadd.s32 $0x6400, v4;
	v23 =	vadd.s32 v3, v11;
	[tilespmem:v56+s30+$0x0] =	vst.idx.msk $0xffff, v7  }
0x8f: {  	v11 =	vadd.s32 v3, v32;
	v28 =	vadd.s32 v3, v28;
	v10 =	vor.u32 v2, v23;
	v17 =	vld.idx.msk [tilespmem:v27+s21+$0x0], $0xffff  }
0x90: {  	v32 =	vadd.s32 $0xFFFFFFFF, v26;
	v11 =	vor.u32 v2, v11;
	v49 =	vadd.s32 $0x2D00, v4;
	v20 =	vld.idx.msk [tilespmem:v29+s21+$0x0], $0xffff  }
0x91: {  	v28 =	vor.u32 v2, v28;
	v7 =	vadd.s32 v3, v37;
	v37 =	vadd.s32 $0xFFFFFFFD, v26;
	v9 =	vld.idx.msk [tilespmem:v57+s21+$0x0], $0xffff  }
0x92: {  	vm4 =	vgt.s32 v32, $0xFFFFFFFF;
	v52 =	vadd.s32 $0x3200, v4;
	v6 =	vld.idx.msk [tilespmem:v63+s21+$0x0], $0xffff;
	vm5 =	vgt.s32 v37, $0x0  }
0x93: {  	v15 =	vshll.u32 v38, $0x7;
	v53 =	vadd.s32 $0x3700, v4;
	v8 =	vld.idx.msk [tilespmem:v8+s21+$0x0], $0xffff;
	v40 =	vnsel vm5, $0x0, v37  }
0x94: {  	v38 =	vadd.s32 $0x5500, v4;
	v15 =	vadd.s32 v3, v15;
	v10 =	vld.idx.msk [tilespmem:v10+s21+$0x0], $0xffff;
	v29 =	vshll.u32 v40, $0x7  }
0x95: {  	v15 =	vor.u32 v2, v15;
	v7 =	vor.u32 v2, v7;
	v11 =	vld.idx.msk [tilespmem:v11+s21+$0x0], $0xffff;
	v29 =	vadd.s32 v3, v29  }
0x96: {  	v19 =	vld.idx.msk [tilespmem:v19+s21+$0x0], $0xffff;
	v57 =	vadd.s32 $0x4100, v4;
	v63 =	vor.u32 $0x5000, v4;
	v29 =	vor.u32 v2, v29  }
0x97: {  	v42 =	vnsel vm7, $0x0, v17;
	v43 =	vnsel vm8, $0x0, v20;
	v9 =	vnsel vm9, $0x0, v9  }
0x98: {  	v6 =	vnsel vm10, $0x0, v6;
	v51 =	vmul.f32 v8, v21;
	v8 =	vmul.f32 v8, v22  }
0x99: {  	v10 =	vnsel vm11, $0x0, v10;
	v44 =	vmul.f32 v42, v22;
	v45 =	vmul.f32 v43, v21  }
0x9a: {  	v11 =	vnsel vm12, $0x0, v11;
	v47 =	vmul.f32 v43, v22;
	v48 =	vmul.f32 v9, v21  }
0x9b: {  	v46 =	vnsel vm15, $0x0, v19;
	v9 =	vmul.f32 v9, v22;
	v50 =	vmul.f32 v6, v21  }
0x9c: {  	v41 =	vld.idx.msk [tilespmem:v15+s21+$0x0], $0xffff;
	vm7 =	vgt.s32 v32, $0x0;
	v6 =	vmul.f32 v6, v22;
	v54 =	vmul.f32 v10, v21  }
0x9d: {  	v10 =	vmul.f32 v10, v22;
	v56 =	vmul.f32 v11, v21;
	v12 =	vadd.f32 v45, v44  }
0x9e: {  	v11 =	vmul.f32 v11, v22;
	v13 =	vadd.f32 v48, v47;
	v9 =	vadd.f32 v50, v9  }
0x9f: {  	v7 =	vld.idx.msk [tilespmem:v7+s21+$0x0], $0xffff;
	v15 =	vmul.f32 v46, v21;
	v6 =	vadd.f32 v51, v6;
	v8 =	vadd.f32 v54, v8  }
0xa0: {  	v10 =	vadd.f32 v56, v10;
	v44 =	vadd.s32 $0x1, v26;
	v45 =	vnsel vm7, $0x0, v32  }
0xa1: {  	v48 =	vadd.s32 $0x2, v26;
	v54 =	vadd.s32 $0x4, v26;
	v14 =	vnsel vm14, $0x0, v41  }
0xa2: {  	v41 =	vadd.s32 $0xFFFFFFFE, v26;
	vm8 =	vlt.s32 v44, $0x27;
	v46 =	vshll.u32 v45, $0x7  }
0xa3: {  	vm9 =	vlt.s32 v48, $0x27;
	vm11 =	vlt.s32 v54, $0x27;
	vm14 =	vgt.s32 v37, $0xFFFFFFFF  }
0xa4: {  	vm5 =	vlt.s32 v44, $0x28;
	v37 =	vadd.s32 $0x5F00, v4;
	v7 =	vnsel vm13, $0x0, v7  }
0xa5: {  	v61 =	vmul.f32 v14, v21;
	v14 =	vmul.f32 v14, v22;
	vm6 =	vgt.s32 v41, $0x0  }
0xa6: {  	[tilespmem:v49+s30+$0x0] =	vst.idx.msk $0xffff, v12;
	v47 =	vnsel vm8, $0x27, v44;
	v49 =	vadd.s32 v3, v46;
	vm13 =	vgt.s32 v36, $0xFFFFFFFF  }
0xa7: {  	vm15 =	vgt.s32 v41, $0xFFFFFFFF;
	vm8 =	vlt.s32 v54, $0x28;
	v36 =	vadd.s32 $0x5A00, v4  }
0xa8: {  	v44 =	vadd.s32 $0x6E00, v4;
	v46 =	vtrunc.f32 v5;
	v58 =	vmul.f32 v7, v21  }
0xa9: {  	v7 =	vmul.f32 v7, v22;
	v42 =	vnsel vm6, $0x0, v41;
	v50 =	vshll.u32 v47, $0x7  }
0xaa: {  	[tilespmem:v52+s30+$0x0] =	vst.idx.msk $0xffff, v13;
	v52 =	vnsel vm9, $0x27, v48;
	v21 =	vsub.f32 v24, v60;
	vm6 =	vlt.s32 v48, $0x28  }
0xab: {  	v47 =	vadd.s32 $0x7300, v4;
	v48 =	vor.u32 $0x7800, v4;
	v14 =	vadd.f32 v15, v14  }
0xac: {  	v31 =	vshll.u32 v42, $0x7;
	[tilespmem:v53+s30+$0x0] =	vst.idx.msk $0xffff, v9;
	v51 =	vadd.s32 v3, v50;
	v9 =	vshll.u32 v52, $0x7  }
0xad: {  	v53 =	vadd.s32 $0x3, v26;
	v42 =	vadd.s32 $0x6900, v4;
	v50 =	vadd.s32 $0x7D00, v4  }
0xae: {  	v11 =	vadd.f32 v58, v11;
	v7 =	vadd.f32 v61, v7;
	v43 =	vadd.s32 v3, v31  }
0xaf: {  	[tilespmem:v55+s30+$0x0] =	vst.idx.msk $0xffff, v6;
	v6 =	vor.u32 v2, v49;
	v9 =	vadd.s32 v3, v9;
	vm10 =	vlt.s32 v53, $0x27  }
0xb0: {  	v58 =	vadd.s32 $0x5, v26;
	v61 =	vshll.u32 v26, $0x7;
	vm7 =	vlt.s32 v53, $0x28  }
0xb1: {  	v26 =	vcvt.f32.s32 v46;
	v46 =	vadd.s32 $0x8C00, v4;
	v12 =	vor.u32 v2, v43  }
0xb2: {  	[tilespmem:v57+s30+$0x0] =	vst.idx.msk $0xffff, v8;
	v8 =	vor.u32 v2, v51;
	v55 =	vor.u32 v2, v9;
	v56 =	vnsel vm10, $0x27, v53  }
0xb3: {  	v57 =	vnsel vm11, $0x27, v54;
	vm12 =	vlt.s32 v58, $0x27;
	v23 =	vadd.s32 v3, v61;
	[tilespmem:v59+s30+$0x0] =	vst.idx.msk $0xffff, v10  }
0xb4: {  	vm9 =	vlt.s32 v58, $0x28;
	v53 =	vadd.s32 $0x8200, v4;
	v9 =	vshll.u32 v56, $0x7;
	[tilespmem:v62+s30+$0x0] =	vst.idx.msk $0xffff, v11  }
0xb5: {  	v13 =	vshll.u32 v57, $0x7;
	v59 =	vnsel vm12, $0x27, v58;
	v49 =	vadd.s32 $0xFFFFFFFC, v26;
	[tilespmem:v63+s30+$0x0] =	vst.idx.msk $0xffff, v7  }
0xb6: {  	v51 =	vadd.s32 $0xFFFFFFFD, v26;
	v57 =	vadd.s32 $0xFFFFFFFE, v26;
	v60 =	vadd.s32 $0xFFFFFFFF, v26;
	[tilespmem:v38+s30+$0x0] =	vst.idx.msk $0xffff, v14  }
0xb7: {  	v24 =	vadd.s32 $0x2, v26;
	v9 =	vadd.s32 v3, v9;
	v13 =	vadd.s32 v3, v13;
	v16 =	vld.idx.msk [tilespmem:v28+s22+$0x0], $0xffff  }
0xb8: {  	v20 =	vshll.u32 v59, $0x7;
	v62 =	vor.u32 v2, v23;
	vm10 =	vgt.s32 v49, $0x0;
	v19 =	vld.idx.msk [tilespmem:v29+s22+$0x0], $0xffff  }
0xb9: {  	vm11 =	vgt.s32 v51, $0x0;
	vm12 =	vgt.s32 v57, $0x0;
	v9 =	vor.u32 v2, v9;
	v12 =	vld.idx.msk [tilespmem:v12+s22+$0x0], $0xffff  }
0xba: {  	v13 =	vor.u32 v2, v13;
	v20 =	vadd.s32 v3, v20;
	v63 =	vsub.f32 $1.000000000e+00, v21;
	v6 =	vld.idx.msk [tilespmem:v6+s22+$0x0], $0xffff  }
0xbb: {  	v52 =	vnsel vm10, $0x0, v49;
	v54 =	vnsel vm11, $0x0, v51;
	v59 =	vnsel vm12, $0x0, v57;
	v8 =	vld.idx.msk [tilespmem:v8+s22+$0x0], $0xffff  }
0xbc: {  	vm10 =	vgt.s32 v60, $0xFFFFFFFF;
	vm12 =	vlt.s32 v24, $0x14;
	v20 =	vor.u32 v2, v20;
	v7 =	vld.idx.msk [tilespmem:v55+s22+$0x0], $0xffff  }
0xbd: {  	v56 =	vshll.u32 v54, $0x7;
	v61 =	vshll.u32 v59, $0x7;
	v29 =	vld.idx.msk [tilespmem:v62+s22+$0x0], $0xffff;
	v62 =	vadd.s32 $0x1, v26  }
0xbe: {  	v54 =	vor.u32 $0xA000, v4;
	v59 =	vadd.s32 $0xAA00, v4;
	vm11 =	vlt.s32 v62, $0x14  }
0xbf: {  	v16 =	vnsel vm13, $0x0, v16;
	v19 =	vnsel vm14, $0x0, v19;
	v12 =	vnsel vm15, $0x0, v12  }
0xc0: {  	v6 =	vnsel vm4, $0x0, v6;
	v8 =	vnsel vm5, $0x0, v8;
	v30 =	vmul.f32 v16, v63  }
0xc1: {  	v7 =	vnsel vm6, $0x0, v7;
	v31 =	vmul.f32 v19, v21;
	v33 =	vmul.f32 v19, v63  }
0xc2: {  	vm13 =	vgt.s32 v60, $0x0;
	v34 =	vmul.f32 v12, v21;
	v12 =	vmul.f32 v12, v63  }
0xc3: {  	v13 =	vld.idx.msk [tilespmem:v13+s22+$0x0], $0xffff;
	vm14 =	vlt.s32 v62, $0x13;
	v35 =	vmul.f32 v6, v21;
	v6 =	vmul.f32 v6, v63  }
0xc4: {  	v9 =	vld.idx.msk [tilespmem:v9+s22+$0x0], $0xffff;
	vm15 =	vlt.s32 v24, $0x13;
	v40 =	vmul.f32 v8, v21;
	v8 =	vmul.f32 v8, v63  }
0xc5: {  	vm6 =	vgt.s32 v49, $0xFFFFFFFF;
	v41 =	vmul.f32 v7, v21;
	v7 =	vmul.f32 v7, v63  }
0xc6: {  	v28 =	vld.idx.msk [tilespmem:v20+s22+$0x0], $0xffff;
	v19 =	vnsel vm14, $0x13, v62;
	v27 =	vnsel vm15, $0x13, v24;
	v38 =	vmul.f32 v29, v21  }
0xc7: {  	v10 =	vmul.f32 v29, v63;
	v23 =	vshll.u32 v19, $0x7;
	v29 =	vadd.s32 $0x4, v26  }
0xc8: {  	v11 =	vnsel vm8, $0x0, v13;
	v13 =	vadd.f32 v31, v30;
	v16 =	vadd.f32 v34, v33  }
0xc9: {  	v9 =	vnsel vm7, $0x0, v9;
	v12 =	vadd.f32 v35, v12;
	v8 =	vadd.f32 v41, v8  }
0xca: {  	vm5 =	vlt.s32 v29, $0x13;
	vm7 =	vgt.s32 v51, $0xFFFFFFFF;
	v33 =	vshll.u32 v26, $0x7  }
0xcb: {  	v34 =	vadd.s32 $0x5, v26;
	vm14 =	vlt.s32 v29, $0x14;
	v32 =	vnsel vm9, $0x0, v28  }
0xcc: {  	v6 =	vadd.f32 v38, v6;
	v43 =	vmul.f32 v9, v21;
	v9 =	vmul.f32 v9, v63  }
0xcd: {  	v10 =	vadd.f32 v40, v10;
	v45 =	vmul.f32 v11, v21;
	v11 =	vmul.f32 v11, v63  }
0xce: {  	v63 =	vnsel vm13, $0x0, v60;
	v28 =	vadd.s32 $0x3, v26;
	v15 =	vmul.f32 v32, v21;
	[tilespmem:v36+s30+$0x0] =	vst.idx.msk $0xffff, v13  }
0xcf: {  	v31 =	vnsel vm5, $0x13, v29;
	v17 =	vshll.u32 v63, $0x7;
	v7 =	vadd.f32 v43, v7;
	[tilespmem:v37+s30+$0x0] =	vst.idx.msk $0xffff, v16  }
0xd0: {  	v9 =	vadd.f32 v45, v9;
	v11 =	vadd.f32 v15, v11;
	v15 =	vshll.u32 v52, $0x7;
	[tilespmem:v39+s30+$0x0] =	vst.idx.msk $0xffff, v12  }
0xd1: {  	vm4 =	vlt.s32 v28, $0x13;
	v20 =	vadd.s32 v3, v17;
	v55 =	vadd.s32 v3, v15;
	[tilespmem:v42+s30+$0x0] =	vst.idx.msk $0xffff, v6  }
0xd2: {  	v30 =	vnsel vm4, $0x13, v28;
	v15 =	vadd.s32 v3, v56;
	v13 =	vor.u32 v2, v55;
	[tilespmem:v44+s30+$0x0] =	vst.idx.msk $0xffff, v10  }
0xd3: {  	v17 =	vshll.u32 v30, $0x7;
	v6 =	vadd.s32 v3, v61;
	v58 =	vor.u32 v2, v15;
	[tilespmem:v47+s30+$0x0] =	vst.idx.msk $0xffff, v8  }
0xd4: {  	v19 =	vshll.u32 v31, $0x7;
	v17 =	vadd.s32 v3, v17;
	v6 =	vor.u32 v2, v6;
	[tilespmem:v48+s30+$0x0] =	vst.idx.msk $0xffff, v7  }
0xd5: {  	vm8 =	vlt.s32 v34, $0x13;
	v19 =	vadd.s32 v3, v19;
	v17 =	vor.u32 v2, v17;
	[tilespmem:v50+s30+$0x0] =	vst.idx.msk $0xffff, v9  }
0xd6: {  	vm9 =	vgt.s32 v57, $0xFFFFFFFF;
	vm15 =	vlt.s32 v34, $0x14;
	v19 =	vor.u32 v2, v19;
	[tilespmem:v53+s30+$0x0] =	vst.idx.msk $0xffff, v11  }
0xd7: {  	v32 =	vcvt.s32.f32 v26;
	v8 =	vadd.s32 v3, v23;
	v7 =	vor.u32 v2, v20;
	v13 =	vld.idx.msk [tilespmem:v13+s23+$0x0], $0xffff  }
0xd8: {  	v36 =	vnsel vm8, $0x13, v34;
	v8 =	vor.u32 v2, v8;
	v20 =	vadd.s32 v3, v33;
	v12 =	vld.idx.msk [tilespmem:v58+s23+$0x0], $0xffff  }
0xd9: {  	vm13 =	vlt.s32 v28, $0x14;
	v9 =	vshll.u32 v27, $0x7;
	v35 =	vor.u32 v2, v20;
	v6 =	vld.idx.msk [tilespmem:v6+s23+$0x0], $0xffff  }
0xda: {  	v38 =	vshll.u32 v36, $0x7;
	v5 =	vsub.f32 v5, v32;
	v9 =	vadd.s32 v3, v9;
	v37 =	vld.idx.msk [tilespmem:v17+s23+$0x0], $0xffff  }
0xdb: {  	v43 =	vadd.s32 $0x8700, v4;
	v52 =	vadd.s32 $0x9B00, v4;
	v9 =	vor.u32 v2, v9;
	v19 =	vld.idx.msk [tilespmem:v19+s23+$0x0], $0xffff  }
0xdc: {  	v39 =	vsub.f32 $1.000000000e+00, v5;
	v48 =	vadd.s32 $0x9100, v4;
	v3 =	vadd.s32 v3, v38;
	v7 =	vld.idx.msk [tilespmem:v7+s23+$0x0], $0xffff  }
0xdd: {  	v50 =	vadd.s32 $0x9600, v4;
	v3 =	vor.u32 v2, v3;
	v8 =	vld.idx.msk [tilespmem:v8+s23+$0x0], $0xffff;
	v13 =	vnsel vm6, $0x0, v13  }
0xde: {  	v40 =	vld.idx.msk [tilespmem:v35+s23+$0x0], $0xffff;
	v12 =	vnsel vm7, $0x0, v12;
	v6 =	vnsel vm9, $0x0, v6;
	v41 =	vmul.f32 v13, v39  }
0xdf: {  	v16 =	vnsel vm13, $0x0, v37;
	v42 =	vmul.f32 v12, v5;
	v12 =	vmul.f32 v12, v39  }
0xe0: {  	v9 =	vld.idx.msk [tilespmem:v9+s23+$0x0], $0xffff;
	v45 =	vnsel vm14, $0x0, v19;
	v44 =	vmul.f32 v6, v5;
	v6 =	vmul.f32 v6, v39  }
0xe1: {  	v58 =	vmul.f32 v16, v5;
	v60 =	vmul.f32 v16, v39;
	v7 =	vnsel vm10, $0x0, v7  }
0xe2: {  	v61 =	vmul.f32 v45, v5;
	v8 =	vnsel vm11, $0x0, v8;
	v47 =	vmul.f32 v7, v5  }
0xe3: {  	v3 =	vld.idx.msk [tilespmem:v3+s23+$0x0], $0xffff;
	v11 =	vadd.f32 v42, v41;
	v7 =	vmul.f32 v7, v39;
	v49 =	vmul.f32 v40, v5  }
0xe4: {  	v12 =	vadd.f32 v44, v12;
	v10 =	vmul.f32 v40, v39;
	v51 =	vmul.f32 v8, v5  }
0xe5: {  	v8 =	vmul.f32 v8, v39;
	v9 =	vnsel vm12, $0x0, v9;
	[tilespmem:v43+s30+$0x0] =	vst.idx.msk $0xffff, v11;
	v6 =	vadd.f32 v47, v6  }
0xe6: {  	v56 =	vadd.s32 $0xA500, v4;
	v7 =	vadd.f32 v49, v7;
	v53 =	vmul.f32 v9, v5;
	[tilespmem:v46+s30+$0x0] =	vst.idx.msk $0xffff, v12  }
0xe7: {  	v4 =	vadd.s32 $0xAF00, v4;
	v55 =	vadd.f32 v51, v10;
	v57 =	vmul.f32 v9, v39;
	[tilespmem:v48+s30+$0x0] =	vst.idx.msk $0xffff, v6  }
0xe8: {  	p0 =	sne.s32 s12, $0x70;
	v62 =	vmul.f32 v45, v39;
	v3 =	vnsel vm15, $0x0, v3;
	v8 =	vadd.f32 v53, v8;
	[tilespmem:v50+s30+$0x0] =	vst.idx.msk $0xffff, v7  }
.Ltmp0:
0xe9: {  	v3 =	vmul.f32 v3, v5;
	v7 =	vadd.f32 v58, v57;
	[tilespmem:v52+s30+$0x0] =	vst.idx.msk $0xffff, v55;
	(pc) =	sbr.rel @p0 .LBB2_3-.Ltmp0, $4  }
0xea: {  	v63 =	vadd.f32 v61, v60;
	[tilespmem:v54+s30+$0x0] =	vst.idx.msk $0xffff, v8  }
0xeb: {  	v3 =	vadd.f32 v3, v62;
	[tilespmem:v56+s30+$0x0] =	vst.idx.msk $0xffff, v7  }
0xec: {  	[tilespmem:v59+s30+$0x0] =	vst.idx.msk $0xffff, v63  }
0xed: {  	s8 =	sadd.s32 $0x10, s8;
	s12 =	sadd.s32 $0x10, s12;
	[tilespmem:v4+s30+$0x0] =	vst.idx.msk $0xffff, v3  }
0xee: {  	p0 =	seq.s32 s9, $0x13  }
0xef: {  	s0 =	sadd.s32 @!p0 s11, s13  }
0xf0: {  	s0 =	sshll.u32 @!p0 s0, $0x7  }
0xf1: {  	s8 =	simm.s32 @!p0 $0x400;
	s0 =	sand.u32 @!p0 $0x1FFFFF00, s0  }
0xf2: {  	s11 =	simm.s32 @!p0 $0x140000;
	s12 =	simm.s32 @!p0 $0x1400;
	s4 =	sadd.s32 @!p0 s1, s0  }
0xf3: {  	[tilespmem:s12], [sflag:$0x1] =	stream.strided.gather @!p0 [hbm4b:s4+s8], $0x5000, s11, s8, $0x38;
	[tilespmem:$0x1F800] =	vst v63  }
0xf4: {  	s4 =	sadd.s32 @!p0 s2, s0;
	s12 =	simm.s32 @!p0 $0x6400  }
0xf5: {  	[tilespmem:s12], [sflag:$0x1] =	stream.strided.gather @!p0 [hbm4b:s4+s8], $0x2800, s11, s8, $0x38;
	[tilespmem:$0x1F800] =	vst v63  }
0xf6: {  	s4 =	sadd.s32 @!p0 s3, s0;
	s12 =	simm.s32 @!p0 $0x8C00  }
0xf7: {  	[tilespmem:s12], [sflag:$0x1] =	stream.strided.gather @!p0 [hbm4b:s4+s8], $0x1400, s11, s8, $0x38;
	[tilespmem:$0x1F800] =	vst v63  }
0xf8: {  	s0 =	sadd.s32 @!p0 s6, s0;
	s4 =	simm.s32 @!p0 $0xA000  }
0xf9: {  	[tilespmem:s4], [sflag:$0x1] =	stream.strided.gather @!p0 [hbm4b:s0+s8], $0xC00, s11, s8, $0x38;
	[tilespmem:$0x1F800] =	vst v63  }
0xfa: {  	_ =	swait.ge [sflag:s31], $0x5000  }
0xfb: {  	[sflag:s31] =	ssyncset.done $0x0  }
0xfc: {  	[sflag:s31] =	ssyncadd.s32 $0xFFFFB000  }
0xfd: {  	_ =	swait.ge [sflag:s31], $0x2800  }
0xfe: {  	[sflag:s31] =	ssyncset.done $0x0  }
0xff: {  	[sflag:s31] =	ssyncadd.s32 $0xFFFFD800  }
0x100: {  	_ =	swait.ge [sflag:s31], $0x1400  }
0x101: {  	[sflag:s31] =	ssyncset.done $0x0  }
0x102: {  	[sflag:s31] =	ssyncadd.s32 $0xFFFFEC00  }
0x103: {  	_ =	swait.ge [sflag:s31], $0xC00  }
0x104: {  	[sflag:s31] =	ssyncset.done $0x0  }
0x105: {  	s11 =	simm.s32 $0x0;
	s8 =	smov.u32 s16;
	[sflag:s31] =	ssyncadd.s32 $0xFFFFF400  }
.LBB2_5:
0x106: {  	s0 =	smulhi.u32 $0xCCCCCCCD, s8;
	_ =	sdelay $0x1  }
0x107: {  	s0 =	sshrl.u32 s0, $0x7  }
0x108: {  	s4 =	sadd.s32 s11, s16;
	s0 =	smul.u32 $0xA0, s0  }
0x109: {  	s4 =	smulhi.u32 $0xCCCCCCCD, s4  }
0x10a: {  	s0 =	ssub.s32 s16, s0  }
0x10b: {  	s12 =	sshrl.u32 s4, $0x7;
	s0 =	sadd.s32 s0, s11  }
0x10c: {  	v3 =	vmov s12;
	v4 =	vor.u32 s0, v0  }
0x10d: {  	v5 =	vand.u32 $0xFFFFF8, v3;
	v6 =	vshll.u32 v4, $0x5  }
0x10e: {  	v3 =	vand.u32 $0x7, v3;
	v5 =	vadd.s32 v5, v6  }
0x10f: {  	v3 =	vor.u32 v3, v5;
	_ =	sdelay $0x4  }
0x110: {  	v5 =	vld.idx.msk [tilespmem:v3+s5+$0x0], $0xffff  }
0x111: {  	s17 =	sand.u32 $0x7, s12;
	v4 =	vshll.u32 v4, $0x3  }
0x112: {  	v4 =	vor.u32 s17, v4  }
0x113: {  	v41 =	vadd.s32 $0x500, v4  }
0x114: {  	v43 =	vadd.s32 $0xA00, v4;
	v45 =	vadd.s32 $0xF00, v4;
	v49 =	vadd.s32 $0x1400, v4  }
0x115: {  	v52 =	vadd.s32 $0x1900, v4;
	v3 =	vtrunc.f32 v5;
	v48 =	vmul.f32 $5.000000000e-01, v5  }
0x116: {  	v53 =	vadd.s32 $0x1E00, v4;
	v54 =	vadd.s32 $0x2300, v4;
	v30 =	vcvt.f32.s32 v3  }
0x117: {  	v56 =	vor.u32 $0x2800, v4;
	v3 =	vor.u32 s11, v1;
	v51 =	vtrunc.f32 v48  }
0x118: {  	v7 =	vadd.s32 $0xFFFFFFFC, v30;
	v8 =	vadd.s32 $0xFFFFFFFD, v30;
	v11 =	vadd.s32 $0xFFFFFFFE, v30  }
0x119: {  	v13 =	vadd.s32 $0xFFFFFFFF, v30;
	v14 =	vadd.s32 $0x1, v30;
	v17 =	vadd.s32 $0x2, v30  }
0x11a: {  	v19 =	vadd.s32 $0x3, v30;
	v20 =	vadd.s32 $0x4, v30;
	v23 =	vadd.s32 $0x5, v30  }
0x11b: {  	v25 =	vcvt.s32.f32 v30;
	v6 =	vshll.u32 v30, $0x7;
	vm0 =	vgt.s32 v7, $0x0  }
0x11c: {  	vm7 =	vgt.s32 v8, $0x0;
	vm8 =	vgt.s32 v11, $0x0;
	vm9 =	vgt.s32 v13, $0x0  }
0x11d: {  	vm10 =	vlt.s32 v14, $0x9F;
	vm11 =	vlt.s32 v17, $0x9F;
	vm12 =	vlt.s32 v19, $0x9F  }
0x11e: {  	vm13 =	vlt.s32 v20, $0x9F;
	vm14 =	vlt.s32 v23, $0x9F;
	v6 =	vadd.s32 v3, v6  }
0x11f: {  	vm15 =	vgt.s32 v7, $0xFFFFFFFF;
	vm1 =	vgt.s32 v8, $0xFFFFFFFF;
	vm4 =	vgt.s32 v11, $0xFFFFFFFF  }
0x120: {  	vm5 =	vgt.s32 v13, $0xFFFFFFFF;
	vm2 =	vlt.s32 v14, $0xA0;
	vm6 =	vlt.s32 v17, $0xA0  }
0x121: {  	v9 =	vnsel vm0, $0x0, v7;
	v10 =	vnsel vm7, $0x0, v8;
	v12 =	vnsel vm8, $0x0, v11  }
0x122: {  	v15 =	vnsel vm9, $0x0, v13;
	v16 =	vnsel vm10, $0x9F, v14;
	v18 =	vnsel vm11, $0x9F, v17  }
0x123: {  	v21 =	vnsel vm12, $0x9F, v19;
	v22 =	vnsel vm13, $0x9F, v20;
	v24 =	vnsel vm14, $0x9F, v23  }
0x124: {  	v25 =	vsub.f32 v5, v25;
	v6 =	vor.u32 v2, v6;
	vm7 =	vlt.s32 v19, $0xA0  }
0x125: {  	vm8 =	vlt.s32 v20, $0xA0;
	vm9 =	vlt.s32 v23, $0xA0;
	v8 =	vcvt.f32.s32 v51  }
0x126: {  	v9 =	vshll.u32 v9, $0x7;
	v10 =	vshll.u32 v10, $0x7;
	v12 =	vshll.u32 v12, $0x7  }
0x127: {  	v15 =	vshll.u32 v15, $0x7;
	v16 =	vshll.u32 v16, $0x7;
	v18 =	vshll.u32 v18, $0x7  }
0x128: {  	v21 =	vshll.u32 v21, $0x7;
	v22 =	vshll.u32 v22, $0x7;
	v24 =	vshll.u32 v24, $0x7  }
0x129: {  	v9 =	vadd.s32 v3, v9;
	v10 =	vadd.s32 v3, v10;
	v12 =	vadd.s32 v3, v12  }
0x12a: {  	v15 =	vadd.s32 v3, v15;
	v16 =	vadd.s32 v3, v16;
	v9 =	vor.u32 v2, v9  }
0x12b: {  	v18 =	vadd.s32 v3, v18;
	v21 =	vadd.s32 v3, v21;
	v10 =	vor.u32 v2, v10  }
0x12c: {  	v22 =	vadd.s32 v3, v22;
	v24 =	vadd.s32 v3, v24;
	v12 =	vor.u32 v2, v12  }
0x12d: {  	v32 =	vsub.f32 $1.000000000e+00, v25;
	v55 =	vadd.s32 $0xFFFFFFFC, v8;
	v15 =	vor.u32 v2, v15  }
0x12e: {  	v26 =	vadd.s32 $0xFFFFFFFD, v8;
	v28 =	vadd.s32 $0xFFFFFFFE, v8;
	v16 =	vor.u32 v2, v16;
	v6 =	vld.idx.msk [tilespmem:v6+s24+$0x0], $0xffff  }
0x12f: {  	v58 =	vadd.s32 $0x1, v8;
	v60 =	vadd.s32 $0x2, v8;
	v18 =	vor.u32 v2, v18;
	v9 =	vld.idx.msk [tilespmem:v9+s24+$0x0], $0xffff  }
0x130: {  	v21 =	vor.u32 v2, v21;
	v22 =	vor.u32 v2, v22;
	v24 =	vor.u32 v2, v24;
	v10 =	vld.idx.msk [tilespmem:v10+s24+$0x0], $0xffff  }
0x131: {  	vm10 =	vgt.s32 v55, $0x0;
	vm11 =	vgt.s32 v26, $0x0;
	vm12 =	vgt.s32 v28, $0x0;
	v12 =	vld.idx.msk [tilespmem:v12+s24+$0x0], $0xffff  }
0x132: {  	vm14 =	vlt.s32 v58, $0x4F;
	v27 =	vnsel vm10, $0x0, v55;
	v29 =	vnsel vm11, $0x0, v26;
	v15 =	vld.idx.msk [tilespmem:v15+s24+$0x0], $0xffff  }
0x133: {  	v30 =	vnsel vm12, $0x0, v28;
	v61 =	vnsel vm14, $0x4F, v58;
	vm11 =	vlt.s32 v58, $0x50;
	v16 =	vld.idx.msk [tilespmem:v16+s24+$0x0], $0xffff  }
0x134: {  	vm12 =	vlt.s32 v60, $0x50;
	v27 =	vshll.u32 v27, $0x7;
	v29 =	vshll.u32 v29, $0x7;
	v18 =	vld.idx.msk [tilespmem:v18+s24+$0x0], $0xffff  }
0x135: {  	v30 =	vshll.u32 v30, $0x7;
	v27 =	vadd.s32 v3, v27;
	v29 =	vadd.s32 v3, v29;
	v21 =	vld.idx.msk [tilespmem:v21+s24+$0x0], $0xffff  }
0x136: {  	v30 =	vadd.s32 v3, v30;
	v27 =	vor.u32 v2, v27;
	v29 =	vor.u32 v2, v29;
	v31 =	vld.idx.msk [tilespmem:v22+s24+$0x0], $0xffff  }
0x137: {  	v57 =	vor.u32 v2, v30;
	v35 =	vld.idx.msk [tilespmem:v24+s24+$0x0], $0xffff;
	v24 =	vmul.f32 $2.500000000e-01, v5;
	v5 =	vmul.f32 $1.250000000e-01, v5  }
0x138: {  	v42 =	vmul.f32 v6, v25;
	v6 =	vmul.f32 v6, v32;
	v9 =	vnsel vm15, $0x0, v9  }
0x139: {  	v10 =	vnsel vm1, $0x0, v10;
	v11 =	vnsel vm4, $0x0, v12;
	v33 =	vnsel vm5, $0x0, v15  }
0x13a: {  	v34 =	vnsel vm2, $0x0, v16;
	v36 =	vnsel vm6, $0x0, v18;
	v37 =	vnsel vm7, $0x0, v21  }
0x13b: {  	v7 =	vnsel vm8, $0x0, v31;
	v9 =	vmul.f32 v32, v9;
	v38 =	vmul.f32 v10, v25  }
0x13c: {  	v14 =	vnsel vm9, $0x0, v35;
	v10 =	vmul.f32 v32, v10;
	v39 =	vmul.f32 v11, v25  }
0x13d: {  	v31 =	vadd.s32 $0xFFFFFFFF, v8;
	v11 =	vmul.f32 v32, v11;
	v40 =	vmul.f32 v33, v25  }
0x13e: {  	vm15 =	vlt.s32 v60, $0x4F;
	v12 =	vmul.f32 v33, v32;
	v44 =	vmul.f32 v34, v25  }
0x13f: {  	vm7 =	vgt.s32 v55, $0xFFFFFFFF;
	v13 =	vmul.f32 v34, v32;
	v46 =	vmul.f32 v36, v25  }
0x140: {  	vm8 =	vgt.s32 v26, $0xFFFFFFFF;
	v15 =	vmul.f32 v36, v32;
	v47 =	vmul.f32 v37, v25  }
0x141: {  	vm9 =	vgt.s32 v28, $0xFFFFFFFF;
	v16 =	vmul.f32 v37, v32;
	v50 =	vmul.f32 v7, v25  }
0x142: {  	v55 =	vadd.s32 $0x3C00, v4;
	v7 =	vmul.f32 v7, v32;
	v14 =	vmul.f32 v14, v25  }
0x143: {  	vm13 =	vgt.s32 v31, $0x0;
	v62 =	vnsel vm15, $0x4F, v60;
	v33 =	vadd.s32 $0x3, v8  }
0x144: {  	v34 =	vadd.s32 $0x4, v8;
	v36 =	vadd.s32 $0x5, v8;
	vm10 =	vgt.s32 v31, $0xFFFFFFFF  }
0x145: {  	v60 =	vtrunc.f32 v24;
	v59 =	vnsel vm13, $0x0, v31;
	v32 =	vshll.u32 v62, $0x7  }
0x146: {  	vm4 =	vlt.s32 v33, $0x4F;
	vm5 =	vlt.s32 v34, $0x4F;
	vm6 =	vlt.s32 v36, $0x4F  }
0x147: {  	vm13 =	vlt.s32 v33, $0x50;
	vm14 =	vlt.s32 v34, $0x50;
	v9 =	vadd.f32 v38, v9  }
0x148: {  	vm15 =	vlt.s32 v36, $0x50;
	v10 =	vadd.f32 v39, v10;
	v11 =	vadd.f32 v40, v11  }
0x149: {  	v26 =	vcvt.f32.s32 v60;
	v12 =	vadd.f32 v42, v12;
	v6 =	vadd.f32 v44, v6  }
0x14a: {  	v62 =	vadd.s32 $0x4B00, v4;
	v13 =	vadd.f32 v46, v13;
	v15 =	vadd.f32 v47, v15  }
0x14b: {  	v16 =	vadd.f32 v50, v16;
	v7 =	vadd.f32 v14, v7;
	v35 =	vnsel vm4, $0x4F, v33;
	[tilespmem:v4+s30+$0x0] =	vst.idx.msk $0xffff, v9  }
0x14c: {  	v38 =	vnsel vm5, $0x4F, v34;
	v39 =	vnsel vm6, $0x4F, v36;
	v40 =	vcvt.s32.f32 v8;
	[tilespmem:v41+s30+$0x0] =	vst.idx.msk $0xffff, v10  }
0x14d: {  	v8 =	vshll.u32 v8, $0x7;
	v37 =	vshll.u32 v35, $0x7;
	v19 =	vshll.u32 v39, $0x7;
	[tilespmem:v43+s30+$0x0] =	vst.idx.msk $0xffff, v11  }
0x14e: {  	v8 =	vadd.s32 v3, v8;
	v36 =	vadd.s32 $0xFFFFFFFC, v26;
	v19 =	vadd.s32 v3, v19;
	[tilespmem:v45+s30+$0x0] =	vst.idx.msk $0xffff, v12  }
0x14f: {  	v60 =	vcvt.s32.f32 v26;
	v21 =	vsub.f32 v48, v40;
	v8 =	vor.u32 v2, v8;
	[tilespmem:v49+s30+$0x0] =	vst.idx.msk $0xffff, v6  }
0x150: {  	vm4 =	vgt.s32 v36, $0x0;
	v10 =	vshll.u32 v59, $0x7;
	v19 =	vor.u32 v2, v19;
	[tilespmem:v52+s30+$0x0] =	vst.idx.msk $0xffff, v13  }
0x151: {  	v59 =	vadd.s32 $0x4600, v4;
	v39 =	vnsel vm4, $0x0, v36;
	v10 =	vadd.s32 v3, v10;
	[tilespmem:v53+s30+$0x0] =	vst.idx.msk $0xffff, v15  }
0x152: {  	v11 =	vshll.u32 v61, $0x7;
	v22 =	vsub.f32 $1.000000000e+00, v21;
	v63 =	vor.u32 v2, v10;
	[tilespmem:v54+s30+$0x0] =	vst.idx.msk $0xffff, v16  }
0x153: {  	v28 =	vshll.u32 v39, $0x7;
	v39 =	vadd.s32 $0x6400, v4;
	v23 =	vadd.s32 v3, v11;
	[tilespmem:v56+s30+$0x0] =	vst.idx.msk $0xffff, v7  }
0x154: {  	v11 =	vadd.s32 v3, v32;
	v28 =	vadd.s32 v3, v28;
	v10 =	vor.u32 v2, v23;
	v17 =	vld.idx.msk [tilespmem:v27+s25+$0x0], $0xffff  }
0x155: {  	v32 =	vadd.s32 $0xFFFFFFFF, v26;
	v11 =	vor.u32 v2, v11;
	v49 =	vadd.s32 $0x2D00, v4;
	v20 =	vld.idx.msk [tilespmem:v29+s25+$0x0], $0xffff  }
0x156: {  	v28 =	vor.u32 v2, v28;
	v7 =	vadd.s32 v3, v37;
	v37 =	vadd.s32 $0xFFFFFFFD, v26;
	v9 =	vld.idx.msk [tilespmem:v57+s25+$0x0], $0xffff  }
0x157: {  	vm4 =	vgt.s32 v32, $0xFFFFFFFF;
	v52 =	vadd.s32 $0x3200, v4;
	v6 =	vld.idx.msk [tilespmem:v63+s25+$0x0], $0xffff;
	vm5 =	vgt.s32 v37, $0x0  }
0x158: {  	v15 =	vshll.u32 v38, $0x7;
	v53 =	vadd.s32 $0x3700, v4;
	v8 =	vld.idx.msk [tilespmem:v8+s25+$0x0], $0xffff;
	v40 =	vnsel vm5, $0x0, v37  }
0x159: {  	v38 =	vadd.s32 $0x5500, v4;
	v15 =	vadd.s32 v3, v15;
	v10 =	vld.idx.msk [tilespmem:v10+s25+$0x0], $0xffff;
	v29 =	vshll.u32 v40, $0x7  }
0x15a: {  	v15 =	vor.u32 v2, v15;
	v7 =	vor.u32 v2, v7;
	v11 =	vld.idx.msk [tilespmem:v11+s25+$0x0], $0xffff;
	v29 =	vadd.s32 v3, v29  }
0x15b: {  	v19 =	vld.idx.msk [tilespmem:v19+s25+$0x0], $0xffff;
	v57 =	vadd.s32 $0x4100, v4;
	v63 =	vor.u32 $0x5000, v4;
	v29 =	vor.u32 v2, v29  }
0x15c: {  	v42 =	vnsel vm7, $0x0, v17;
	v43 =	vnsel vm8, $0x0, v20;
	v9 =	vnsel vm9, $0x0, v9  }
0x15d: {  	v6 =	vnsel vm10, $0x0, v6;
	v51 =	vmul.f32 v8, v21;
	v8 =	vmul.f32 v8, v22  }
0x15e: {  	v10 =	vnsel vm11, $0x0, v10;
	v44 =	vmul.f32 v42, v22;
	v45 =	vmul.f32 v43, v21  }
0x15f: {  	v11 =	vnsel vm12, $0x0, v11;
	v47 =	vmul.f32 v43, v22;
	v48 =	vmul.f32 v9, v21  }
0x160: {  	v46 =	vnsel vm15, $0x0, v19;
	v9 =	vmul.f32 v9, v22;
	v50 =	vmul.f32 v6, v21  }
0x161: {  	v41 =	vld.idx.msk [tilespmem:v15+s25+$0x0], $0xffff;
	vm7 =	vgt.s32 v32, $0x0;
	v6 =	vmul.f32 v6, v22;
	v54 =	vmul.f32 v10, v21  }
0x162: {  	v10 =	vmul.f32 v10, v22;
	v56 =	vmul.f32 v11, v21;
	v12 =	vadd.f32 v45, v44  }
0x163: {  	v11 =	vmul.f32 v11, v22;
	v13 =	vadd.f32 v48, v47;
	v9 =	vadd.f32 v50, v9  }
0x164: {  	v7 =	vld.idx.msk [tilespmem:v7+s25+$0x0], $0xffff;
	v15 =	vmul.f32 v46, v21;
	v6 =	vadd.f32 v51, v6;
	v8 =	vadd.f32 v54, v8  }
0x165: {  	v10 =	vadd.f32 v56, v10;
	v44 =	vadd.s32 $0x1, v26;
	v45 =	vnsel vm7, $0x0, v32  }
0x166: {  	v48 =	vadd.s32 $0x2, v26;
	v54 =	vadd.s32 $0x4, v26;
	v14 =	vnsel vm14, $0x0, v41  }
0x167: {  	v41 =	vadd.s32 $0xFFFFFFFE, v26;
	vm8 =	vlt.s32 v44, $0x27;
	v46 =	vshll.u32 v45, $0x7  }
0x168: {  	vm9 =	vlt.s32 v48, $0x27;
	vm11 =	vlt.s32 v54, $0x27;
	vm14 =	vgt.s32 v37, $0xFFFFFFFF  }
0x169: {  	vm5 =	vlt.s32 v44, $0x28;
	v37 =	vadd.s32 $0x5F00, v4;
	v7 =	vnsel vm13, $0x0, v7  }
0x16a: {  	v61 =	vmul.f32 v14, v21;
	v14 =	vmul.f32 v14, v22;
	vm6 =	vgt.s32 v41, $0x0  }
0x16b: {  	[tilespmem:v49+s30+$0x0] =	vst.idx.msk $0xffff, v12;
	v47 =	vnsel vm8, $0x27, v44;
	v49 =	vadd.s32 v3, v46;
	vm13 =	vgt.s32 v36, $0xFFFFFFFF  }
0x16c: {  	vm15 =	vgt.s32 v41, $0xFFFFFFFF;
	vm8 =	vlt.s32 v54, $0x28;
	v36 =	vadd.s32 $0x5A00, v4  }
0x16d: {  	v44 =	vadd.s32 $0x6E00, v4;
	v46 =	vtrunc.f32 v5;
	v58 =	vmul.f32 v7, v21  }
0x16e: {  	v7 =	vmul.f32 v7, v22;
	v42 =	vnsel vm6, $0x0, v41;
	v50 =	vshll.u32 v47, $0x7  }
0x16f: {  	[tilespmem:v52+s30+$0x0] =	vst.idx.msk $0xffff, v13;
	v52 =	vnsel vm9, $0x27, v48;
	v21 =	vsub.f32 v24, v60;
	vm6 =	vlt.s32 v48, $0x28  }
0x170: {  	v47 =	vadd.s32 $0x7300, v4;
	v48 =	vor.u32 $0x7800, v4;
	v14 =	vadd.f32 v15, v14  }
0x171: {  	v31 =	vshll.u32 v42, $0x7;
	[tilespmem:v53+s30+$0x0] =	vst.idx.msk $0xffff, v9;
	v51 =	vadd.s32 v3, v50;
	v9 =	vshll.u32 v52, $0x7  }
0x172: {  	v53 =	vadd.s32 $0x3, v26;
	v42 =	vadd.s32 $0x6900, v4;
	v50 =	vadd.s32 $0x7D00, v4  }
0x173: {  	v11 =	vadd.f32 v58, v11;
	v7 =	vadd.f32 v61, v7;
	v43 =	vadd.s32 v3, v31  }
0x174: {  	[tilespmem:v55+s30+$0x0] =	vst.idx.msk $0xffff, v6;
	v6 =	vor.u32 v2, v49;
	v9 =	vadd.s32 v3, v9;
	vm10 =	vlt.s32 v53, $0x27  }
0x175: {  	v58 =	vadd.s32 $0x5, v26;
	v61 =	vshll.u32 v26, $0x7;
	vm7 =	vlt.s32 v53, $0x28  }
0x176: {  	v26 =	vcvt.f32.s32 v46;
	v46 =	vadd.s32 $0x8C00, v4;
	v12 =	vor.u32 v2, v43  }
0x177: {  	[tilespmem:v57+s30+$0x0] =	vst.idx.msk $0xffff, v8;
	v8 =	vor.u32 v2, v51;
	v55 =	vor.u32 v2, v9;
	v56 =	vnsel vm10, $0x27, v53  }
0x178: {  	v57 =	vnsel vm11, $0x27, v54;
	vm12 =	vlt.s32 v58, $0x27;
	v23 =	vadd.s32 v3, v61;
	[tilespmem:v59+s30+$0x0] =	vst.idx.msk $0xffff, v10  }
0x179: {  	vm9 =	vlt.s32 v58, $0x28;
	v53 =	vadd.s32 $0x8200, v4;
	v9 =	vshll.u32 v56, $0x7;
	[tilespmem:v62+s30+$0x0] =	vst.idx.msk $0xffff, v11  }
0x17a: {  	v13 =	vshll.u32 v57, $0x7;
	v59 =	vnsel vm12, $0x27, v58;
	v49 =	vadd.s32 $0xFFFFFFFC, v26;
	[tilespmem:v63+s30+$0x0] =	vst.idx.msk $0xffff, v7  }
0x17b: {  	v51 =	vadd.s32 $0xFFFFFFFD, v26;
	v57 =	vadd.s32 $0xFFFFFFFE, v26;
	v60 =	vadd.s32 $0xFFFFFFFF, v26;
	[tilespmem:v38+s30+$0x0] =	vst.idx.msk $0xffff, v14  }
0x17c: {  	v24 =	vadd.s32 $0x2, v26;
	v9 =	vadd.s32 v3, v9;
	v13 =	vadd.s32 v3, v13;
	v16 =	vld.idx.msk [tilespmem:v28+s26+$0x0], $0xffff  }
0x17d: {  	v20 =	vshll.u32 v59, $0x7;
	v62 =	vor.u32 v2, v23;
	vm10 =	vgt.s32 v49, $0x0;
	v19 =	vld.idx.msk [tilespmem:v29+s26+$0x0], $0xffff  }
0x17e: {  	vm11 =	vgt.s32 v51, $0x0;
	vm12 =	vgt.s32 v57, $0x0;
	v9 =	vor.u32 v2, v9;
	v12 =	vld.idx.msk [tilespmem:v12+s26+$0x0], $0xffff  }
0x17f: {  	v13 =	vor.u32 v2, v13;
	v20 =	vadd.s32 v3, v20;
	v63 =	vsub.f32 $1.000000000e+00, v21;
	v6 =	vld.idx.msk [tilespmem:v6+s26+$0x0], $0xffff  }
0x180: {  	v52 =	vnsel vm10, $0x0, v49;
	v54 =	vnsel vm11, $0x0, v51;
	v59 =	vnsel vm12, $0x0, v57;
	v8 =	vld.idx.msk [tilespmem:v8+s26+$0x0], $0xffff  }
0x181: {  	vm10 =	vgt.s32 v60, $0xFFFFFFFF;
	vm12 =	vlt.s32 v24, $0x14;
	v20 =	vor.u32 v2, v20;
	v7 =	vld.idx.msk [tilespmem:v55+s26+$0x0], $0xffff  }
0x182: {  	v56 =	vshll.u32 v54, $0x7;
	v61 =	vshll.u32 v59, $0x7;
	v29 =	vld.idx.msk [tilespmem:v62+s26+$0x0], $0xffff;
	v62 =	vadd.s32 $0x1, v26  }
0x183: {  	v54 =	vor.u32 $0xA000, v4;
	v59 =	vadd.s32 $0xAA00, v4;
	vm11 =	vlt.s32 v62, $0x14  }
0x184: {  	v16 =	vnsel vm13, $0x0, v16;
	v19 =	vnsel vm14, $0x0, v19;
	v12 =	vnsel vm15, $0x0, v12  }
0x185: {  	v6 =	vnsel vm4, $0x0, v6;
	v8 =	vnsel vm5, $0x0, v8;
	v30 =	vmul.f32 v16, v63  }
0x186: {  	v7 =	vnsel vm6, $0x0, v7;
	v31 =	vmul.f32 v19, v21;
	v33 =	vmul.f32 v19, v63  }
0x187: {  	vm13 =	vgt.s32 v60, $0x0;
	v34 =	vmul.f32 v12, v21;
	v12 =	vmul.f32 v12, v63  }
0x188: {  	v13 =	vld.idx.msk [tilespmem:v13+s26+$0x0], $0xffff;
	vm14 =	vlt.s32 v62, $0x13;
	v35 =	vmul.f32 v6, v21;
	v6 =	vmul.f32 v6, v63  }
0x189: {  	v9 =	vld.idx.msk [tilespmem:v9+s26+$0x0], $0xffff;
	vm15 =	vlt.s32 v24, $0x13;
	v40 =	vmul.f32 v8, v21;
	v8 =	vmul.f32 v8, v63  }
0x18a: {  	vm6 =	vgt.s32 v49, $0xFFFFFFFF;
	v41 =	vmul.f32 v7, v21;
	v7 =	vmul.f32 v7, v63  }
0x18b: {  	v28 =	vld.idx.msk [tilespmem:v20+s26+$0x0], $0xffff;
	v19 =	vnsel vm14, $0x13, v62;
	v27 =	vnsel vm15, $0x13, v24;
	v38 =	vmul.f32 v29, v21  }
0x18c: {  	v10 =	vmul.f32 v29, v63;
	v23 =	vshll.u32 v19, $0x7;
	v29 =	vadd.s32 $0x4, v26  }
0x18d: {  	v11 =	vnsel vm8, $0x0, v13;
	v13 =	vadd.f32 v31, v30;
	v16 =	vadd.f32 v34, v33  }
0x18e: {  	v9 =	vnsel vm7, $0x0, v9;
	v12 =	vadd.f32 v35, v12;
	v8 =	vadd.f32 v41, v8  }
0x18f: {  	vm5 =	vlt.s32 v29, $0x13;
	vm7 =	vgt.s32 v51, $0xFFFFFFFF;
	v33 =	vshll.u32 v26, $0x7  }
0x190: {  	v34 =	vadd.s32 $0x5, v26;
	vm14 =	vlt.s32 v29, $0x14;
	v32 =	vnsel vm9, $0x0, v28  }
0x191: {  	v6 =	vadd.f32 v38, v6;
	v43 =	vmul.f32 v9, v21;
	v9 =	vmul.f32 v9, v63  }
0x192: {  	v10 =	vadd.f32 v40, v10;
	v45 =	vmul.f32 v11, v21;
	v11 =	vmul.f32 v11, v63  }
0x193: {  	v63 =	vnsel vm13, $0x0, v60;
	v28 =	vadd.s32 $0x3, v26;
	v15 =	vmul.f32 v32, v21;
	[tilespmem:v36+s30+$0x0] =	vst.idx.msk $0xffff, v13  }
0x194: {  	v31 =	vnsel vm5, $0x13, v29;
	v17 =	vshll.u32 v63, $0x7;
	v7 =	vadd.f32 v43, v7;
	[tilespmem:v37+s30+$0x0] =	vst.idx.msk $0xffff, v16  }
0x195: {  	v9 =	vadd.f32 v45, v9;
	v11 =	vadd.f32 v15, v11;
	v15 =	vshll.u32 v52, $0x7;
	[tilespmem:v39+s30+$0x0] =	vst.idx.msk $0xffff, v12  }
0x196: {  	vm4 =	vlt.s32 v28, $0x13;
	v20 =	vadd.s32 v3, v17;
	v55 =	vadd.s32 v3, v15;
	[tilespmem:v42+s30+$0x0] =	vst.idx.msk $0xffff, v6  }
0x197: {  	v30 =	vnsel vm4, $0x13, v28;
	v15 =	vadd.s32 v3, v56;
	v13 =	vor.u32 v2, v55;
	[tilespmem:v44+s30+$0x0] =	vst.idx.msk $0xffff, v10  }
0x198: {  	v17 =	vshll.u32 v30, $0x7;
	v6 =	vadd.s32 v3, v61;
	v58 =	vor.u32 v2, v15;
	[tilespmem:v47+s30+$0x0] =	vst.idx.msk $0xffff, v8  }
0x199: {  	v19 =	vshll.u32 v31, $0x7;
	v17 =	vadd.s32 v3, v17;
	v6 =	vor.u32 v2, v6;
	[tilespmem:v48+s30+$0x0] =	vst.idx.msk $0xffff, v7  }
0x19a: {  	vm8 =	vlt.s32 v34, $0x13;
	v19 =	vadd.s32 v3, v19;
	v17 =	vor.u32 v2, v17;
	[tilespmem:v50+s30+$0x0] =	vst.idx.msk $0xffff, v9  }
0x19b: {  	vm9 =	vgt.s32 v57, $0xFFFFFFFF;
	vm15 =	vlt.s32 v34, $0x14;
	v19 =	vor.u32 v2, v19;
	[tilespmem:v53+s30+$0x0] =	vst.idx.msk $0xffff, v11  }
0x19c: {  	v32 =	vcvt.s32.f32 v26;
	v8 =	vadd.s32 v3, v23;
	v7 =	vor.u32 v2, v20;
	v13 =	vld.idx.msk [tilespmem:v13+s28+$0x0], $0xffff  }
0x19d: {  	v36 =	vnsel vm8, $0x13, v34;
	v8 =	vor.u32 v2, v8;
	v20 =	vadd.s32 v3, v33;
	v12 =	vld.idx.msk [tilespmem:v58+s28+$0x0], $0xffff  }
0x19e: {  	vm13 =	vlt.s32 v28, $0x14;
	v9 =	vshll.u32 v27, $0x7;
	v35 =	vor.u32 v2, v20;
	v6 =	vld.idx.msk [tilespmem:v6+s28+$0x0], $0xffff  }
0x19f: {  	v38 =	vshll.u32 v36, $0x7;
	v5 =	vsub.f32 v5, v32;
	v9 =	vadd.s32 v3, v9;
	v37 =	vld.idx.msk [tilespmem:v17+s28+$0x0], $0xffff  }
0x1a0: {  	v43 =	vadd.s32 $0x8700, v4;
	v52 =	vadd.s32 $0x9B00, v4;
	v9 =	vor.u32 v2, v9;
	v19 =	vld.idx.msk [tilespmem:v19+s28+$0x0], $0xffff  }
0x1a1: {  	v39 =	vsub.f32 $1.000000000e+00, v5;
	v48 =	vadd.s32 $0x9100, v4;
	v3 =	vadd.s32 v3, v38;
	v7 =	vld.idx.msk [tilespmem:v7+s28+$0x0], $0xffff  }
0x1a2: {  	v50 =	vadd.s32 $0x9600, v4;
	v3 =	vor.u32 v2, v3;
	v8 =	vld.idx.msk [tilespmem:v8+s28+$0x0], $0xffff;
	v13 =	vnsel vm6, $0x0, v13  }
0x1a3: {  	v40 =	vld.idx.msk [tilespmem:v35+s28+$0x0], $0xffff;
	v12 =	vnsel vm7, $0x0, v12;
	v6 =	vnsel vm9, $0x0, v6;
	v41 =	vmul.f32 v13, v39  }
0x1a4: {  	v16 =	vnsel vm13, $0x0, v37;
	v42 =	vmul.f32 v12, v5;
	v12 =	vmul.f32 v12, v39  }
0x1a5: {  	v9 =	vld.idx.msk [tilespmem:v9+s28+$0x0], $0xffff;
	v45 =	vnsel vm14, $0x0, v19;
	v44 =	vmul.f32 v6, v5;
	v6 =	vmul.f32 v6, v39  }
0x1a6: {  	v58 =	vmul.f32 v16, v5;
	v60 =	vmul.f32 v16, v39;
	v7 =	vnsel vm10, $0x0, v7  }
0x1a7: {  	v61 =	vmul.f32 v45, v5;
	v8 =	vnsel vm11, $0x0, v8;
	v47 =	vmul.f32 v7, v5  }
0x1a8: {  	v3 =	vld.idx.msk [tilespmem:v3+s28+$0x0], $0xffff;
	v11 =	vadd.f32 v42, v41;
	v7 =	vmul.f32 v7, v39;
	v49 =	vmul.f32 v40, v5  }
0x1a9: {  	v12 =	vadd.f32 v44, v12;
	v10 =	vmul.f32 v40, v39;
	v51 =	vmul.f32 v8, v5  }
0x1aa: {  	v8 =	vmul.f32 v8, v39;
	v9 =	vnsel vm12, $0x0, v9;
	[tilespmem:v43+s30+$0x0] =	vst.idx.msk $0xffff, v11;
	v6 =	vadd.f32 v47, v6  }
0x1ab: {  	v56 =	vadd.s32 $0xA500, v4;
	v7 =	vadd.f32 v49, v7;
	v53 =	vmul.f32 v9, v5;
	[tilespmem:v46+s30+$0x0] =	vst.idx.msk $0xffff, v12  }
0x1ac: {  	v4 =	vadd.s32 $0xAF00, v4;
	v55 =	vadd.f32 v51, v10;
	v57 =	vmul.f32 v9, v39;
	[tilespmem:v48+s30+$0x0] =	vst.idx.msk $0xffff, v6  }
0x1ad: {  	p0 =	sne.s32 s11, $0x70;
	v62 =	vmul.f32 v45, v39;
	v3 =	vnsel vm15, $0x0, v3;
	v8 =	vadd.f32 v53, v8;
	[tilespmem:v50+s30+$0x0] =	vst.idx.msk $0xffff, v7  }
.Ltmp1:
0x1ae: {  	v3 =	vmul.f32 v3, v5;
	v7 =	vadd.f32 v58, v57;
	[tilespmem:v52+s30+$0x0] =	vst.idx.msk $0xffff, v55;
	(pc) =	sbr.rel @p0 .LBB2_5-.Ltmp1, $4  }
0x1af: {  	v63 =	vadd.f32 v61, v60;
	[tilespmem:v54+s30+$0x0] =	vst.idx.msk $0xffff, v8  }
0x1b0: {  	v3 =	vadd.f32 v3, v62;
	[tilespmem:v56+s30+$0x0] =	vst.idx.msk $0xffff, v7  }
0x1b1: {  	[tilespmem:v59+s30+$0x0] =	vst.idx.msk $0xffff, v63  }
0x1b2: {  	s8 =	sadd.s32 $0x10, s8;
	s11 =	sadd.s32 $0x10, s11;
	[tilespmem:v4+s30+$0x0] =	vst.idx.msk $0xffff, v3  }
0x1b3: {  	s0 =	sand.u32 $0xFF, s10  }
0x1b4: {  	p0 =	sne.s32 s0, $0x4  }
0x1b5: {  	s0 =	smulhi.u32 @!p0 $0xCCCCCCCD, s9;
	_ =	sdelay $0x1  }
0x1b6: {  	s4 =	simm.s32 @!p0 $0x8;
	s8 =	simm.s32 @!p0 $0x80;
	s0 =	sshrl.u32 @!p0 s0, $0x2  }
0x1b7: {  	s10 =	simm.s32 @!p0 $0x14400;
	s9 =	sadd.s32 $0x1, s9;
	s0 =	sadd.s32 @!p0 s15, s0  }
0x1b8: {  	[hbm4b:s0+s4] =	stream.strided.scatter @!p0 [tilespmem:s10], [sflag:$0x3], $0xB400, s8, s4, $0x38;
	[tilespmem:$0x1F800] =	vst v63  }
0x1b9: {  	p0 =	sne.s32 s9, $0x14  }
.Ltmp2:
0x1ba: {  	_ = 	snop;
	(pc) =	sbr.rel @p0 .LBB2_2-.Ltmp2, $2  }
0x1bb: {  	_ =	sdelay $0x2  }
0x1bc: {  	s14 =	sadd.s32 $0x100, s14;
	s16 =	sadd.s32 $0x100, s16  }
0x1bd: {  	s4 =	simm.s32 $0x3  }
0x1be: {  	_ =	swait.ge [sflag:s4], $0xB400  }
0x1bf: {  	s8 =	rddreg [dreg:$0xd]  }
0x1c0: {  	s0 =	rddreg [dreg:$0xc];
	s8 =	sadd.s32 $0x1, s8  }
0x1c1: {  	p0 =	sne.s32 s8, s0  }
.Ltmp3:
0x1c2: {  	_ = 	snop;
	(pc) =	sbr.rel @p0 .LBB2_1-.Ltmp3, $3  }
0x1c3: {  	_ =	sdelay $0x1  }
0x1c4: {  	[sflag:s4] =	ssyncset.done $0x0  }
0x1c5: {  	[sflag:s4] =	ssyncadd.s32 $0xFFFF4C00  }
0x1c6: {  	_ =	sfence.sel $0x180000  }
0x1c7: {  	[bflag:$0x0] =	sbarrier.arrive $0xFFFF  }
0x1c8: {  	_ =	strace $0x90000047  }
0x1c9: {  	s0 =	stileid.u32;
	[bflag:$0x2] =	sbarrier.arrive $0xFFFF  }
0x1ca: {  	p0 =	sne.s32 s0, $0x0;
	s0 =	rddreg [dreg:$0x6]  }
0x1cb: {  	s0 =	sadd.s32 @!p0 $0x100000, s0  }
0x1cc: {  	[sflag:s0] =	ssyncadd.tile.s32 @!p0 $0x1;
	_ =	shalt  }
.Lfunc_end2:
_tile_overlayer_lowered:
.L_overlay_start_2:
0x1cd: {  	(tag) =	ssettag $0x2  }
0x1ce: {  	s0 =	rddreg [dreg:$0x0];
	s2 =	stileid.u32  }
0x1cf: {  	s1 =	rddreg [dreg:$0x1];
	p0 =	sne.s32 s2, $0x0  }
0x1d0: {  	s3 =	rddreg [dreg:$0x2];
	[bflag:$0x3] =	sbarrier.arrive $0xFFFF;
	s2 =	simm.s32 @!p0 $0x1C04  }
0x1d1: {  	[timem:s3], [sflag:s2] =	dma.local @!p0 [hbm:s0], s1  }
0x1d2: {  	s0 =	simm.s32 @!p0 $0x4  }
0x1d3: {  	_ =	swait.ge @!p0 [sflag:s0], s1  }
0x1d4: {  	s1 =	ssub.s32 @!p0 $0x0, s1;
	[sflag:s0] =	ssyncset.done @!p0 $0x0  }
0x1d5: {  	[sflag:s0] =	ssyncadd.s32 @!p0 s1  }
0x1d6: {  	[bflag:$0x3] =	sbarrier.arrive $0xFFFF  }
0x1d7: {  	_ =	shalt  }

</sc_bundles>
